<compile_context>
chip_gen: v7x
topology: tpu7x:2x2x1
jax: 0.10.2.dev20260603
libtpu: 0.0.44.dev20260713+nightly
codegen_flags: <defaults>
</compile_context>

<pallas_src>
import functools

import jax
import jax.numpy as jnp
from jax import lax
from jax.experimental import pallas as pl
from jax.experimental.pallas import tpu as pltpu
from jax.experimental.pallas import tpu_sc as plsc

NUM_ENT = 50000
NUM_REL = 474
D = 128
NODE_D = 32
B = 128
NB = 10
THRESH = 1373

VOCAB_CHUNK = 8192

_G = 16
_NG = B // _G
_JSETS = ((0, 1, 2), (3, 4), (5, 6), (7, 8, 9))


def _nbr_fetch(src, t_flat):
    mesh = plsc.VectorSubcoreMesh(core_axis_name="c", subcore_axis_name="s",
                                  num_cores=2, num_subcores=16)

    @functools.partial(
        pl.kernel,
        out_type=jax.ShapeDtypeStruct((NB, B), jnp.int32),
        mesh=mesh,
        compiler_params=pltpu.CompilerParams(use_tc_tiling_on_sc=False),
        scratch_types=[
            pltpu.VMEM((_G,), jnp.int32),
            pltpu.VMEM((NB, _G), jnp.int32),
            pltpu.SemaphoreType.DMA,
            pltpu.SemaphoreType.DMA,
        ],
    )
    def k(src_h, tflat_h, nbr_out, src_v, out_v, sem, sem2):
        wid = lax.axis_index("s") * 2 + lax.axis_index("c")

        @pl.when(wid < _NG)
        def _():
            base = wid * _G
            pltpu.sync_copy(src_h.at[pl.ds(base, _G)], src_v)
            s = src_v[...]
            cps = [pltpu.async_copy(tflat_h.at[s + j * NUM_ENT],
                                    out_v.at[j], sem)
                   for j in range(NB)]
            for c in cps:
                c.wait()
            ocs = [pltpu.async_copy(out_v.at[j],
                                    nbr_out.at[j, pl.ds(base, _G)], sem2)
                   for j in range(NB)]
            for c in ocs:
                c.wait()

    return k(src, t_flat)


def _gather_stage(src, rel, nbrT, ent_embed, rel_embed):
    mesh = plsc.VectorSubcoreMesh(core_axis_name="c", subcore_axis_name="s",
                                  num_cores=2, num_subcores=16)
    f32 = jnp.float32

    @functools.partial(
        pl.kernel,
        out_type=[
            jax.ShapeDtypeStruct((B, D), f32),
            jax.ShapeDtypeStruct((B, D), f32),
            jax.ShapeDtypeStruct((B, D), f32),
            jax.ShapeDtypeStruct((B, D), f32),
            jax.ShapeDtypeStruct((B, D), f32),
            jax.ShapeDtypeStruct((B, D), f32),
            jax.ShapeDtypeStruct((4, B), f32),
        ],
        mesh=mesh,
        scratch_types=[
            pltpu.VMEM((_G,), jnp.int32),
            pltpu.VMEM((_G, D), f32),
            pltpu.VMEM((_G,), jnp.int32),
            pltpu.VMEM((_G,), jnp.int32),
            pltpu.VMEM((_G,), jnp.int32),
            pltpu.VMEM((3, _G, D), f32),
            pltpu.VMEM((_G, D), f32),
            pltpu.VMEM((_G,), f32),
            pltpu.SemaphoreType.DMA,
            pltpu.SemaphoreType.DMA,
        ],
    )
    def k(src_h, rel_h, tT_h, ent_h, relemb_h,
          h_out, r_out, es0_out, es1_out, es2_out, es3_out, cnt4_out,
          id_v, hr_v, ix0, ix1, ix2, g_v, es_v, cnt_v, sem, sem2):
        wid = lax.axis_index("s") * 2 + lax.axis_index("c")
        grp = wid // 4
        role = wid % 4
        base = grp * _G
        ixs = (ix0, ix1, ix2)
        es_outs = (es0_out, es1_out, es2_out, es3_out)
        id_hs = (None, src_h, rel_h, None)
        emb_hs = (None, ent_h, relemb_h, None)
        row_outs = (None, h_out, r_out, None)

        for rr in range(4):
            @pl.when(role == rr)
            def _(rr=rr):
                jset = _JSETS[rr]
                icps = [pltpu.async_copy(tT_h.at[j, pl.ds(base, _G)],
                                         ixs[kk], sem2)
                        for kk, j in enumerate(jset)]
                if id_hs[rr] is not None:
                    icps.append(pltpu.async_copy(
                        id_hs[rr].at[pl.ds(base, _G)], id_v, sem2))
                for c in icps:
                    c.wait()
                cps = [pltpu.async_copy(ent_h.at[ixs[kk]], g_v.at[kk], sem)
                       for kk in range(len(jset))]
                if id_hs[rr] is not None:
                    cps.append(pltpu.async_copy(
                        emb_hs[rr].at[id_v], hr_v, sem))
                cnt = jnp.where(ix0[...] >= THRESH, 1.0, 0.0)
                for kk in range(1, len(jset)):
                    cnt = cnt + jnp.where(ixs[kk][...] >= THRESH, 1.0, 0.0)
                cnt_v[...] = cnt
                for c in cps:
                    c.wait()

                nj = len(jset)

                def acc_body(i, c):
                    for c8 in range(D // 16):
                        sl = pl.ds(c8 * 16, 16)
                        a = g_v[0, i, sl]
                        for kk in range(1, nj):
                            a = a + g_v[kk, i, sl]
                        es_v[i, sl] = a
                    return c
                lax.fori_loop(0, _G, acc_body, 0)

                ocs = [pltpu.async_copy(es_v, es_outs[rr].at[pl.ds(base, _G)],
                                        sem2),
                       pltpu.async_copy(
                           cnt_v, cnt4_out.at[rr, pl.ds(base, _G)], sem2)]
                if id_hs[rr] is not None:
                    ocs.append(pltpu.async_copy(
                        hr_v, row_outs[rr].at[pl.ds(base, _G)], sem2))
                for c in ocs:
                    c.wait()

    return k(src, rel, nbrT, ent_embed, rel_embed)


def _dense_body(h_ref, r_ref, e0_ref, e1_ref, e2_ref, e3_ref,
                cnt4_ref, w_ref, bias_ref, wv_ref,
                f1_ref, b1_ref, f2_ref, b2_ref, ent_ref,
                yct_ref, out_s):
    rhs_t = (((1,), (1,)), ((), ()))
    @pl.when(pl.program_id(0) == 0)
    def _():
        e_sum = e0_ref[...] + e1_ref[...] + e2_ref[...] + e3_ref[...]
        cnt_row = jnp.sum(cnt4_ref[...], axis=0, keepdims=True)
        node_v = jax.lax.dot_general(cnt_row, w_ref[...],
                                     (((0,), (0,)), ((), ())),
                                     preferred_element_type=jnp.float32)
        e_pad = jnp.concatenate(
            [e_sum, jnp.zeros((B, NODE_D), jnp.float32)], axis=1)
        V = (h_ref[...]
             + jax.lax.dot_general(e_pad, wv_ref[...], rhs_t,
                                   preferred_element_type=jnp.float32)
             + node_v + bias_ref[...])
        z = jnp.concatenate([V, r_ref[...]], axis=1)
        z1 = jnp.maximum(
            jax.lax.dot_general(z, f1_ref[...], rhs_t,
                                preferred_element_type=jnp.float32)
            + b1_ref[...], 0.0)
        out_s[...] = (jax.lax.dot_general(z1, f2_ref[...], rhs_t,
                                          preferred_element_type=jnp.float32)
                      + b2_ref[...])

    logits = jax.lax.dot_general(ent_ref[...], out_s[...],
                                 (((1,), (1,)), ((), ())),
                                 preferred_element_type=jnp.float32)
    yct_ref[...] = jax.nn.sigmoid(logits)


def _dense_stage(h_emb, r_emb, es_parts, cnt4, nod_embed, WV, bV,
                 fc1_w, fc1_b, fc2_w, fc2_b, ent_embed):
    WVnT = WV[:, D:].T
    w_row = ((nod_embed[1] - nod_embed[0]) @ WVnT).reshape(1, D)
    bias_row = (NB * (nod_embed[0] @ WVnT + bV)).reshape(1, D)
    n_chunks = pl.cdiv(NUM_ENT, VOCAB_CHUNK)
    const = lambda shape: pl.BlockSpec(shape, lambda i: (0, 0))
    return pl.pallas_call(
        _dense_body,
        grid=(n_chunks,),
        in_specs=[
            const((B, D)),
            const((B, D)),
            const((B, D)), const((B, D)), const((B, D)), const((B, D)),
            const((4, B)),
            const((1, D)),
            const((1, D)),
            const((D, D + NODE_D)),
            const((D, 2 * D)),
            const((1, D)),
            const((D, D)),
            const((1, D)),
            pl.BlockSpec((VOCAB_CHUNK, D), lambda i: (i, 0)),
        ],
        out_specs=pl.BlockSpec((VOCAB_CHUNK, B), lambda i: (i, 0)),
        out_shape=jax.ShapeDtypeStruct((NUM_ENT, B), jnp.float32),
        scratch_shapes=[pltpu.VMEM((B, D), jnp.float32)],
    )(h_emb, r_emb, *es_parts, cnt4, w_row, bias_row,
      WV, fc1_w, fc1_b.reshape(1, D),
      fc2_w, fc2_b.reshape(1, D), ent_embed)


def kernel(src, rel, t_idxs, ent_embed, rel_embed, nod_embed,
           WQ, bQ, WK, bK, WV, bV, fc1_w, fc1_b, fc2_w, fc2_b):
    nbrT = _nbr_fetch(src, t_idxs.T.reshape(-1))
    outs = _gather_stage(src, rel, nbrT, ent_embed, rel_embed)
    h_emb, r_emb = outs[0], outs[1]
    es_parts, cnt4 = outs[2:6], outs[6]
    yct = _dense_stage(h_emb, r_emb, es_parts, cnt4, nod_embed,
                       WV, bV, fc1_w, fc1_b, fc2_w, fc2_b, ent_embed)
    return yct.T

# --- scband reference (transcript-rebuilt; emitter-appended) ---
"""Pipeline reference for scband-ecst-85856396247628 (READ-ONLY COPY).

The authoritative reference and input builder live on the scoring server;
editing this copy changes nothing except your own understanding.
"""

import jax, jax.numpy as jnp
import numpy as np

NUM_ENT = 50000
NUM_REL = 474
D = 128
NODE_D = 32
B = 128
NB = 10
THRESH = 1373


def _xavier(key, shape):
    fan_out, fan_in = shape
    std = (2.0 / (fan_in + fan_out)) ** 0.5
    return (jax.random.normal(key, shape) * std).astype(jnp.float32)


def setup_inputs(seed: int = 0):
    key = jax.random.key(seed)
    ks = jax.random.split(key, 12)
    inp = {}
    inp["src"] = jax.random.randint(ks[0], (B,), 0, NUM_ENT)
    inp["rel"] = jax.random.randint(ks[1], (B,), 0, NUM_REL)
    inp["t_idxs"] = jax.random.randint(ks[2], (NUM_ENT, NB), 0, NUM_ENT)
    inp["ent_embed"] = _xavier(ks[3], (NUM_ENT, D))
    inp["rel_embed"] = _xavier(ks[4], (NUM_REL, D))
    inp["nod_embed"] = _xavier(ks[5], (2, NODE_D))
    inp["WQ"] = _xavier(ks[6], (128, 2 * D + NODE_D))
    inp["bQ"] = jnp.zeros((128,), jnp.float32)
    inp["WK"] = _xavier(ks[7], (128, D + NODE_D))
    inp["bK"] = jnp.zeros((128,), jnp.float32)
    inp["WV"] = _xavier(ks[8], (128, D + NODE_D))
    inp["bV"] = jnp.zeros((128,), jnp.float32)
    inp["fc1_w"] = _xavier(ks[9], (D, 2 * D))
    inp["fc1_b"] = jnp.zeros((D,), jnp.float32)
    inp["fc2_w"] = _xavier(ks[10], (D, D))
    inp["fc2_b"] = jnp.zeros((D,), jnp.float32)
    return inp


def reference(src, rel, t_idxs, ent_embed, rel_embed, nod_embed, WQ, bQ, WK, bK, WV, bV, fc1_w, fc1_b, fc2_w, fc2_b):
    # gengxin(src): neighbor-attention update of source entity embeddings
    nbrs = jnp.take(t_idxs, src, axis=0)                               # [B, NB]
    h_emb = jnp.take(ent_embed, src, axis=0)                           # [B, D]
    n_emb_h = jnp.take(nod_embed, (src >= THRESH).astype(jnp.int32), axis=0)  # [B, 32]
    r_idx = jnp.where(src[:, None] < THRESH,
                      jnp.where(nbrs < THRESH, 0, 2),
                      jnp.where(nbrs < THRESH, 3, 1))                  # [B, NB]
    r_emb = jnp.take(rel_embed, r_idx, axis=0)                         # [B, NB, D]
    b = jnp.concatenate([
        jnp.broadcast_to(h_emb[:, None, :], (B, NB, D)),
        jnp.broadcast_to(n_emb_h[:, None, :], (B, NB, NODE_D)),
        r_emb,
    ], axis=-1)                                                        # [B, NB, 288]
    q = b @ WQ.T + bQ                                                  # [B, NB, 128]
    tn = jnp.concatenate([
        jnp.take(ent_embed, nbrs, axis=0),
        jnp.take(nod_embed, (nbrs >= THRESH).astype(jnp.int32), axis=0),
    ], axis=-1)                                                        # [B, NB, 160]
    k = tn @ WK.T + bK                                                 # [B, NB, 128]
    v = tn @ WV.T + bV                                                 # [B, NB, 128]
    qk = q @ jnp.swapaxes(k, -1, -2)                                   # [B, NB, NB]
    a = jnp.diagonal(qk, axis1=1, axis2=2)[:, None, :]                 # [B, 1, NB]
    att = jax.nn.softmax(a / jnp.sqrt(jnp.float32(128.0)), axis=1)     # softmax over size-1 dim (faithful to original)
    V_src = h_emb + jnp.squeeze(att @ v, axis=1)                       # [B, D]
    # pred(src, rel); dropout is identity in eval mode
    z = jnp.concatenate([V_src, jnp.take(rel_embed, rel, axis=0)], axis=1)  # [B, 2D]
    h1 = jax.nn.relu(z @ fc1_w.T + fc1_b)
    out = h1 @ fc2_w.T + fc2_b                                          # [B, D]
    yc = jax.nn.sigmoid(out @ ent_embed.T)                              # [B, NUM_ENT]
    return yc

if __name__ == "__main__":
    import jax
    _d = setup_inputs()
    print(jax.jit(kernel)(*tuple(_d.values())))

</pallas_src>

<mosaic_0001>
#map = affine_map<(d0, d1) -> (0)>
#map1 = affine_map<(d0, d1) -> (0, 0)>
module attributes {stable_mosaic.version = 14 : i64} {
  func.func @k(%arg0: i32, %arg1: i32, %arg2: memref<128xi32, #tpu.memory_space<hbm>>, %arg3: memref<128xi32, #tpu.memory_space<hbm>>, %arg4: memref<10x128xi32, #tpu.memory_space<hbm>>, %arg5: memref<50000x128xf32, #tpu.memory_space<hbm>>, %arg6: memref<474x128xf32, #tpu.memory_space<hbm>>, %arg7: memref<128x128xf32, #tpu.memory_space<hbm>>, %arg8: memref<128x128xf32, #tpu.memory_space<hbm>>, %arg9: memref<128x128xf32, #tpu.memory_space<hbm>>, %arg10: memref<128x128xf32, #tpu.memory_space<hbm>>, %arg11: memref<128x128xf32, #tpu.memory_space<hbm>>, %arg12: memref<128x128xf32, #tpu.memory_space<hbm>>, %arg13: memref<4x128xf32, #tpu.memory_space<hbm>>, %arg14: memref<16xi32, #tpu.memory_space<vmem>>, %arg15: memref<16x128xf32, #tpu.memory_space<vmem>>, %arg16: memref<16xi32, #tpu.memory_space<vmem>>, %arg17: memref<16xi32, #tpu.memory_space<vmem>>, %arg18: memref<16xi32, #tpu.memory_space<vmem>>, %arg19: memref<3x16x128xf32, #tpu.memory_space<vmem>>, %arg20: memref<16x128xf32, #tpu.memory_space<vmem>>, %arg21: memref<16xf32, #tpu.memory_space<vmem>>, %arg22: memref<!tpu.dma_semaphore, #tpu.memory_space<semaphore_mem>>, %arg23: memref<!tpu.dma_semaphore, #tpu.memory_space<semaphore_mem>>) attributes {dimension_semantics = [#tpu.dimension_semantics<core_parallel>, #tpu.dimension_semantics<subcore_parallel>], iteration_bounds = array<i64: 2, 16>, scalar_prefetch = 0 : i64, scratch_operands = 10 : i64, tpu.core_type = #tpu.core_type<sc_vector_subcore>, window_params = [{transform_indices = #map}, {transform_indices = #map}, {transform_indices = #map1}, {transform_indices = #map1}, {transform_indices = #map1}, {transform_indices = #map1}, {transform_indices = #map1}, {transform_indices = #map1}, {transform_indices = #map1}, {transform_indices = #map1}, {transform_indices = #map1}, {transform_indices = #map1}]} {
    %mul3A = arith.constant 2 : i32
    %mul3A_0 = arith.muli %arg1, %mul3A : i32
    %add3A = arith.addi %mul3A_0, %arg0 : i32
    %jit3A = arith.constant 4 : i32
    %div3A = arith.divsi %add3A, %jit3A : i32
    %sign3A = arith.constant 0 : i32
    %sign3A_1 = arith.cmpi sgt, %add3A, %sign3A : i32
    %sign3A_2 = arith.extui %sign3A_1 : i1 to i32
    %sign3A_3 = arith.constant 0 : i32
    %sign3A_4 = arith.cmpi slt, %add3A, %sign3A_3 : i32
    %sign3A_5 = arith.extui %sign3A_4 : i1 to i32
    %sign3A_6 = arith.subi %sign3A_2, %sign3A_5 : i32
    %sign3A_7 = arith.constant 0 : i32
    %sign3A_8 = arith.cmpi sgt, %jit3A, %sign3A_7 : i32
    %sign3A_9 = arith.extui %sign3A_8 : i1 to i32
    %sign3A_10 = arith.constant 0 : i32
    %sign3A_11 = arith.cmpi slt, %jit3A, %sign3A_10 : i32
    %sign3A_12 = arith.extui %sign3A_11 : i1 to i32
    %sign3A_13 = arith.subi %sign3A_9, %sign3A_12 : i32
    %ne3A = arith.cmpi ne, %sign3A_6, %sign3A_13 : i32
    %rem3A = arith.remsi %add3A, %jit3A : i32
    %ne3A_14 = arith.constant 0 : i32
    %ne3A_15 = arith.cmpi ne, %rem3A, %ne3A_14 : i32
    %and3A = arith.andi %ne3A, %ne3A_15 : i1
    %sub3A = arith.constant 1 : i32
    %sub3A_16 = arith.subi %div3A, %sub3A : i32
    %select_n3A = arith.select %and3A, %sub3A_16, %div3A : i32
    %jit3A_17 = arith.constant 4 : i32
    %eq3A = arith.constant 0 : i32
    %eq3A_18 = arith.cmpi eq, %jit3A_17, %eq3A : i32
    %jit3A_19 = arith.constant 1 : i32
    %select_n3A_20 = arith.select %eq3A_18, %jit3A_19, %jit3A_17 : i32
    %rem3A_21 = arith.remsi %add3A, %select_n3A_20 : i32
    %ne3A_22 = arith.constant 0 : i32
    %ne3A_23 = arith.cmpi ne, %rem3A_21, %ne3A_22 : i32
    %lt3A = arith.constant 0 : i32
    %lt3A_24 = arith.cmpi slt, %rem3A_21, %lt3A : i32
    %lt3A_25 = arith.constant 0 : i32
    %lt3A_26 = arith.cmpi slt, %select_n3A_20, %lt3A_25 : i32
    %ne3A_27 = arith.xori %lt3A_24, %lt3A_26 : i1
    %and3A_28 = arith.andi %ne3A_27, %ne3A_23 : i1
    %add3A_29 = arith.addi %rem3A_21, %select_n3A_20 : i32
    %select_n3A_30 = arith.select %and3A_28, %add3A_29, %rem3A_21 : i32
    %mul3A_31 = arith.constant 16 : i32
    %mul3A_32 = arith.muli %select_n3A, %mul3A_31 : i32
    %eq3A_33 = arith.constant 0 : i32
    %eq3A_34 = arith.cmpi eq, %select_n3A_30, %eq3A_33 : i32
    %convert_element_type3A = arith.extui %eq3A_34 : i1 to i32
    %cond3A = arith.constant 0 : i32
    %cond3A_35 = arith.cmpi ne, %convert_element_type3A, %cond3A : i32
    scf.if %cond3A_35 {
      %dma_start3A = arith.constant 0 : i32
      %dma_start3A_51 = tpu.memref_slice %arg4[%dma_start3A, %mul3A_32] : memref<10x128xi32, #tpu.memory_space<hbm>> -> memref<1x16xi32, #tpu.memory_space<hbm>>
      %dma_start3A_52 = tpu.memref_squeeze %dma_start3A_51 : memref<1x16xi32, #tpu.memory_space<hbm>> -> memref<16xi32, #tpu.memory_space<hbm>>
      %dma_start3A_53 = tpu.memref_slice %arg4[%dma_start3A, %mul3A_32] : memref<10x128xi32, #tpu.memory_space<hbm>> -> memref<1x16xi32, #tpu.memory_space<hbm>>
      %dma_start3A_54 = tpu.memref_squeeze %dma_start3A_53 : memref<1x16xi32, #tpu.memory_space<hbm>> -> memref<16xi32, #tpu.memory_space<hbm>>
      tpu.enqueue_dma source(%dma_start3A_54 : memref<16xi32, #tpu.memory_space<hbm>>) target(%arg16 : memref<16xi32, #tpu.memory_space<vmem>>) target_semaphore(%arg23 : memref<!tpu.dma_semaphore, #tpu.memory_space<semaphore_mem>>)
      %dma_start3A_55 = arith.constant 1 : i32
      %dma_start3A_56 = tpu.memref_slice %arg4[%dma_start3A_55, %mul3A_32] : memref<10x128xi32, #tpu.memory_space<hbm>> -> memref<1x16xi32, #tpu.memory_space<hbm>>
      %dma_start3A_57 = tpu.memref_squeeze %dma_start3A_56 : memref<1x16xi32, #tpu.memory_space<hbm>> -> memref<16xi32, #tpu.memory_space<hbm>>
      %dma_start3A_58 = tpu.memref_slice %arg4[%dma_start3A_55, %mul3A_32] : memref<10x128xi32, #tpu.memory_space<hbm>> -> memref<1x16xi32, #tpu.memory_space<hbm>>
      %dma_start3A_59 = tpu.memref_squeeze %dma_start3A_58 : memref<1x16xi32, #tpu.memory_space<hbm>> -> memref<16xi32, #tpu.memory_space<hbm>>
      tpu.enqueue_dma source(%dma_start3A_59 : memref<16xi32, #tpu.memory_space<hbm>>) target(%arg17 : memref<16xi32, #tpu.memory_space<vmem>>) target_semaphore(%arg23 : memref<!tpu.dma_semaphore, #tpu.memory_space<semaphore_mem>>)
      %dma_start3A_60 = arith.constant 2 : i32
      %dma_start3A_61 = tpu.memref_slice %arg4[%dma_start3A_60, %mul3A_32] : memref<10x128xi32, #tpu.memory_space<hbm>> -> memref<1x16xi32, #tpu.memory_space<hbm>>
      %dma_start3A_62 = tpu.memref_squeeze %dma_start3A_61 : memref<1x16xi32, #tpu.memory_space<hbm>> -> memref<16xi32, #tpu.memory_space<hbm>>
      %dma_start3A_63 = tpu.memref_slice %arg4[%dma_start3A_60, %mul3A_32] : memref<10x128xi32, #tpu.memory_space<hbm>> -> memref<1x16xi32, #tpu.memory_space<hbm>>
      %dma_start3A_64 = tpu.memref_squeeze %dma_start3A_63 : memref<1x16xi32, #tpu.memory_space<hbm>> -> memref<16xi32, #tpu.memory_space<hbm>>
      tpu.enqueue_dma source(%dma_start3A_64 : memref<16xi32, #tpu.memory_space<hbm>>) target(%arg18 : memref<16xi32, #tpu.memory_space<vmem>>) target_semaphore(%arg23 : memref<!tpu.dma_semaphore, #tpu.memory_space<semaphore_mem>>)
      %dma_wait3A = arith.constant 0 : i32
      %dma_wait3A_65 = tpu.memref_slice %arg4[%dma_wait3A, %mul3A_32] : memref<10x128xi32, #tpu.memory_space<hbm>> -> memref<1x16xi32, #tpu.memory_space<hbm>>
      %dma_wait3A_66 = tpu.memref_squeeze %dma_wait3A_65 : memref<1x16xi32, #tpu.memory_space<hbm>> -> memref<16xi32, #tpu.memory_space<hbm>>
      %dma_wait3A_67 = tpu.memref_slice %arg4[%dma_wait3A, %mul3A_32] : memref<10x128xi32, #tpu.memory_space<hbm>> -> memref<1x16xi32, #tpu.memory_space<hbm>>
      %dma_wait3A_68 = tpu.memref_squeeze %dma_wait3A_67 : memref<1x16xi32, #tpu.memory_space<hbm>> -> memref<16xi32, #tpu.memory_space<hbm>>
      tpu.wait_dma2 semaphore(%arg23 : memref<!tpu.dma_semaphore, #tpu.memory_space<semaphore_mem>>) src(%dma_wait3A_68 : memref<16xi32, #tpu.memory_space<hbm>>) dst(%arg16 : memref<16xi32, #tpu.memory_space<vmem>>)
      %dma_wait3A_69 = arith.constant 1 : i32
      %dma_wait3A_70 = tpu.memref_slice %arg4[%dma_wait3A_69, %mul3A_32] : memref<10x128xi32, #tpu.memory_space<hbm>> -> memref<1x16xi32, #tpu.memory_space<hbm>>
      %dma_wait3A_71 = tpu.memref_squeeze %dma_wait3A_70 : memref<1x16xi32, #tpu.memory_space<hbm>> -> memref<16xi32, #tpu.memory_space<hbm>>
      %dma_wait3A_72 = tpu.memref_slice %arg4[%dma_wait3A_69, %mul3A_32] : memref<10x128xi32, #tpu.memory_space<hbm>> -> memref<1x16xi32, #tpu.memory_space<hbm>>
      %dma_wait3A_73 = tpu.memref_squeeze %dma_wait3A_72 : memref<1x16xi32, #tpu.memory_space<hbm>> -> memref<16xi32, #tpu.memory_space<hbm>>
      tpu.wait_dma2 semaphore(%arg23 : memref<!tpu.dma_semaphore, #tpu.memory_space<semaphore_mem>>) src(%dma_wait3A_73 : memref<16xi32, #tpu.memory_space<hbm>>) dst(%arg17 : memref<16xi32, #tpu.memory_space<vmem>>)
      %dma_wait3A_74 = arith.constant 2 : i32
      %dma_wait3A_75 = tpu.memref_slice %arg4[%dma_wait3A_74, %mul3A_32] : memref<10x128xi32, #tpu.memory_space<hbm>> -> memref<1x16xi32, #tpu.memory_space<hbm>>
      %dma_wait3A_76 = tpu.memref_squeeze %dma_wait3A_75 : memref<1x16xi32, #tpu.memory_space<hbm>> -> memref<16xi32, #tpu.memory_space<hbm>>
      %dma_wait3A_77 = tpu.memref_slice %arg4[%dma_wait3A_74, %mul3A_32] : memref<10x128xi32, #tpu.memory_space<hbm>> -> memref<1x16xi32, #tpu.memory_space<hbm>>
      %dma_wait3A_78 = tpu.memref_squeeze %dma_wait3A_77 : memref<1x16xi32, #tpu.memory_space<hbm>> -> memref<16xi32, #tpu.memory_space<hbm>>
      tpu.wait_dma2 semaphore(%arg23 : memref<!tpu.dma_semaphore, #tpu.memory_space<semaphore_mem>>) src(%dma_wait3A_78 : memref<16xi32, #tpu.memory_space<hbm>>) dst(%arg18 : memref<16xi32, #tpu.memory_space<vmem>>)
      %dma_start3A_79 = arith.constant 0 : i32
      %dma_start3A_80 = arith.constant 0 : i32
      %dma_start3A_81 = arith.constant 0 : i32
      %dma_start3A_82 = tpu.memref_slice %arg19[%dma_start3A_79, %dma_start3A_80, %dma_start3A_81] : memref<3x16x128xf32, #tpu.memory_space<vmem>> -> memref<1x16x128xf32, #tpu.memory_space<vmem>>
      %dma_start3A_83 = tpu.memref_squeeze %dma_start3A_82 : memref<1x16x128xf32, #tpu.memory_space<vmem>> -> memref<16x128xf32, #tpu.memory_space<vmem>>
      %dma_start3A_84 = arith.constant 0 : i32
      %dma_start3A_85 = arith.constant 0 : i32
      %dma_start3A_86 = tpu.memref_slice %arg5[%dma_start3A_84, %dma_start3A_85] : memref<50000x128xf32, #tpu.memory_space<hbm>> -> memref<50000x128xf32, #tpu.memory_space<hbm>>
      tpu.enqueue_indirect_dma source(%dma_start3A_86 : memref<50000x128xf32, #tpu.memory_space<hbm>>) target(%dma_start3A_83 : memref<16x128xf32, #tpu.memory_space<vmem>>) offsets(%arg16 : memref<16xi32, #tpu.memory_space<vmem>>) semaphore(%arg22 : memref<!tpu.dma_semaphore, #tpu.memory_space<semaphore_mem>>)
      %dma_start3A_87 = arith.constant 1 : i32
      %dma_start3A_88 = arith.constant 0 : i32
      %dma_start3A_89 = arith.constant 0 : i32
      %dma_start3A_90 = tpu.memref_slice %arg19[%dma_start3A_87, %dma_start3A_88, %dma_start3A_89] : memref<3x16x128xf32, #tpu.memory_space<vmem>> -> memref<1x16x128xf32, #tpu.memory_space<vmem>>
      %dma_start3A_91 = tpu.memref_squeeze %dma_start3A_90 : memref<1x16x128xf32, #tpu.memory_space<vmem>> -> memref<16x128xf32, #tpu.memory_space<vmem>>
      %dma_start3A_92 = arith.constant 0 : i32
      %dma_start3A_93 = arith.constant 0 : i32
      %dma_start3A_94 = tpu.memref_slice %arg5[%dma_start3A_92, %dma_start3A_93] : memref<50000x128xf32, #tpu.memory_space<hbm>> -> memref<50000x128xf32, #tpu.memory_space<hbm>>
      tpu.enqueue_indirect_dma source(%dma_start3A_94 : memref<50000x128xf32, #tpu.memory_space<hbm>>) target(%dma_start3A_91 : memref<16x128xf32, #tpu.memory_space<vmem>>) offsets(%arg17 : memref<16xi32, #tpu.memory_space<vmem>>) semaphore(%arg22 : memref<!tpu.dma_semaphore, #tpu.memory_space<semaphore_mem>>)
      %dma_start3A_95 = arith.constant 2 : i32
      %dma_start3A_96 = arith.constant 0 : i32
      %dma_start3A_97 = arith.constant 0 : i32
      %dma_start3A_98 = tpu.memref_slice %arg19[%dma_start3A_95, %dma_start3A_96, %dma_start3A_97] : memref<3x16x128xf32, #tpu.memory_space<vmem>> -> memref<1x16x128xf32, #tpu.memory_space<vmem>>
      %dma_start3A_99 = tpu.memref_squeeze %dma_start3A_98 : memref<1x16x128xf32, #tpu.memory_space<vmem>> -> memref<16x128xf32, #tpu.memory_space<vmem>>
      %dma_start3A_100 = arith.constant 0 : i32
      %dma_start3A_101 = arith.constant 0 : i32
      %dma_start3A_102 = tpu.memref_slice %arg5[%dma_start3A_100, %dma_start3A_101] : memref<50000x128xf32, #tpu.memory_space<hbm>> -> memref<50000x128xf32, #tpu.memory_space<hbm>>
      tpu.enqueue_indirect_dma source(%dma_start3A_102 : memref<50000x128xf32, #tpu.memory_space<hbm>>) target(%dma_start3A_99 : memref<16x128xf32, #tpu.memory_space<vmem>>) offsets(%arg18 : memref<16xi32, #tpu.memory_space<vmem>>) semaphore(%arg22 : memref<!tpu.dma_semaphore, #tpu.memory_space<semaphore_mem>>)
      %get3A = arith.constant 0 : index
      %get3A_103 = tpu.vector_load %arg16[%get3A] {strides = array<i32>} : memref<16xi32, #tpu.memory_space<vmem>>, vector<16xi32>,
      %get3A_104 = vector.shape_cast %get3A_103 : vector<16xi32> to vector<16xi32>
      %ge3A = arith.constant 1373 : i32
      %ge3A_105 = vector.broadcast %ge3A : i32 to vector<16xi32>
      %ge3A_106 = arith.cmpi sge, %get3A_104, %ge3A_105 : vector<16xi32>
      %jit3A_107 = arith.constant 1.000000e+00 : f32
      %jit3A_108 = arith.constant 0.000000e+00 : f32
      %broadcast_in_dim3A = vector.broadcast %jit3A_107 : f32 to vector<16xf32>
      %broadcast_in_dim3A_109 = vector.broadcast %jit3A_108 : f32 to vector<16xf32>
      %select_n3A_110 = arith.select %ge3A_106, %broadcast_in_dim3A, %broadcast_in_dim3A_109 : vector<16xi1>, vector<16xf32>
      %get3A_111 = arith.constant 0 : index
      %get3A_112 = tpu.vector_load %arg17[%get3A_111] {strides = array<i32>} : memref<16xi32, #tpu.memory_space<vmem>>, vector<16xi32>,
      %get3A_113 = vector.shape_cast %get3A_112 : vector<16xi32> to vector<16xi32>
      %ge3A_114 = arith.constant 1373 : i32
      %ge3A_115 = vector.broadcast %ge3A_114 : i32 to vector<16xi32>
      %ge3A_116 = arith.cmpi sge, %get3A_113, %ge3A_115 : vector<16xi32>
      %jit3A_117 = arith.constant 1.000000e+00 : f32
      %jit3A_118 = arith.constant 0.000000e+00 : f32
      %broadcast_in_dim3A_119 = vector.broadcast %jit3A_117 : f32 to vector<16xf32>
      %broadcast_in_dim3A_120 = vector.broadcast %jit3A_118 : f32 to vector<16xf32>
      %select_n3A_121 = arith.select %ge3A_116, %broadcast_in_dim3A_119, %broadcast_in_dim3A_120 : vector<16xi1>, vector<16xf32>
      %add3A_122 = arith.addf %select_n3A_110, %select_n3A_121 : vector<16xf32>
      %get3A_123 = arith.constant 0 : index
      %get3A_124 = tpu.vector_load %arg18[%get3A_123] {strides = array<i32>} : memref<16xi32, #tpu.memory_space<vmem>>, vector<16xi32>,
      %get3A_125 = vector.shape_cast %get3A_124 : vector<16xi32> to vector<16xi32>
      %ge3A_126 = arith.constant 1373 : i32
      %ge3A_127 = vector.broadcast %ge3A_126 : i32 to vector<16xi32>
      %ge3A_128 = arith.cmpi sge, %get3A_125, %ge3A_127 : vector<16xi32>
      %jit3A_129 = arith.constant 1.000000e+00 : f32
      %jit3A_130 = arith.constant 0.000000e+00 : f32
      %broadcast_in_dim3A_131 = vector.broadcast %jit3A_129 : f32 to vector<16xf32>
      %broadcast_in_dim3A_132 = vector.broadcast %jit3A_130 : f32 to vector<16xf32>
      %select_n3A_133 = arith.select %ge3A_128, %broadcast_in_dim3A_131, %broadcast_in_dim3A_132 : vector<16xi1>, vector<16xf32>
      %add3A_134 = arith.addf %add3A_122, %select_n3A_133 : vector<16xf32>
      %swap3A = arith.constant 0 : index
      %swap3A_135 = tpu.vector_load %arg21[%swap3A] {strides = array<i32>} : memref<16xf32, #tpu.memory_space<vmem>>, vector<16xf32>,
      %swap3A_136 = vector.shape_cast %swap3A_135 : vector<16xf32> to vector<16xf32>
      %swap3A_137 = vector.shape_cast %add3A_134 : vector<16xf32> to vector<16xf32>
      tpu.vector_store %arg21[%swap3A], %swap3A_137 {strides = array<i32>} : memref<16xf32, #tpu.memory_space<vmem>>, vector<16xf32>,
      %dma_wait3A_138 = arith.constant 0 : i32
      %dma_wait3A_139 = arith.constant 0 : i32
      %dma_wait3A_140 = arith.constant 0 : i32
      %dma_wait3A_141 = tpu.memref_slice %arg19[%dma_wait3A_138, %dma_wait3A_139, %dma_wait3A_140] : memref<3x16x128xf32, #tpu.memory_space<vmem>> -> memref<1x16x128xf32, #tpu.memory_space<vmem>>
      %dma_wait3A_142 = tpu.memref_squeeze %dma_wait3A_141 : memref<1x16x128xf32, #tpu.memory_space<vmem>> -> memref<16x128xf32, #tpu.memory_space<vmem>>
      %dma_wait3A_143 = arith.constant 0 : i32
      %dma_wait3A_144 = arith.constant 0 : i32
      %dma_wait3A_145 = tpu.memref_slice %arg5[%dma_wait3A_143, %dma_wait3A_144] : memref<50000x128xf32, #tpu.memory_space<hbm>> -> memref<50000x128xf32, #tpu.memory_space<hbm>>
      tpu.wait_indirect_dma semaphore(%arg22 : memref<!tpu.dma_semaphore, #tpu.memory_space<semaphore_mem>>) src(%dma_wait3A_145 : memref<50000x128xf32, #tpu.memory_space<hbm>>) dst(%dma_wait3A_142 : memref<16x128xf32, #tpu.memory_space<vmem>>)
      %dma_wait3A_146 = arith.constant 1 : i32
      %dma_wait3A_147 = arith.constant 0 : i32
      %dma_wait3A_148 = arith.constant 0 : i32
      %dma_wait3A_149 = tpu.memref_slice %arg19[%dma_wait3A_146, %dma_wait3A_147, %dma_wait3A_148] : memref<3x16x128xf32, #tpu.memory_space<vmem>> -> memref<1x16x128xf32, #tpu.memory_space<vmem>>
      %dma_wait3A_150 = tpu.memref_squeeze %dma_wait3A_149 : memref<1x16x128xf32, #tpu.memory_space<vmem>> -> memref<16x128xf32, #tpu.memory_space<vmem>>
      %dma_wait3A_151 = arith.constant 0 : i32
      %dma_wait3A_152 = arith.constant 0 : i32
      %dma_wait3A_153 = tpu.memref_slice %arg5[%dma_wait3A_151, %dma_wait3A_152] : memref<50000x128xf32, #tpu.memory_space<hbm>> -> memref<50000x128xf32, #tpu.memory_space<hbm>>
      tpu.wait_indirect_dma semaphore(%arg22 : memref<!tpu.dma_semaphore, #tpu.memory_space<semaphore_mem>>) src(%dma_wait3A_153 : memref<50000x128xf32, #tpu.memory_space<hbm>>) dst(%dma_wait3A_150 : memref<16x128xf32, #tpu.memory_space<vmem>>)
      %dma_wait3A_154 = arith.constant 2 : i32
      %dma_wait3A_155 = arith.constant 0 : i32
      %dma_wait3A_156 = arith.constant 0 : i32
      %dma_wait3A_157 = tpu.memref_slice %arg19[%dma_wait3A_154, %dma_wait3A_155, %dma_wait3A_156] : memref<3x16x128xf32, #tpu.memory_space<vmem>> -> memref<1x16x128xf32, #tpu.memory_space<vmem>>
      %dma_wait3A_158 = tpu.memref_squeeze %dma_wait3A_157 : memref<1x16x128xf32, #tpu.memory_space<vmem>> -> memref<16x128xf32, #tpu.memory_space<vmem>>
      %dma_wait3A_159 = arith.constant 0 : i32
      %dma_wait3A_160 = arith.constant 0 : i32
      %dma_wait3A_161 = tpu.memref_slice %arg5[%dma_wait3A_159, %dma_wait3A_160] : memref<50000x128xf32, #tpu.memory_space<hbm>> -> memref<50000x128xf32, #tpu.memory_space<hbm>>
      tpu.wait_indirect_dma semaphore(%arg22 : memref<!tpu.dma_semaphore, #tpu.memory_space<semaphore_mem>>) src(%dma_wait3A_161 : memref<50000x128xf32, #tpu.memory_space<hbm>>) dst(%dma_wait3A_158 : memref<16x128xf32, #tpu.memory_space<vmem>>)
      %scan3A = arith.constant 0 : i32
      %scan3A_162 = arith.constant 0 : i32
      %scan3A_163 = arith.constant 16 : i32
      %scan3A_164 = arith.addi %scan3A_162, %scan3A_163 : i32
      %scan3A_165 = arith.constant 1 : i32
      scf.for %scan3A_185 = %scan3A_162 to %scan3A_164 step %scan3A_165  : i32 {
        %get3A_186 = arith.constant 0 : i32
        %get3A_187 = arith.index_cast %get3A_186 : i32 to index
        %get3A_188 = arith.index_cast %scan3A_185 : i32 to index
        %get3A_189 = arith.constant 0 : index
        %get3A_190 = tpu.vector_load %arg19[%get3A_187, %get3A_188, %get3A_189] {strides = array<i32>} : memref<3x16x128xf32, #tpu.memory_space<vmem>>, vector<1x1x16xf32>,
        %get3A_191 = vector.shape_cast %get3A_190 : vector<1x1x16xf32> to vector<16xf32>
        %get3A_192 = arith.constant 1 : i32
        %get3A_193 = arith.index_cast %get3A_192 : i32 to index
        %get3A_194 = arith.index_cast %scan3A_185 : i32 to index
        %get3A_195 = arith.constant 0 : index
        %get3A_196 = tpu.vector_load %arg19[%get3A_193, %get3A_194, %get3A_195] {strides = array<i32>} : memref<3x16x128xf32, #tpu.memory_space<vmem>>, vector<1x1x16xf32>,
        %get3A_197 = vector.shape_cast %get3A_196 : vector<1x1x16xf32> to vector<16xf32>
        %add3A_198 = arith.addf %get3A_191, %get3A_197 : vector<16xf32>
        %get3A_199 = arith.constant 2 : i32
        %get3A_200 = arith.index_cast %get3A_199 : i32 to index
        %get3A_201 = arith.index_cast %scan3A_185 : i32 to index
        %get3A_202 = arith.constant 0 : index
        %get3A_203 = tpu.vector_load %arg19[%get3A_200, %get3A_201, %get3A_202] {strides = array<i32>} : memref<3x16x128xf32, #tpu.memory_space<vmem>>, vector<1x1x16xf32>,
        %get3A_204 = vector.shape_cast %get3A_203 : vector<1x1x16xf32> to vector<16xf32>
        %add3A_205 = arith.addf %add3A_198, %get3A_204 : vector<16xf32>
        %swap3A_206 = arith.index_cast %scan3A_185 : i32 to index
        %swap3A_207 = arith.constant 0 : index
        %swap3A_208 = tpu.vector_load %arg20[%swap3A_206, %swap3A_207] {strides = array<i32>} : memref<16x128xf32, #tpu.memory_space<vmem>>, vector<1x16xf32>,
        %swap3A_209 = vector.shape_cast %swap3A_208 : vector<1x16xf32> to vector<16xf32>
        %swap3A_210 = vector.shape_cast %add3A_205 : vector<16xf32> to vector<1x16xf32>
        tpu.vector_store %arg20[%swap3A_206, %swap3A_207], %swap3A_210 {strides = array<i32>} : memref<16x128xf32, #tpu.memory_space<vmem>>, vector<1x16xf32>,
        %get3A_211 = arith.constant 0 : i32
        %get3A_212 = arith.index_cast %get3A_211 : i32 to index
        %get3A_213 = arith.index_cast %scan3A_185 : i32 to index
        %get3A_214 = arith.constant 16 : index
        %get3A_215 = tpu.vector_load %arg19[%get3A_212, %get3A_213, %get3A_214] {strides = array<i32>} : memref<3x16x128xf32, #tpu.memory_space<vmem>>, vector<1x1x16xf32>,
        %get3A_216 = vector.shape_cast %get3A_215 : vector<1x1x16xf32> to vector<16xf32>
        %get3A_217 = arith.constant 1 : i32
        %get3A_218 = arith.index_cast %get3A_217 : i32 to index
        %get3A_219 = arith.index_cast %scan3A_185 : i32 to index
        %get3A_220 = arith.constant 16 : index
        %get3A_221 = tpu.vector_load %arg19[%get3A_218, %get3A_219, %get3A_220] {strides = array<i32>} : memref<3x16x128xf32, #tpu.memory_space<vmem>>, vector<1x1x16xf32>,
        %get3A_222 = vector.shape_cast %get3A_221 : vector<1x1x16xf32> to vector<16xf32>
        %add3A_223 = arith.addf %get3A_216, %get3A_222 : vector<16xf32>
        %get3A_224 = arith.constant 2 : i32
        %get3A_225 = arith.index_cast %get3A_224 : i32 to index
        %get3A_226 = arith.index_cast %scan3A_185 : i32 to index
        %get3A_227 = arith.constant 16 : index
        %get3A_228 = tpu.vector_load %arg19[%get3A_225, %get3A_226, %get3A_227] {strides = array<i32>} : memref<3x16x128xf32, #tpu.memory_space<vmem>>, vector<1x1x16xf32>,
        %get3A_229 = vector.shape_cast %get3A_228 : vector<1x1x16xf32> to vector<16xf32>
        %add3A_230 = arith.addf %add3A_223, %get3A_229 : vector<16xf32>
        %swap3A_231 = arith.index_cast %scan3A_185 : i32 to index
        %swap3A_232 = arith.constant 16 : index
        %swap3A_233 = tpu.vector_load %arg20[%swap3A_231, %swap3A_232] {strides = array<i32>} : memref<16x128xf32, #tpu.memory_space<vmem>>, vector<1x16xf32>,
        %swap3A_234 = vector.shape_cast %swap3A_233 : vector<1x16xf32> to vector<16xf32>
        %swap3A_235 = vector.shape_cast %add3A_230 : vector<16xf32> to vector<1x16xf32>
        tpu.vector_store %arg20[%swap3A_231, %swap3A_232], %swap3A_235 {strides = array<i32>} : memref<16x128xf32, #tpu.memory_space<vmem>>, vector<1x16xf32>,
        %get3A_236 = arith.constant 0 : i32
        %get3A_237 = arith.index_cast %get3A_236 : i32 to index
        %get3A_238 = arith.index_cast %scan3A_185 : i32 to index
        %get3A_239 = arith.constant 32 : index
        %get3A_240 = tpu.vector_load %arg19[%get3A_237, %get3A_238, %get3A_239] {strides = array<i32>} : memref<3x16x128xf32, #tpu.memory_space<vmem>>, vector<1x1x16xf32>,
        %get3A_241 = vector.shape_cast %get3A_240 : vector<1x1x16xf32> to vector<16xf32>
        %get3A_242 = arith.constant 1 : i32
        %get3A_243 = arith.index_cast %get3A_242 : i32 to index
        %get3A_244 = arith.index_cast %scan3A_185 : i32 to index
        %get3A_245 = arith.constant 32 : index
        %get3A_246 = tpu.vector_load %arg19[%get3A_243, %get3A_244, %get3A_245] {strides = array<i32>} : memref<3x16x128xf32, #tpu.memory_space<vmem>>, vector<1x1x16xf32>,
        %get3A_247 = vector.shape_cast %get3A_246 : vector<1x1x16xf32> to vector<16xf32>
        %add3A_248 = arith.addf %get3A_241, %get3A_247 : vector<16xf32>
        %get3A_249 = arith.constant 2 : i32
        %get3A_250 = arith.index_cast %get3A_249 : i32 to index
        %get3A_251 = arith.index_cast %scan3A_185 : i32 to index
        %get3A_252 = arith.constant 32 : index
        %get3A_253 = tpu.vector_load %arg19[%get3A_250, %get3A_251, %get3A_252] {strides = array<i32>} : memref<3x16x128xf32, #tpu.memory_space<vmem>>, vector<1x1x16xf32>,
        %get3A_254 = vector.shape_cast %get3A_253 : vector<1x1x16xf32> to vector<16xf32>
        %add3A_255 = arith.addf %add3A_248, %get3A_254 : vector<16xf32>
        %swap3A_256 = arith.index_cast %scan3A_185 : i32 to index
        %swap3A_257 = arith.constant 32 : index
        %swap3A_258 = tpu.vector_load %arg20[%swap3A_256, %swap3A_257] {strides = array<i32>} : memref<16x128xf32, #tpu.memory_space<vmem>>, vector<1x16xf32>,
        %swap3A_259 = vector.shape_cast %swap3A_258 : vector<1x16xf32> to vector<16xf32>
        %swap3A_260 = vector.shape_cast %add3A_255 : vector<16xf32> to vector<1x16xf32>
        tpu.vector_store %arg20[%swap3A_256, %swap3A_257], %swap3A_260 {strides = array<i32>} : memref<16x128xf32, #tpu.memory_space<vmem>>, vector<1x16xf32>,
        %get3A_261 = arith.constant 0 : i32
        %get3A_262 = arith.index_cast %get3A_261 : i32 to index
        %get3A_263 = arith.index_cast %scan3A_185 : i32 to index
        %get3A_264 = arith.constant 48 : index
        %get3A_265 = tpu.vector_load %arg19[%get3A_262, %get3A_263, %get3A_264] {strides = array<i32>} : memref<3x16x128xf32, #tpu.memory_space<vmem>>, vector<1x1x16xf32>,
        %get3A_266 = vector.shape_cast %get3A_265 : vector<1x1x16xf32> to vector<16xf32>
        %get3A_267 = arith.constant 1 : i32
        %get3A_268 = arith.index_cast %get3A_267 : i32 to index
        %get3A_269 = arith.index_cast %scan3A_185 : i32 to index
        %get3A_270 = arith.constant 48 : index
        %get3A_271 = tpu.vector_load %arg19[%get3A_268, %get3A_269, %get3A_270] {strides = array<i32>} : memref<3x16x128xf32, #tpu.memory_space<vmem>>, vector<1x1x16xf32>,
        %get3A_272 = vector.shape_cast %get3A_271 : vector<1x1x16xf32> to vector<16xf32>
        %add3A_273 = arith.addf %get3A_266, %get3A_272 : vector<16xf32>
        %get3A_274 = arith.constant 2 : i32
        %get3A_275 = arith.index_cast %get3A_274 : i32 to index
        %get3A_276 = arith.index_cast %scan3A_185 : i32 to index
        %get3A_277 = arith.constant 48 : index
        %get3A_278 = tpu.vector_load %arg19[%get3A_275, %get3A_276, %get3A_277] {strides = array<i32>} : memref<3x16x128xf32, #tpu.memory_space<vmem>>, vector<1x1x16xf32>,
        %get3A_279 = vector.shape_cast %get3A_278 : vector<1x1x16xf32> to vector<16xf32>
        %add3A_280 = arith.addf %add3A_273, %get3A_279 : vector<16xf32>
        %swap3A_281 = arith.index_cast %scan3A_185 : i32 to index
        %swap3A_282 = arith.constant 48 : index
        %swap3A_283 = tpu.vector_load %arg20[%swap3A_281, %swap3A_282] {strides = array<i32>} : memref<16x128xf32, #tpu.memory_space<vmem>>, vector<1x16xf32>,
        %swap3A_284 = vector.shape_cast %swap3A_283 : vector<1x16xf32> to vector<16xf32>
        %swap3A_285 = vector.shape_cast %add3A_280 : vector<16xf32> to vector<1x16xf32>
        tpu.vector_store %arg20[%swap3A_281, %swap3A_282], %swap3A_285 {strides = array<i32>} : memref<16x128xf32, #tpu.memory_space<vmem>>, vector<1x16xf32>,
        %get3A_286 = arith.constant 0 : i32
        %get3A_287 = arith.index_cast %get3A_286 : i32 to index
        %get3A_288 = arith.index_cast %scan3A_185 : i32 to index
        %get3A_289 = arith.constant 64 : index
        %get3A_290 = tpu.vector_load %arg19[%get3A_287, %get3A_288, %get3A_289] {strides = array<i32>} : memref<3x16x128xf32, #tpu.memory_space<vmem>>, vector<1x1x16xf32>,
        %get3A_291 = vector.shape_cast %get3A_290 : vector<1x1x16xf32> to vector<16xf32>
        %get3A_292 = arith.constant 1 : i32
        %get3A_293 = arith.index_cast %get3A_292 : i32 to index
        %get3A_294 = arith.index_cast %scan3A_185 : i32 to index
        %get3A_295 = arith.constant 64 : index
        %get3A_296 = tpu.vector_load %arg19[%get3A_293, %get3A_294, %get3A_295] {strides = array<i32>} : memref<3x16x128xf32, #tpu.memory_space<vmem>>, vector<1x1x16xf32>,
        %get3A_297 = vector.shape_cast %get3A_296 : vector<1x1x16xf32> to vector<16xf32>
        %add3A_298 = arith.addf %get3A_291, %get3A_297 : vector<16xf32>
        %get3A_299 = arith.constant 2 : i32
        %get3A_300 = arith.index_cast %get3A_299 : i32 to index
        %get3A_301 = arith.index_cast %scan3A_185 : i32 to index
        %get3A_302 = arith.constant 64 : index
        %get3A_303 = tpu.vector_load %arg19[%get3A_300, %get3A_301, %get3A_302] {strides = array<i32>} : memref<3x16x128xf32, #tpu.memory_space<vmem>>, vector<1x1x16xf32>,
        %get3A_304 = vector.shape_cast %get3A_303 : vector<1x1x16xf32> to vector<16xf32>
        %add3A_305 = arith.addf %add3A_298, %get3A_304 : vector<16xf32>
        %swap3A_306 = arith.index_cast %scan3A_185 : i32 to index
        %swap3A_307 = arith.constant 64 : index
        %swap3A_308 = tpu.vector_load %arg20[%swap3A_306, %swap3A_307] {strides = array<i32>} : memref<16x128xf32, #tpu.memory_space<vmem>>, vector<1x16xf32>,
        %swap3A_309 = vector.shape_cast %swap3A_308 : vector<1x16xf32> to vector<16xf32>
        %swap3A_310 = vector.shape_cast %add3A_305 : vector<16xf32> to vector<1x16xf32>
        tpu.vector_store %arg20[%swap3A_306, %swap3A_307], %swap3A_310 {strides = array<i32>} : memref<16x128xf32, #tpu.memory_space<vmem>>, vector<1x16xf32>,
        %get3A_311 = arith.constant 0 : i32
        %get3A_312 = arith.index_cast %get3A_311 : i32 to index
        %get3A_313 = arith.index_cast %scan3A_185 : i32 to index
        %get3A_314 = arith.constant 80 : index
        %get3A_315 = tpu.vector_load %arg19[%get3A_312, %get3A_313, %get3A_314] {strides = array<i32>} : memref<3x16x128xf32, #tpu.memory_space<vmem>>, vector<1x1x16xf32>,
        %get3A_316 = vector.shape_cast %get3A_315 : vector<1x1x16xf32> to vector<16xf32>
        %get3A_317 = arith.constant 1 : i32
        %get3A_318 = arith.index_cast %get3A_317 : i32 to index
        %get3A_319 = arith.index_cast %scan3A_185 : i32 to index
        %get3A_320 = arith.constant 80 : index
        %get3A_321 = tpu.vector_load %arg19[%get3A_318, %get3A_319, %get3A_320] {strides = array<i32>} : memref<3x16x128xf32, #tpu.memory_space<vmem>>, vector<1x1x16xf32>,
        %get3A_322 = vector.shape_cast %get3A_321 : vector<1x1x16xf32> to vector<16xf32>
        %add3A_323 = arith.addf %get3A_316, %get3A_322 : vector<16xf32>
        %get3A_324 = arith.constant 2 : i32
        %get3A_325 = arith.index_cast %get3A_324 : i32 to index
        %get3A_326 = arith.index_cast %scan3A_185 : i32 to index
        %get3A_327 = arith.constant 80 : index
        %get3A_328 = tpu.vector_load %arg19[%get3A_325, %get3A_326, %get3A_327] {strides = array<i32>} : memref<3x16x128xf32, #tpu.memory_space<vmem>>, vector<1x1x16xf32>,
        %get3A_329 = vector.shape_cast %get3A_328 : vector<1x1x16xf32> to vector<16xf32>
        %add3A_330 = arith.addf %add3A_323, %get3A_329 : vector<16xf32>
        %swap3A_331 = arith.index_cast %scan3A_185 : i32 to index
        %swap3A_332 = arith.constant 80 : index
        %swap3A_333 = tpu.vector_load %arg20[%swap3A_331, %swap3A_332] {strides = array<i32>} : memref<16x128xf32, #tpu.memory_space<vmem>>, vector<1x16xf32>,
        %swap3A_334 = vector.shape_cast %swap3A_333 : vector<1x16xf32> to vector<16xf32>
        %swap3A_335 = vector.shape_cast %add3A_330 : vector<16xf32> to vector<1x16xf32>
        tpu.vector_store %arg20[%swap3A_331, %swap3A_332], %swap3A_335 {strides = array<i32>} : memref<16x128xf32, #tpu.memory_space<vmem>>, vector<1x16xf32>,
        %get3A_336 = arith.constant 0 : i32
        %get3A_337 = arith.index_cast %get3A_336 : i32 to index
        %get3A_338 = arith.index_cast %scan3A_185 : i32 to index
        %get3A_339 = arith.constant 96 : index
        %get3A_340 = tpu.vector_load %arg19[%get3A_337, %get3A_338, %get3A_339] {strides = array<i32>} : memref<3x16x128xf32, #tpu.memory_space<vmem>>, vector<1x1x16xf32>,
        %get3A_341 = vector.shape_cast %get3A_340 : vector<1x1x16xf32> to vector<16xf32>
        %get3A_342 = arith.constant 1 : i32
        %get3A_343 = arith.index_cast %get3A_342 : i32 to index
        %get3A_344 = arith.index_cast %scan3A_185 : i32 to index
        %get3A_345 = arith.constant 96 : index
        %get3A_346 = tpu.vector_load %arg19[%get3A_343, %get3A_344, %get3A_345] {strides = array<i32>} : memref<3x16x128xf32, #tpu.memory_space<vmem>>, vector<1x1x16xf32>,
        %get3A_347 = vector.shape_cast %get3A_346 : vector<1x1x16xf32> to vector<16xf32>
        %add3A_348 = arith.addf %get3A_341, %get3A_347 : vector<16xf32>
        %get3A_349 = arith.constant 2 : i32
        %get3A_350 = arith.index_cast %get3A_349 : i32 to index
        %get3A_351 = arith.index_cast %scan3A_185 : i32 to index
        %get3A_352 = arith.constant 96 : index
        %get3A_353 = tpu.vector_load %arg19[%get3A_350, %get3A_351, %get3A_352] {strides = array<i32>} : memref<3x16x128xf32, #tpu.memory_space<vmem>>, vector<1x1x16xf32>,
        %get3A_354 = vector.shape_cast %get3A_353 : vector<1x1x16xf32> to vector<16xf32>
        %add3A_355 = arith.addf %add3A_348, %get3A_354 : vector<16xf32>
        %swap3A_356 = arith.index_cast %scan3A_185 : i32 to index
        %swap3A_357 = arith.constant 96 : index
        %swap3A_358 = tpu.vector_load %arg20[%swap3A_356, %swap3A_357] {strides = array<i32>} : memref<16x128xf32, #tpu.memory_space<vmem>>, vector<1x16xf32>,
        %swap3A_359 = vector.shape_cast %swap3A_358 : vector<1x16xf32> to vector<16xf32>
        %swap3A_360 = vector.shape_cast %add3A_355 : vector<16xf32> to vector<1x16xf32>
        tpu.vector_store %arg20[%swap3A_356, %swap3A_357], %swap3A_360 {strides = array<i32>} : memref<16x128xf32, #tpu.memory_space<vmem>>, vector<1x16xf32>,
        %get3A_361 = arith.constant 0 : i32
        %get3A_362 = arith.index_cast %get3A_361 : i32 to index
        %get3A_363 = arith.index_cast %scan3A_185 : i32 to index
        %get3A_364 = arith.constant 112 : index
        %get3A_365 = tpu.vector_load %arg19[%get3A_362, %get3A_363, %get3A_364] {strides = array<i32>} : memref<3x16x128xf32, #tpu.memory_space<vmem>>, vector<1x1x16xf32>,
        %get3A_366 = vector.shape_cast %get3A_365 : vector<1x1x16xf32> to vector<16xf32>
        %get3A_367 = arith.constant 1 : i32
        %get3A_368 = arith.index_cast %get3A_367 : i32 to index
        %get3A_369 = arith.index_cast %scan3A_185 : i32 to index
        %get3A_370 = arith.constant 112 : index
        %get3A_371 = tpu.vector_load %arg19[%get3A_368, %get3A_369, %get3A_370] {strides = array<i32>} : memref<3x16x128xf32, #tpu.memory_space<vmem>>, vector<1x1x16xf32>,
        %get3A_372 = vector.shape_cast %get3A_371 : vector<1x1x16xf32> to vector<16xf32>
        %add3A_373 = arith.addf %get3A_366, %get3A_372 : vector<16xf32>
        %get3A_374 = arith.constant 2 : i32
        %get3A_375 = arith.index_cast %get3A_374 : i32 to index
        %get3A_376 = arith.index_cast %scan3A_185 : i32 to index
        %get3A_377 = arith.constant 112 : index
        %get3A_378 = tpu.vector_load %arg19[%get3A_375, %get3A_376, %get3A_377] {strides = array<i32>} : memref<3x16x128xf32, #tpu.memory_space<vmem>>, vector<1x1x16xf32>,
        %get3A_379 = vector.shape_cast %get3A_378 : vector<1x1x16xf32> to vector<16xf32>
        %add3A_380 = arith.addf %add3A_373, %get3A_379 : vector<16xf32>
        %swap3A_381 = arith.index_cast %scan3A_185 : i32 to index
        %swap3A_382 = arith.constant 112 : index
        %swap3A_383 = tpu.vector_load %arg20[%swap3A_381, %swap3A_382] {strides = array<i32>} : memref<16x128xf32, #tpu.memory_space<vmem>>, vector<1x16xf32>,
        %swap3A_384 = vector.shape_cast %swap3A_383 : vector<1x16xf32> to vector<16xf32>
        %swap3A_385 = vector.shape_cast %add3A_380 : vector<16xf32> to vector<1x16xf32>
        tpu.vector_store %arg20[%swap3A_381, %swap3A_382], %swap3A_385 {strides = array<i32>} : memref<16x128xf32, #tpu.memory_space<vmem>>, vector<1x16xf32>,
      }
      %scan3A_166 = arith.constant 16 : i32
      %dma_start3A_167 = arith.constant 0 : i32
      %dma_start3A_168 = tpu.memref_slice %arg9[%mul3A_32, %dma_start3A_167] : memref<128x128xf32, #tpu.memory_space<hbm>> -> memref<16x128xf32, #tpu.memory_space<hbm>>
      %dma_start3A_169 = arith.constant 0 : i32
      %dma_start3A_170 = tpu.memref_slice %arg9[%mul3A_32, %dma_start3A_169] : memref<128x128xf32, #tpu.memory_space<hbm>> -> memref<16x128xf32, #tpu.memory_space<hbm>>
      tpu.enqueue_dma source(%arg20 : memref<16x128xf32, #tpu.memory_space<vmem>>) target(%dma_start3A_170 : memref<16x128xf32, #tpu.memory_space<hbm>>) target_semaphore(%arg23 : memref<!tpu.dma_semaphore, #tpu.memory_space<semaphore_mem>>)
      %dma_start3A_171 = arith.constant 0 : i32
      %dma_start3A_172 = tpu.memref_slice %arg13[%dma_start3A_171, %mul3A_32] : memref<4x128xf32, #tpu.memory_space<hbm>> -> memref<1x16xf32, #tpu.memory_space<hbm>>
      %dma_start3A_173 = tpu.memref_squeeze %dma_start3A_172 : memref<1x16xf32, #tpu.memory_space<hbm>> -> memref<16xf32, #tpu.memory_space<hbm>>
      %dma_start3A_174 = tpu.memref_slice %arg13[%dma_start3A_171, %mul3A_32] : memref<4x128xf32, #tpu.memory_space<hbm>> -> memref<1x16xf32, #tpu.memory_space<hbm>>
      %dma_start3A_175 = tpu.memref_squeeze %dma_start3A_174 : memref<1x16xf32, #tpu.memory_space<hbm>> -> memref<16xf32, #tpu.memory_space<hbm>>
      tpu.enqueue_dma source(%arg21 : memref<16xf32, #tpu.memory_space<vmem>>) target(%dma_start3A_175 : memref<16xf32, #tpu.memory_space<hbm>>) target_semaphore(%arg23 : memref<!tpu.dma_semaphore, #tpu.memory_space<semaphore_mem>>)
      %dma_wait3A_176 = arith.constant 0 : i32
      %dma_wait3A_177 = tpu.memref_slice %arg9[%mul3A_32, %dma_wait3A_176] : memref<128x128xf32, #tpu.memory_space<hbm>> -> memref<16x128xf32, #tpu.memory_space<hbm>>
      %dma_wait3A_178 = arith.constant 0 : i32
      %dma_wait3A_179 = tpu.memref_slice %arg9[%mul3A_32, %dma_wait3A_178] : memref<128x128xf32, #tpu.memory_space<hbm>> -> memref<16x128xf32, #tpu.memory_space<hbm>>
      tpu.wait_dma2 semaphore(%arg23 : memref<!tpu.dma_semaphore, #tpu.memory_space<semaphore_mem>>) src(%arg20 : memref<16x128xf32, #tpu.memory_space<vmem>>) dst(%dma_wait3A_179 : memref<16x128xf32, #tpu.memory_space<hbm>>)
      %dma_wait3A_180 = arith.constant 0 : i32
      %dma_wait3A_181 = tpu.memref_slice %arg13[%dma_wait3A_180, %mul3A_32] : memref<4x128xf32, #tpu.memory_space<hbm>> -> memref<1x16xf32, #tpu.memory_space<hbm>>
      %dma_wait3A_182 = tpu.memref_squeeze %dma_wait3A_181 : memref<1x16xf32, #tpu.memory_space<hbm>> -> memref<16xf32, #tpu.memory_space<hbm>>
      %dma_wait3A_183 = tpu.memref_slice %arg13[%dma_wait3A_180, %mul3A_32] : memref<4x128xf32, #tpu.memory_space<hbm>> -> memref<1x16xf32, #tpu.memory_space<hbm>>
      %dma_wait3A_184 = tpu.memref_squeeze %dma_wait3A_183 : memref<1x16xf32, #tpu.memory_space<hbm>> -> memref<16xf32, #tpu.memory_space<hbm>>
      tpu.wait_dma2 semaphore(%arg23 : memref<!tpu.dma_semaphore, #tpu.memory_space<semaphore_mem>>) src(%arg21 : memref<16xf32, #tpu.memory_space<vmem>>) dst(%dma_wait3A_184 : memref<16xf32, #tpu.memory_space<hbm>>)
    } else {
    }
    %eq3A_36 = arith.constant 1 : i32
    %eq3A_37 = arith.cmpi eq, %select_n3A_30, %eq3A_36 : i32
    %convert_element_type3A_38 = arith.extui %eq3A_37 : i1 to i32
    %cond3A_39 = arith.constant 0 : i32
    %cond3A_40 = arith.cmpi ne, %convert_element_type3A_38, %cond3A_39 : i32
    scf.if %cond3A_40 {
      %dma_start3A = arith.constant 3 : i32
      %dma_start3A_51 = tpu.memref_slice %arg4[%dma_start3A, %mul3A_32] : memref<10x128xi32, #tpu.memory_space<hbm>> -> memref<1x16xi32, #tpu.memory_space<hbm>>
      %dma_start3A_52 = tpu.memref_squeeze %dma_start3A_51 : memref<1x16xi32, #tpu.memory_space<hbm>> -> memref<16xi32, #tpu.memory_space<hbm>>
      %dma_start3A_53 = tpu.memref_slice %arg4[%dma_start3A, %mul3A_32] : memref<10x128xi32, #tpu.memory_space<hbm>> -> memref<1x16xi32, #tpu.memory_space<hbm>>
      %dma_start3A_54 = tpu.memref_squeeze %dma_start3A_53 : memref<1x16xi32, #tpu.memory_space<hbm>> -> memref<16xi32, #tpu.memory_space<hbm>>
      tpu.enqueue_dma source(%dma_start3A_54 : memref<16xi32, #tpu.memory_space<hbm>>) target(%arg16 : memref<16xi32, #tpu.memory_space<vmem>>) target_semaphore(%arg23 : memref<!tpu.dma_semaphore, #tpu.memory_space<semaphore_mem>>)
      %dma_start3A_55 = arith.constant 4 : i32
      %dma_start3A_56 = tpu.memref_slice %arg4[%dma_start3A_55, %mul3A_32] : memref<10x128xi32, #tpu.memory_space<hbm>> -> memref<1x16xi32, #tpu.memory_space<hbm>>
      %dma_start3A_57 = tpu.memref_squeeze %dma_start3A_56 : memref<1x16xi32, #tpu.memory_space<hbm>> -> memref<16xi32, #tpu.memory_space<hbm>>
      %dma_start3A_58 = tpu.memref_slice %arg4[%dma_start3A_55, %mul3A_32] : memref<10x128xi32, #tpu.memory_space<hbm>> -> memref<1x16xi32, #tpu.memory_space<hbm>>
      %dma_start3A_59 = tpu.memref_squeeze %dma_start3A_58 : memref<1x16xi32, #tpu.memory_space<hbm>> -> memref<16xi32, #tpu.memory_space<hbm>>
      tpu.enqueue_dma source(%dma_start3A_59 : memref<16xi32, #tpu.memory_space<hbm>>) target(%arg17 : memref<16xi32, #tpu.memory_space<vmem>>) target_semaphore(%arg23 : memref<!tpu.dma_semaphore, #tpu.memory_space<semaphore_mem>>)
      %dma_start3A_60 = tpu.memref_slice %arg2[%mul3A_32] : memref<128xi32, #tpu.memory_space<hbm>> -> memref<16xi32, #tpu.memory_space<hbm>>
      %dma_start3A_61 = tpu.memref_slice %arg2[%mul3A_32] : memref<128xi32, #tpu.memory_space<hbm>> -> memref<16xi32, #tpu.memory_space<hbm>>
      tpu.enqueue_dma source(%dma_start3A_61 : memref<16xi32, #tpu.memory_space<hbm>>) target(%arg14 : memref<16xi32, #tpu.memory_space<vmem>>) target_semaphore(%arg23 : memref<!tpu.dma_semaphore, #tpu.memory_space<semaphore_mem>>)
      %dma_wait3A = arith.constant 3 : i32
      %dma_wait3A_62 = tpu.memref_slice %arg4[%dma_wait3A, %mul3A_32] : memref<10x128xi32, #tpu.memory_space<hbm>> -> memref<1x16xi32, #tpu.memory_space<hbm>>
      %dma_wait3A_63 = tpu.memref_squeeze %dma_wait3A_62 : memref<1x16xi32, #tpu.memory_space<hbm>> -> memref<16xi32, #tpu.memory_space<hbm>>
      %dma_wait3A_64 = tpu.memref_slice %arg4[%dma_wait3A, %mul3A_32] : memref<10x128xi32, #tpu.memory_space<hbm>> -> memref<1x16xi32, #tpu.memory_space<hbm>>
      %dma_wait3A_65 = tpu.memref_squeeze %dma_wait3A_64 : memref<1x16xi32, #tpu.memory_space<hbm>> -> memref<16xi32, #tpu.memory_space<hbm>>
      tpu.wait_dma2 semaphore(%arg23 : memref<!tpu.dma_semaphore, #tpu.memory_space<semaphore_mem>>) src(%dma_wait3A_65 : memref<16xi32, #tpu.memory_space<hbm>>) dst(%arg16 : memref<16xi32, #tpu.memory_space<vmem>>)
      %dma_wait3A_66 = arith.constant 4 : i32
      %dma_wait3A_67 = tpu.memref_slice %arg4[%dma_wait3A_66, %mul3A_32] : memref<10x128xi32, #tpu.memory_space<hbm>> -> memref<1x16xi32, #tpu.memory_space<hbm>>
      %dma_wait3A_68 = tpu.memref_squeeze %dma_wait3A_67 : memref<1x16xi32, #tpu.memory_space<hbm>> -> memref<16xi32, #tpu.memory_space<hbm>>
      %dma_wait3A_69 = tpu.memref_slice %arg4[%dma_wait3A_66, %mul3A_32] : memref<10x128xi32, #tpu.memory_space<hbm>> -> memref<1x16xi32, #tpu.memory_space<hbm>>
      %dma_wait3A_70 = tpu.memref_squeeze %dma_wait3A_69 : memref<1x16xi32, #tpu.memory_space<hbm>> -> memref<16xi32, #tpu.memory_space<hbm>>
      tpu.wait_dma2 semaphore(%arg23 : memref<!tpu.dma_semaphore, #tpu.memory_space<semaphore_mem>>) src(%dma_wait3A_70 : memref<16xi32, #tpu.memory_space<hbm>>) dst(%arg17 : memref<16xi32, #tpu.memory_space<vmem>>)
      %dma_wait3A_71 = tpu.memref_slice %arg2[%mul3A_32] : memref<128xi32, #tpu.memory_space<hbm>> -> memref<16xi32, #tpu.memory_space<hbm>>
      %dma_wait3A_72 = tpu.memref_slice %arg2[%mul3A_32] : memref<128xi32, #tpu.memory_space<hbm>> -> memref<16xi32, #tpu.memory_space<hbm>>
      tpu.wait_dma2 semaphore(%arg23 : memref<!tpu.dma_semaphore, #tpu.memory_space<semaphore_mem>>) src(%dma_wait3A_72 : memref<16xi32, #tpu.memory_space<hbm>>) dst(%arg14 : memref<16xi32, #tpu.memory_space<vmem>>)
      %dma_start3A_73 = arith.constant 0 : i32
      %dma_start3A_74 = arith.constant 0 : i32
      %dma_start3A_75 = arith.constant 0 : i32
      %dma_start3A_76 = tpu.memref_slice %arg19[%dma_start3A_73, %dma_start3A_74, %dma_start3A_75] : memref<3x16x128xf32, #tpu.memory_space<vmem>> -> memref<1x16x128xf32, #tpu.memory_space<vmem>>
      %dma_start3A_77 = tpu.memref_squeeze %dma_start3A_76 : memref<1x16x128xf32, #tpu.memory_space<vmem>> -> memref<16x128xf32, #tpu.memory_space<vmem>>
      %dma_start3A_78 = arith.constant 0 : i32
      %dma_start3A_79 = arith.constant 0 : i32
      %dma_start3A_80 = tpu.memref_slice %arg5[%dma_start3A_78, %dma_start3A_79] : memref<50000x128xf32, #tpu.memory_space<hbm>> -> memref<50000x128xf32, #tpu.memory_space<hbm>>
      tpu.enqueue_indirect_dma source(%dma_start3A_80 : memref<50000x128xf32, #tpu.memory_space<hbm>>) target(%dma_start3A_77 : memref<16x128xf32, #tpu.memory_space<vmem>>) offsets(%arg16 : memref<16xi32, #tpu.memory_space<vmem>>) semaphore(%arg22 : memref<!tpu.dma_semaphore, #tpu.memory_space<semaphore_mem>>)
      %dma_start3A_81 = arith.constant 1 : i32
      %dma_start3A_82 = arith.constant 0 : i32
      %dma_start3A_83 = arith.constant 0 : i32
      %dma_start3A_84 = tpu.memref_slice %arg19[%dma_start3A_81, %dma_start3A_82, %dma_start3A_83] : memref<3x16x128xf32, #tpu.memory_space<vmem>> -> memref<1x16x128xf32, #tpu.memory_space<vmem>>
      %dma_start3A_85 = tpu.memref_squeeze %dma_start3A_84 : memref<1x16x128xf32, #tpu.memory_space<vmem>> -> memref<16x128xf32, #tpu.memory_space<vmem>>
      %dma_start3A_86 = arith.constant 0 : i32
      %dma_start3A_87 = arith.constant 0 : i32
      %dma_start3A_88 = tpu.memref_slice %arg5[%dma_start3A_86, %dma_start3A_87] : memref<50000x128xf32, #tpu.memory_space<hbm>> -> memref<50000x128xf32, #tpu.memory_space<hbm>>
      tpu.enqueue_indirect_dma source(%dma_start3A_88 : memref<50000x128xf32, #tpu.memory_space<hbm>>) target(%dma_start3A_85 : memref<16x128xf32, #tpu.memory_space<vmem>>) offsets(%arg17 : memref<16xi32, #tpu.memory_space<vmem>>) semaphore(%arg22 : memref<!tpu.dma_semaphore, #tpu.memory_space<semaphore_mem>>)
      %dma_start3A_89 = arith.constant 0 : i32
      %dma_start3A_90 = arith.constant 0 : i32
      %dma_start3A_91 = tpu.memref_slice %arg5[%dma_start3A_89, %dma_start3A_90] : memref<50000x128xf32, #tpu.memory_space<hbm>> -> memref<50000x128xf32, #tpu.memory_space<hbm>>
      tpu.enqueue_indirect_dma source(%dma_start3A_91 : memref<50000x128xf32, #tpu.memory_space<hbm>>) target(%arg15 : memref<16x128xf32, #tpu.memory_space<vmem>>) offsets(%arg14 : memref<16xi32, #tpu.memory_space<vmem>>) semaphore(%arg22 : memref<!tpu.dma_semaphore, #tpu.memory_space<semaphore_mem>>)
      %get3A = arith.constant 0 : index
      %get3A_92 = tpu.vector_load %arg16[%get3A] {strides = array<i32>} : memref<16xi32, #tpu.memory_space<vmem>>, vector<16xi32>,
      %get3A_93 = vector.shape_cast %get3A_92 : vector<16xi32> to vector<16xi32>
      %ge3A = arith.constant 1373 : i32
      %ge3A_94 = vector.broadcast %ge3A : i32 to vector<16xi32>
      %ge3A_95 = arith.cmpi sge, %get3A_93, %ge3A_94 : vector<16xi32>
      %jit3A_96 = arith.constant 1.000000e+00 : f32
      %jit3A_97 = arith.constant 0.000000e+00 : f32
      %broadcast_in_dim3A = vector.broadcast %jit3A_96 : f32 to vector<16xf32>
      %broadcast_in_dim3A_98 = vector.broadcast %jit3A_97 : f32 to vector<16xf32>
      %select_n3A_99 = arith.select %ge3A_95, %broadcast_in_dim3A, %broadcast_in_dim3A_98 : vector<16xi1>, vector<16xf32>
      %get3A_100 = arith.constant 0 : index
      %get3A_101 = tpu.vector_load %arg17[%get3A_100] {strides = array<i32>} : memref<16xi32, #tpu.memory_space<vmem>>, vector<16xi32>,
      %get3A_102 = vector.shape_cast %get3A_101 : vector<16xi32> to vector<16xi32>
      %ge3A_103 = arith.constant 1373 : i32
      %ge3A_104 = vector.broadcast %ge3A_103 : i32 to vector<16xi32>
      %ge3A_105 = arith.cmpi sge, %get3A_102, %ge3A_104 : vector<16xi32>
      %jit3A_106 = arith.constant 1.000000e+00 : f32
      %jit3A_107 = arith.constant 0.000000e+00 : f32
      %broadcast_in_dim3A_108 = vector.broadcast %jit3A_106 : f32 to vector<16xf32>
      %broadcast_in_dim3A_109 = vector.broadcast %jit3A_107 : f32 to vector<16xf32>
      %select_n3A_110 = arith.select %ge3A_105, %broadcast_in_dim3A_108, %broadcast_in_dim3A_109 : vector<16xi1>, vector<16xf32>
      %add3A_111 = arith.addf %select_n3A_99, %select_n3A_110 : vector<16xf32>
      %swap3A = arith.constant 0 : index
      %swap3A_112 = tpu.vector_load %arg21[%swap3A] {strides = array<i32>} : memref<16xf32, #tpu.memory_space<vmem>>, vector<16xf32>,
      %swap3A_113 = vector.shape_cast %swap3A_112 : vector<16xf32> to vector<16xf32>
      %swap3A_114 = vector.shape_cast %add3A_111 : vector<16xf32> to vector<16xf32>
      tpu.vector_store %arg21[%swap3A], %swap3A_114 {strides = array<i32>} : memref<16xf32, #tpu.memory_space<vmem>>, vector<16xf32>,
      %dma_wait3A_115 = arith.constant 0 : i32
      %dma_wait3A_116 = arith.constant 0 : i32
      %dma_wait3A_117 = arith.constant 0 : i32
      %dma_wait3A_118 = tpu.memref_slice %arg19[%dma_wait3A_115, %dma_wait3A_116, %dma_wait3A_117] : memref<3x16x128xf32, #tpu.memory_space<vmem>> -> memref<1x16x128xf32, #tpu.memory_space<vmem>>
      %dma_wait3A_119 = tpu.memref_squeeze %dma_wait3A_118 : memref<1x16x128xf32, #tpu.memory_space<vmem>> -> memref<16x128xf32, #tpu.memory_space<vmem>>
      %dma_wait3A_120 = arith.constant 0 : i32
      %dma_wait3A_121 = arith.constant 0 : i32
      %dma_wait3A_122 = tpu.memref_slice %arg5[%dma_wait3A_120, %dma_wait3A_121] : memref<50000x128xf32, #tpu.memory_space<hbm>> -> memref<50000x128xf32, #tpu.memory_space<hbm>>
      tpu.wait_indirect_dma semaphore(%arg22 : memref<!tpu.dma_semaphore, #tpu.memory_space<semaphore_mem>>) src(%dma_wait3A_122 : memref<50000x128xf32, #tpu.memory_space<hbm>>) dst(%dma_wait3A_119 : memref<16x128xf32, #tpu.memory_space<vmem>>)
      %dma_wait3A_123 = arith.constant 1 : i32
      %dma_wait3A_124 = arith.constant 0 : i32
      %dma_wait3A_125 = arith.constant 0 : i32
      %dma_wait3A_126 = tpu.memref_slice %arg19[%dma_wait3A_123, %dma_wait3A_124, %dma_wait3A_125] : memref<3x16x128xf32, #tpu.memory_space<vmem>> -> memref<1x16x128xf32, #tpu.memory_space<vmem>>
      %dma_wait3A_127 = tpu.memref_squeeze %dma_wait3A_126 : memref<1x16x128xf32, #tpu.memory_space<vmem>> -> memref<16x128xf32, #tpu.memory_space<vmem>>
      %dma_wait3A_128 = arith.constant 0 : i32
      %dma_wait3A_129 = arith.constant 0 : i32
      %dma_wait3A_130 = tpu.memref_slice %arg5[%dma_wait3A_128, %dma_wait3A_129] : memref<50000x128xf32, #tpu.memory_space<hbm>> -> memref<50000x128xf32, #tpu.memory_space<hbm>>
      tpu.wait_indirect_dma semaphore(%arg22 : memref<!tpu.dma_semaphore, #tpu.memory_space<semaphore_mem>>) src(%dma_wait3A_130 : memref<50000x128xf32, #tpu.memory_space<hbm>>) dst(%dma_wait3A_127 : memref<16x128xf32, #tpu.memory_space<vmem>>)
      %dma_wait3A_131 = arith.constant 0 : i32
      %dma_wait3A_132 = arith.constant 0 : i32
      %dma_wait3A_133 = tpu.memref_slice %arg5[%dma_wait3A_131, %dma_wait3A_132] : memref<50000x128xf32, #tpu.memory_space<hbm>> -> memref<50000x128xf32, #tpu.memory_space<hbm>>
      tpu.wait_indirect_dma semaphore(%arg22 : memref<!tpu.dma_semaphore, #tpu.memory_space<semaphore_mem>>) src(%dma_wait3A_133 : memref<50000x128xf32, #tpu.memory_space<hbm>>) dst(%arg15 : memref<16x128xf32, #tpu.memory_space<vmem>>)
      %scan3A = arith.constant 0 : i32
      %scan3A_134 = arith.constant 0 : i32
      %scan3A_135 = arith.constant 16 : i32
      %scan3A_136 = arith.addi %scan3A_134, %scan3A_135 : i32
      %scan3A_137 = arith.constant 1 : i32
      scf.for %scan3A_165 = %scan3A_134 to %scan3A_136 step %scan3A_137  : i32 {
        %get3A_166 = arith.constant 0 : i32
        %get3A_167 = arith.index_cast %get3A_166 : i32 to index
        %get3A_168 = arith.index_cast %scan3A_165 : i32 to index
        %get3A_169 = arith.constant 0 : index
        %get3A_170 = tpu.vector_load %arg19[%get3A_167, %get3A_168, %get3A_169] {strides = array<i32>} : memref<3x16x128xf32, #tpu.memory_space<vmem>>, vector<1x1x16xf32>,
        %get3A_171 = vector.shape_cast %get3A_170 : vector<1x1x16xf32> to vector<16xf32>
        %get3A_172 = arith.constant 1 : i32
        %get3A_173 = arith.index_cast %get3A_172 : i32 to index
        %get3A_174 = arith.index_cast %scan3A_165 : i32 to index
        %get3A_175 = arith.constant 0 : index
        %get3A_176 = tpu.vector_load %arg19[%get3A_173, %get3A_174, %get3A_175] {strides = array<i32>} : memref<3x16x128xf32, #tpu.memory_space<vmem>>, vector<1x1x16xf32>,
        %get3A_177 = vector.shape_cast %get3A_176 : vector<1x1x16xf32> to vector<16xf32>
        %add3A_178 = arith.addf %get3A_171, %get3A_177 : vector<16xf32>
        %swap3A_179 = arith.index_cast %scan3A_165 : i32 to index
        %swap3A_180 = arith.constant 0 : index
        %swap3A_181 = tpu.vector_load %arg20[%swap3A_179, %swap3A_180] {strides = array<i32>} : memref<16x128xf32, #tpu.memory_space<vmem>>, vector<1x16xf32>,
        %swap3A_182 = vector.shape_cast %swap3A_181 : vector<1x16xf32> to vector<16xf32>
        %swap3A_183 = vector.shape_cast %add3A_178 : vector<16xf32> to vector<1x16xf32>
        tpu.vector_store %arg20[%swap3A_179, %swap3A_180], %swap3A_183 {strides = array<i32>} : memref<16x128xf32, #tpu.memory_space<vmem>>, vector<1x16xf32>,
        %get3A_184 = arith.constant 0 : i32
        %get3A_185 = arith.index_cast %get3A_184 : i32 to index
        %get3A_186 = arith.index_cast %scan3A_165 : i32 to index
        %get3A_187 = arith.constant 16 : index
        %get3A_188 = tpu.vector_load %arg19[%get3A_185, %get3A_186, %get3A_187] {strides = array<i32>} : memref<3x16x128xf32, #tpu.memory_space<vmem>>, vector<1x1x16xf32>,
        %get3A_189 = vector.shape_cast %get3A_188 : vector<1x1x16xf32> to vector<16xf32>
        %get3A_190 = arith.constant 1 : i32
        %get3A_191 = arith.index_cast %get3A_190 : i32 to index
        %get3A_192 = arith.index_cast %scan3A_165 : i32 to index
        %get3A_193 = arith.constant 16 : index
        %get3A_194 = tpu.vector_load %arg19[%get3A_191, %get3A_192, %get3A_193] {strides = array<i32>} : memref<3x16x128xf32, #tpu.memory_space<vmem>>, vector<1x1x16xf32>,
        %get3A_195 = vector.shape_cast %get3A_194 : vector<1x1x16xf32> to vector<16xf32>
        %add3A_196 = arith.addf %get3A_189, %get3A_195 : vector<16xf32>
        %swap3A_197 = arith.index_cast %scan3A_165 : i32 to index
        %swap3A_198 = arith.constant 16 : index
        %swap3A_199 = tpu.vector_load %arg20[%swap3A_197, %swap3A_198] {strides = array<i32>} : memref<16x128xf32, #tpu.memory_space<vmem>>, vector<1x16xf32>,
        %swap3A_200 = vector.shape_cast %swap3A_199 : vector<1x16xf32> to vector<16xf32>
        %swap3A_201 = vector.shape_cast %add3A_196 : vector<16xf32> to vector<1x16xf32>
        tpu.vector_store %arg20[%swap3A_197, %swap3A_198], %swap3A_201 {strides = array<i32>} : memref<16x128xf32, #tpu.memory_space<vmem>>, vector<1x16xf32>,
        %get3A_202 = arith.constant 0 : i32
        %get3A_203 = arith.index_cast %get3A_202 : i32 to index
        %get3A_204 = arith.index_cast %scan3A_165 : i32 to index
        %get3A_205 = arith.constant 32 : index
        %get3A_206 = tpu.vector_load %arg19[%get3A_203, %get3A_204, %get3A_205] {strides = array<i32>} : memref<3x16x128xf32, #tpu.memory_space<vmem>>, vector<1x1x16xf32>,
        %get3A_207 = vector.shape_cast %get3A_206 : vector<1x1x16xf32> to vector<16xf32>
        %get3A_208 = arith.constant 1 : i32
        %get3A_209 = arith.index_cast %get3A_208 : i32 to index
        %get3A_210 = arith.index_cast %scan3A_165 : i32 to index
        %get3A_211 = arith.constant 32 : index
        %get3A_212 = tpu.vector_load %arg19[%get3A_209, %get3A_210, %get3A_211] {strides = array<i32>} : memref<3x16x128xf32, #tpu.memory_space<vmem>>, vector<1x1x16xf32>,
        %get3A_213 = vector.shape_cast %get3A_212 : vector<1x1x16xf32> to vector<16xf32>
        %add3A_214 = arith.addf %get3A_207, %get3A_213 : vector<16xf32>
        %swap3A_215 = arith.index_cast %scan3A_165 : i32 to index
        %swap3A_216 = arith.constant 32 : index
        %swap3A_217 = tpu.vector_load %arg20[%swap3A_215, %swap3A_216] {strides = array<i32>} : memref<16x128xf32, #tpu.memory_space<vmem>>, vector<1x16xf32>,
        %swap3A_218 = vector.shape_cast %swap3A_217 : vector<1x16xf32> to vector<16xf32>
        %swap3A_219 = vector.shape_cast %add3A_214 : vector<16xf32> to vector<1x16xf32>
        tpu.vector_store %arg20[%swap3A_215, %swap3A_216], %swap3A_219 {strides = array<i32>} : memref<16x128xf32, #tpu.memory_space<vmem>>, vector<1x16xf32>,
        %get3A_220 = arith.constant 0 : i32
        %get3A_221 = arith.index_cast %get3A_220 : i32 to index
        %get3A_222 = arith.index_cast %scan3A_165 : i32 to index
        %get3A_223 = arith.constant 48 : index
        %get3A_224 = tpu.vector_load %arg19[%get3A_221, %get3A_222, %get3A_223] {strides = array<i32>} : memref<3x16x128xf32, #tpu.memory_space<vmem>>, vector<1x1x16xf32>,
        %get3A_225 = vector.shape_cast %get3A_224 : vector<1x1x16xf32> to vector<16xf32>
        %get3A_226 = arith.constant 1 : i32
        %get3A_227 = arith.index_cast %get3A_226 : i32 to index
        %get3A_228 = arith.index_cast %scan3A_165 : i32 to index
        %get3A_229 = arith.constant 48 : index
        %get3A_230 = tpu.vector_load %arg19[%get3A_227, %get3A_228, %get3A_229] {strides = array<i32>} : memref<3x16x128xf32, #tpu.memory_space<vmem>>, vector<1x1x16xf32>,
        %get3A_231 = vector.shape_cast %get3A_230 : vector<1x1x16xf32> to vector<16xf32>
        %add3A_232 = arith.addf %get3A_225, %get3A_231 : vector<16xf32>
        %swap3A_233 = arith.index_cast %scan3A_165 : i32 to index
        %swap3A_234 = arith.constant 48 : index
        %swap3A_235 = tpu.vector_load %arg20[%swap3A_233, %swap3A_234] {strides = array<i32>} : memref<16x128xf32, #tpu.memory_space<vmem>>, vector<1x16xf32>,
        %swap3A_236 = vector.shape_cast %swap3A_235 : vector<1x16xf32> to vector<16xf32>
        %swap3A_237 = vector.shape_cast %add3A_232 : vector<16xf32> to vector<1x16xf32>
        tpu.vector_store %arg20[%swap3A_233, %swap3A_234], %swap3A_237 {strides = array<i32>} : memref<16x128xf32, #tpu.memory_space<vmem>>, vector<1x16xf32>,
        %get3A_238 = arith.constant 0 : i32
        %get3A_239 = arith.index_cast %get3A_238 : i32 to index
        %get3A_240 = arith.index_cast %scan3A_165 : i32 to index
        %get3A_241 = arith.constant 64 : index
        %get3A_242 = tpu.vector_load %arg19[%get3A_239, %get3A_240, %get3A_241] {strides = array<i32>} : memref<3x16x128xf32, #tpu.memory_space<vmem>>, vector<1x1x16xf32>,
        %get3A_243 = vector.shape_cast %get3A_242 : vector<1x1x16xf32> to vector<16xf32>
        %get3A_244 = arith.constant 1 : i32
        %get3A_245 = arith.index_cast %get3A_244 : i32 to index
        %get3A_246 = arith.index_cast %scan3A_165 : i32 to index
        %get3A_247 = arith.constant 64 : index
        %get3A_248 = tpu.vector_load %arg19[%get3A_245, %get3A_246, %get3A_247] {strides = array<i32>} : memref<3x16x128xf32, #tpu.memory_space<vmem>>, vector<1x1x16xf32>,
        %get3A_249 = vector.shape_cast %get3A_248 : vector<1x1x16xf32> to vector<16xf32>
        %add3A_250 = arith.addf %get3A_243, %get3A_249 : vector<16xf32>
        %swap3A_251 = arith.index_cast %scan3A_165 : i32 to index
        %swap3A_252 = arith.constant 64 : index
        %swap3A_253 = tpu.vector_load %arg20[%swap3A_251, %swap3A_252] {strides = array<i32>} : memref<16x128xf32, #tpu.memory_space<vmem>>, vector<1x16xf32>,
        %swap3A_254 = vector.shape_cast %swap3A_253 : vector<1x16xf32> to vector<16xf32>
        %swap3A_255 = vector.shape_cast %add3A_250 : vector<16xf32> to vector<1x16xf32>
        tpu.vector_store %arg20[%swap3A_251, %swap3A_252], %swap3A_255 {strides = array<i32>} : memref<16x128xf32, #tpu.memory_space<vmem>>, vector<1x16xf32>,
        %get3A_256 = arith.constant 0 : i32
        %get3A_257 = arith.index_cast %get3A_256 : i32 to index
        %get3A_258 = arith.index_cast %scan3A_165 : i32 to index
        %get3A_259 = arith.constant 80 : index
        %get3A_260 = tpu.vector_load %arg19[%get3A_257, %get3A_258, %get3A_259] {strides = array<i32>} : memref<3x16x128xf32, #tpu.memory_space<vmem>>, vector<1x1x16xf32>,
        %get3A_261 = vector.shape_cast %get3A_260 : vector<1x1x16xf32> to vector<16xf32>
        %get3A_262 = arith.constant 1 : i32
        %get3A_263 = arith.index_cast %get3A_262 : i32 to index
        %get3A_264 = arith.index_cast %scan3A_165 : i32 to index
        %get3A_265 = arith.constant 80 : index
        %get3A_266 = tpu.vector_load %arg19[%get3A_263, %get3A_264, %get3A_265] {strides = array<i32>} : memref<3x16x128xf32, #tpu.memory_space<vmem>>, vector<1x1x16xf32>,
        %get3A_267 = vector.shape_cast %get3A_266 : vector<1x1x16xf32> to vector<16xf32>
        %add3A_268 = arith.addf %get3A_261, %get3A_267 : vector<16xf32>
        %swap3A_269 = arith.index_cast %scan3A_165 : i32 to index
        %swap3A_270 = arith.constant 80 : index
        %swap3A_271 = tpu.vector_load %arg20[%swap3A_269, %swap3A_270] {strides = array<i32>} : memref<16x128xf32, #tpu.memory_space<vmem>>, vector<1x16xf32>,
        %swap3A_272 = vector.shape_cast %swap3A_271 : vector<1x16xf32> to vector<16xf32>
        %swap3A_273 = vector.shape_cast %add3A_268 : vector<16xf32> to vector<1x16xf32>
        tpu.vector_store %arg20[%swap3A_269, %swap3A_270], %swap3A_273 {strides = array<i32>} : memref<16x128xf32, #tpu.memory_space<vmem>>, vector<1x16xf32>,
        %get3A_274 = arith.constant 0 : i32
        %get3A_275 = arith.index_cast %get3A_274 : i32 to index
        %get3A_276 = arith.index_cast %scan3A_165 : i32 to index
        %get3A_277 = arith.constant 96 : index
        %get3A_278 = tpu.vector_load %arg19[%get3A_275, %get3A_276, %get3A_277] {strides = array<i32>} : memref<3x16x128xf32, #tpu.memory_space<vmem>>, vector<1x1x16xf32>,
        %get3A_279 = vector.shape_cast %get3A_278 : vector<1x1x16xf32> to vector<16xf32>
        %get3A_280 = arith.constant 1 : i32
        %get3A_281 = arith.index_cast %get3A_280 : i32 to index
        %get3A_282 = arith.index_cast %scan3A_165 : i32 to index
        %get3A_283 = arith.constant 96 : index
        %get3A_284 = tpu.vector_load %arg19[%get3A_281, %get3A_282, %get3A_283] {strides = array<i32>} : memref<3x16x128xf32, #tpu.memory_space<vmem>>, vector<1x1x16xf32>,
        %get3A_285 = vector.shape_cast %get3A_284 : vector<1x1x16xf32> to vector<16xf32>
        %add3A_286 = arith.addf %get3A_279, %get3A_285 : vector<16xf32>
        %swap3A_287 = arith.index_cast %scan3A_165 : i32 to index
        %swap3A_288 = arith.constant 96 : index
        %swap3A_289 = tpu.vector_load %arg20[%swap3A_287, %swap3A_288] {strides = array<i32>} : memref<16x128xf32, #tpu.memory_space<vmem>>, vector<1x16xf32>,
        %swap3A_290 = vector.shape_cast %swap3A_289 : vector<1x16xf32> to vector<16xf32>
        %swap3A_291 = vector.shape_cast %add3A_286 : vector<16xf32> to vector<1x16xf32>
        tpu.vector_store %arg20[%swap3A_287, %swap3A_288], %swap3A_291 {strides = array<i32>} : memref<16x128xf32, #tpu.memory_space<vmem>>, vector<1x16xf32>,
        %get3A_292 = arith.constant 0 : i32
        %get3A_293 = arith.index_cast %get3A_292 : i32 to index
        %get3A_294 = arith.index_cast %scan3A_165 : i32 to index
        %get3A_295 = arith.constant 112 : index
        %get3A_296 = tpu.vector_load %arg19[%get3A_293, %get3A_294, %get3A_295] {strides = array<i32>} : memref<3x16x128xf32, #tpu.memory_space<vmem>>, vector<1x1x16xf32>,
        %get3A_297 = vector.shape_cast %get3A_296 : vector<1x1x16xf32> to vector<16xf32>
        %get3A_298 = arith.constant 1 : i32
        %get3A_299 = arith.index_cast %get3A_298 : i32 to index
        %get3A_300 = arith.index_cast %scan3A_165 : i32 to index
        %get3A_301 = arith.constant 112 : index
        %get3A_302 = tpu.vector_load %arg19[%get3A_299, %get3A_300, %get3A_301] {strides = array<i32>} : memref<3x16x128xf32, #tpu.memory_space<vmem>>, vector<1x1x16xf32>,
        %get3A_303 = vector.shape_cast %get3A_302 : vector<1x1x16xf32> to vector<16xf32>
        %add3A_304 = arith.addf %get3A_297, %get3A_303 : vector<16xf32>
        %swap3A_305 = arith.index_cast %scan3A_165 : i32 to index
        %swap3A_306 = arith.constant 112 : index
        %swap3A_307 = tpu.vector_load %arg20[%swap3A_305, %swap3A_306] {strides = array<i32>} : memref<16x128xf32, #tpu.memory_space<vmem>>, vector<1x16xf32>,
        %swap3A_308 = vector.shape_cast %swap3A_307 : vector<1x16xf32> to vector<16xf32>
        %swap3A_309 = vector.shape_cast %add3A_304 : vector<16xf32> to vector<1x16xf32>
        tpu.vector_store %arg20[%swap3A_305, %swap3A_306], %swap3A_309 {strides = array<i32>} : memref<16x128xf32, #tpu.memory_space<vmem>>, vector<1x16xf32>,
      }
      %scan3A_138 = arith.constant 16 : i32
      %dma_start3A_139 = arith.constant 0 : i32
      %dma_start3A_140 = tpu.memref_slice %arg10[%mul3A_32, %dma_start3A_139] : memref<128x128xf32, #tpu.memory_space<hbm>> -> memref<16x128xf32, #tpu.memory_space<hbm>>
      %dma_start3A_141 = arith.constant 0 : i32
      %dma_start3A_142 = tpu.memref_slice %arg10[%mul3A_32, %dma_start3A_141] : memref<128x128xf32, #tpu.memory_space<hbm>> -> memref<16x128xf32, #tpu.memory_space<hbm>>
      tpu.enqueue_dma source(%arg20 : memref<16x128xf32, #tpu.memory_space<vmem>>) target(%dma_start3A_142 : memref<16x128xf32, #tpu.memory_space<hbm>>) target_semaphore(%arg23 : memref<!tpu.dma_semaphore, #tpu.memory_space<semaphore_mem>>)
      %dma_start3A_143 = arith.constant 1 : i32
      %dma_start3A_144 = tpu.memref_slice %arg13[%dma_start3A_143, %mul3A_32] : memref<4x128xf32, #tpu.memory_space<hbm>> -> memref<1x16xf32, #tpu.memory_space<hbm>>
      %dma_start3A_145 = tpu.memref_squeeze %dma_start3A_144 : memref<1x16xf32, #tpu.memory_space<hbm>> -> memref<16xf32, #tpu.memory_space<hbm>>
      %dma_start3A_146 = tpu.memref_slice %arg13[%dma_start3A_143, %mul3A_32] : memref<4x128xf32, #tpu.memory_space<hbm>> -> memref<1x16xf32, #tpu.memory_space<hbm>>
      %dma_start3A_147 = tpu.memref_squeeze %dma_start3A_146 : memref<1x16xf32, #tpu.memory_space<hbm>> -> memref<16xf32, #tpu.memory_space<hbm>>
      tpu.enqueue_dma source(%arg21 : memref<16xf32, #tpu.memory_space<vmem>>) target(%dma_start3A_147 : memref<16xf32, #tpu.memory_space<hbm>>) target_semaphore(%arg23 : memref<!tpu.dma_semaphore, #tpu.memory_space<semaphore_mem>>)
      %dma_start3A_148 = arith.constant 0 : i32
      %dma_start3A_149 = tpu.memref_slice %arg7[%mul3A_32, %dma_start3A_148] : memref<128x128xf32, #tpu.memory_space<hbm>> -> memref<16x128xf32, #tpu.memory_space<hbm>>
      %dma_start3A_150 = arith.constant 0 : i32
      %dma_start3A_151 = tpu.memref_slice %arg7[%mul3A_32, %dma_start3A_150] : memref<128x128xf32, #tpu.memory_space<hbm>> -> memref<16x128xf32, #tpu.memory_space<hbm>>
      tpu.enqueue_dma source(%arg15 : memref<16x128xf32, #tpu.memory_space<vmem>>) target(%dma_start3A_151 : memref<16x128xf32, #tpu.memory_space<hbm>>) target_semaphore(%arg23 : memref<!tpu.dma_semaphore, #tpu.memory_space<semaphore_mem>>)
      %dma_wait3A_152 = arith.constant 0 : i32
      %dma_wait3A_153 = tpu.memref_slice %arg10[%mul3A_32, %dma_wait3A_152] : memref<128x128xf32, #tpu.memory_space<hbm>> -> memref<16x128xf32, #tpu.memory_space<hbm>>
      %dma_wait3A_154 = arith.constant 0 : i32
      %dma_wait3A_155 = tpu.memref_slice %arg10[%mul3A_32, %dma_wait3A_154] : memref<128x128xf32, #tpu.memory_space<hbm>> -> memref<16x128xf32, #tpu.memory_space<hbm>>
      tpu.wait_dma2 semaphore(%arg23 : memref<!tpu.dma_semaphore, #tpu.memory_space<semaphore_mem>>) src(%arg20 : memref<16x128xf32, #tpu.memory_space<vmem>>) dst(%dma_wait3A_155 : memref<16x128xf32, #tpu.memory_space<hbm>>)
      %dma_wait3A_156 = arith.constant 1 : i32
      %dma_wait3A_157 = tpu.memref_slice %arg13[%dma_wait3A_156, %mul3A_32] : memref<4x128xf32, #tpu.memory_space<hbm>> -> memref<1x16xf32, #tpu.memory_space<hbm>>
      %dma_wait3A_158 = tpu.memref_squeeze %dma_wait3A_157 : memref<1x16xf32, #tpu.memory_space<hbm>> -> memref<16xf32, #tpu.memory_space<hbm>>
      %dma_wait3A_159 = tpu.memref_slice %arg13[%dma_wait3A_156, %mul3A_32] : memref<4x128xf32, #tpu.memory_space<hbm>> -> memref<1x16xf32, #tpu.memory_space<hbm>>
      %dma_wait3A_160 = tpu.memref_squeeze %dma_wait3A_159 : memref<1x16xf32, #tpu.memory_space<hbm>> -> memref<16xf32, #tpu.memory_space<hbm>>
      tpu.wait_dma2 semaphore(%arg23 : memref<!tpu.dma_semaphore, #tpu.memory_space<semaphore_mem>>) src(%arg21 : memref<16xf32, #tpu.memory_space<vmem>>) dst(%dma_wait3A_160 : memref<16xf32, #tpu.memory_space<hbm>>)
      %dma_wait3A_161 = arith.constant 0 : i32
      %dma_wait3A_162 = tpu.memref_slice %arg7[%mul3A_32, %dma_wait3A_161] : memref<128x128xf32, #tpu.memory_space<hbm>> -> memref<16x128xf32, #tpu.memory_space<hbm>>
      %dma_wait3A_163 = arith.constant 0 : i32
      %dma_wait3A_164 = tpu.memref_slice %arg7[%mul3A_32, %dma_wait3A_163] : memref<128x128xf32, #tpu.memory_space<hbm>> -> memref<16x128xf32, #tpu.memory_space<hbm>>
      tpu.wait_dma2 semaphore(%arg23 : memref<!tpu.dma_semaphore, #tpu.memory_space<semaphore_mem>>) src(%arg15 : memref<16x128xf32, #tpu.memory_space<vmem>>) dst(%dma_wait3A_164 : memref<16x128xf32, #tpu.memory_space<hbm>>)
    } else {
    }
    %eq3A_41 = arith.constant 2 : i32
    %eq3A_42 = arith.cmpi eq, %select_n3A_30, %eq3A_41 : i32
    %convert_element_type3A_43 = arith.extui %eq3A_42 : i1 to i32
    %cond3A_44 = arith.constant 0 : i32
    %cond3A_45 = arith.cmpi ne, %convert_element_type3A_43, %cond3A_44 : i32
    scf.if %cond3A_45 {
      %dma_start3A = arith.constant 5 : i32
      %dma_start3A_51 = tpu.memref_slice %arg4[%dma_start3A, %mul3A_32] : memref<10x128xi32, #tpu.memory_space<hbm>> -> memref<1x16xi32, #tpu.memory_space<hbm>>
      %dma_start3A_52 = tpu.memref_squeeze %dma_start3A_51 : memref<1x16xi32, #tpu.memory_space<hbm>> -> memref<16xi32, #tpu.memory_space<hbm>>
      %dma_start3A_53 = tpu.memref_slice %arg4[%dma_start3A, %mul3A_32] : memref<10x128xi32, #tpu.memory_space<hbm>> -> memref<1x16xi32, #tpu.memory_space<hbm>>
      %dma_start3A_54 = tpu.memref_squeeze %dma_start3A_53 : memref<1x16xi32, #tpu.memory_space<hbm>> -> memref<16xi32, #tpu.memory_space<hbm>>
      tpu.enqueue_dma source(%dma_start3A_54 : memref<16xi32, #tpu.memory_space<hbm>>) target(%arg16 : memref<16xi32, #tpu.memory_space<vmem>>) target_semaphore(%arg23 : memref<!tpu.dma_semaphore, #tpu.memory_space<semaphore_mem>>)
      %dma_start3A_55 = arith.constant 6 : i32
      %dma_start3A_56 = tpu.memref_slice %arg4[%dma_start3A_55, %mul3A_32] : memref<10x128xi32, #tpu.memory_space<hbm>> -> memref<1x16xi32, #tpu.memory_space<hbm>>
      %dma_start3A_57 = tpu.memref_squeeze %dma_start3A_56 : memref<1x16xi32, #tpu.memory_space<hbm>> -> memref<16xi32, #tpu.memory_space<hbm>>
      %dma_start3A_58 = tpu.memref_slice %arg4[%dma_start3A_55, %mul3A_32] : memref<10x128xi32, #tpu.memory_space<hbm>> -> memref<1x16xi32, #tpu.memory_space<hbm>>
      %dma_start3A_59 = tpu.memref_squeeze %dma_start3A_58 : memref<1x16xi32, #tpu.memory_space<hbm>> -> memref<16xi32, #tpu.memory_space<hbm>>
      tpu.enqueue_dma source(%dma_start3A_59 : memref<16xi32, #tpu.memory_space<hbm>>) target(%arg17 : memref<16xi32, #tpu.memory_space<vmem>>) target_semaphore(%arg23 : memref<!tpu.dma_semaphore, #tpu.memory_space<semaphore_mem>>)
      %dma_start3A_60 = tpu.memref_slice %arg3[%mul3A_32] : memref<128xi32, #tpu.memory_space<hbm>> -> memref<16xi32, #tpu.memory_space<hbm>>
      %dma_start3A_61 = tpu.memref_slice %arg3[%mul3A_32] : memref<128xi32, #tpu.memory_space<hbm>> -> memref<16xi32, #tpu.memory_space<hbm>>
      tpu.enqueue_dma source(%dma_start3A_61 : memref<16xi32, #tpu.memory_space<hbm>>) target(%arg14 : memref<16xi32, #tpu.memory_space<vmem>>) target_semaphore(%arg23 : memref<!tpu.dma_semaphore, #tpu.memory_space<semaphore_mem>>)
      %dma_wait3A = arith.constant 5 : i32
      %dma_wait3A_62 = tpu.memref_slice %arg4[%dma_wait3A, %mul3A_32] : memref<10x128xi32, #tpu.memory_space<hbm>> -> memref<1x16xi32, #tpu.memory_space<hbm>>
      %dma_wait3A_63 = tpu.memref_squeeze %dma_wait3A_62 : memref<1x16xi32, #tpu.memory_space<hbm>> -> memref<16xi32, #tpu.memory_space<hbm>>
      %dma_wait3A_64 = tpu.memref_slice %arg4[%dma_wait3A, %mul3A_32] : memref<10x128xi32, #tpu.memory_space<hbm>> -> memref<1x16xi32, #tpu.memory_space<hbm>>
      %dma_wait3A_65 = tpu.memref_squeeze %dma_wait3A_64 : memref<1x16xi32, #tpu.memory_space<hbm>> -> memref<16xi32, #tpu.memory_space<hbm>>
      tpu.wait_dma2 semaphore(%arg23 : memref<!tpu.dma_semaphore, #tpu.memory_space<semaphore_mem>>) src(%dma_wait3A_65 : memref<16xi32, #tpu.memory_space<hbm>>) dst(%arg16 : memref<16xi32, #tpu.memory_space<vmem>>)
      %dma_wait3A_66 = arith.constant 6 : i32
      %dma_wait3A_67 = tpu.memref_slice %arg4[%dma_wait3A_66, %mul3A_32] : memref<10x128xi32, #tpu.memory_space<hbm>> -> memref<1x16xi32, #tpu.memory_space<hbm>>
      %dma_wait3A_68 = tpu.memref_squeeze %dma_wait3A_67 : memref<1x16xi32, #tpu.memory_space<hbm>> -> memref<16xi32, #tpu.memory_space<hbm>>
      %dma_wait3A_69 = tpu.memref_slice %arg4[%dma_wait3A_66, %mul3A_32] : memref<10x128xi32, #tpu.memory_space<hbm>> -> memref<1x16xi32, #tpu.memory_space<hbm>>
      %dma_wait3A_70 = tpu.memref_squeeze %dma_wait3A_69 : memref<1x16xi32, #tpu.memory_space<hbm>> -> memref<16xi32, #tpu.memory_space<hbm>>
      tpu.wait_dma2 semaphore(%arg23 : memref<!tpu.dma_semaphore, #tpu.memory_space<semaphore_mem>>) src(%dma_wait3A_70 : memref<16xi32, #tpu.memory_space<hbm>>) dst(%arg17 : memref<16xi32, #tpu.memory_space<vmem>>)
      %dma_wait3A_71 = tpu.memref_slice %arg3[%mul3A_32] : memref<128xi32, #tpu.memory_space<hbm>> -> memref<16xi32, #tpu.memory_space<hbm>>
      %dma_wait3A_72 = tpu.memref_slice %arg3[%mul3A_32] : memref<128xi32, #tpu.memory_space<hbm>> -> memref<16xi32, #tpu.memory_space<hbm>>
      tpu.wait_dma2 semaphore(%arg23 : memref<!tpu.dma_semaphore, #tpu.memory_space<semaphore_mem>>) src(%dma_wait3A_72 : memref<16xi32, #tpu.memory_space<hbm>>) dst(%arg14 : memref<16xi32, #tpu.memory_space<vmem>>)
      %dma_start3A_73 = arith.constant 0 : i32
      %dma_start3A_74 = arith.constant 0 : i32
      %dma_start3A_75 = arith.constant 0 : i32
      %dma_start3A_76 = tpu.memref_slice %arg19[%dma_start3A_73, %dma_start3A_74, %dma_start3A_75] : memref<3x16x128xf32, #tpu.memory_space<vmem>> -> memref<1x16x128xf32, #tpu.memory_space<vmem>>
      %dma_start3A_77 = tpu.memref_squeeze %dma_start3A_76 : memref<1x16x128xf32, #tpu.memory_space<vmem>> -> memref<16x128xf32, #tpu.memory_space<vmem>>
      %dma_start3A_78 = arith.constant 0 : i32
      %dma_start3A_79 = arith.constant 0 : i32
      %dma_start3A_80 = tpu.memref_slice %arg5[%dma_start3A_78, %dma_start3A_79] : memref<50000x128xf32, #tpu.memory_space<hbm>> -> memref<50000x128xf32, #tpu.memory_space<hbm>>
      tpu.enqueue_indirect_dma source(%dma_start3A_80 : memref<50000x128xf32, #tpu.memory_space<hbm>>) target(%dma_start3A_77 : memref<16x128xf32, #tpu.memory_space<vmem>>) offsets(%arg16 : memref<16xi32, #tpu.memory_space<vmem>>) semaphore(%arg22 : memref<!tpu.dma_semaphore, #tpu.memory_space<semaphore_mem>>)
      %dma_start3A_81 = arith.constant 1 : i32
      %dma_start3A_82 = arith.constant 0 : i32
      %dma_start3A_83 = arith.constant 0 : i32
      %dma_start3A_84 = tpu.memref_slice %arg19[%dma_start3A_81, %dma_start3A_82, %dma_start3A_83] : memref<3x16x128xf32, #tpu.memory_space<vmem>> -> memref<1x16x128xf32, #tpu.memory_space<vmem>>
      %dma_start3A_85 = tpu.memref_squeeze %dma_start3A_84 : memref<1x16x128xf32, #tpu.memory_space<vmem>> -> memref<16x128xf32, #tpu.memory_space<vmem>>
      %dma_start3A_86 = arith.constant 0 : i32
      %dma_start3A_87 = arith.constant 0 : i32
      %dma_start3A_88 = tpu.memref_slice %arg5[%dma_start3A_86, %dma_start3A_87] : memref<50000x128xf32, #tpu.memory_space<hbm>> -> memref<50000x128xf32, #tpu.memory_space<hbm>>
      tpu.enqueue_indirect_dma source(%dma_start3A_88 : memref<50000x128xf32, #tpu.memory_space<hbm>>) target(%dma_start3A_85 : memref<16x128xf32, #tpu.memory_space<vmem>>) offsets(%arg17 : memref<16xi32, #tpu.memory_space<vmem>>) semaphore(%arg22 : memref<!tpu.dma_semaphore, #tpu.memory_space<semaphore_mem>>)
      %dma_start3A_89 = arith.constant 0 : i32
      %dma_start3A_90 = arith.constant 0 : i32
      %dma_start3A_91 = tpu.memref_slice %arg6[%dma_start3A_89, %dma_start3A_90] : memref<474x128xf32, #tpu.memory_space<hbm>> -> memref<474x128xf32, #tpu.memory_space<hbm>>
      tpu.enqueue_indirect_dma source(%dma_start3A_91 : memref<474x128xf32, #tpu.memory_space<hbm>>) target(%arg15 : memref<16x128xf32, #tpu.memory_space<vmem>>) offsets(%arg14 : memref<16xi32, #tpu.memory_space<vmem>>) semaphore(%arg22 : memref<!tpu.dma_semaphore, #tpu.memory_space<semaphore_mem>>)
      %get3A = arith.constant 0 : index
      %get3A_92 = tpu.vector_load %arg16[%get3A] {strides = array<i32>} : memref<16xi32, #tpu.memory_space<vmem>>, vector<16xi32>,
      %get3A_93 = vector.shape_cast %get3A_92 : vector<16xi32> to vector<16xi32>
      %ge3A = arith.constant 1373 : i32
      %ge3A_94 = vector.broadcast %ge3A : i32 to vector<16xi32>
      %ge3A_95 = arith.cmpi sge, %get3A_93, %ge3A_94 : vector<16xi32>
      %jit3A_96 = arith.constant 1.000000e+00 : f32
      %jit3A_97 = arith.constant 0.000000e+00 : f32
      %broadcast_in_dim3A = vector.broadcast %jit3A_96 : f32 to vector<16xf32>
      %broadcast_in_dim3A_98 = vector.broadcast %jit3A_97 : f32 to vector<16xf32>
      %select_n3A_99 = arith.select %ge3A_95, %broadcast_in_dim3A, %broadcast_in_dim3A_98 : vector<16xi1>, vector<16xf32>
      %get3A_100 = arith.constant 0 : index
      %get3A_101 = tpu.vector_load %arg17[%get3A_100] {strides = array<i32>} : memref<16xi32, #tpu.memory_space<vmem>>, vector<16xi32>,
      %get3A_102 = vector.shape_cast %get3A_101 : vector<16xi32> to vector<16xi32>
      %ge3A_103 = arith.constant 1373 : i32
      %ge3A_104 = vector.broadcast %ge3A_103 : i32 to vector<16xi32>
      %ge3A_105 = arith.cmpi sge, %get3A_102, %ge3A_104 : vector<16xi32>
      %jit3A_106 = arith.constant 1.000000e+00 : f32
      %jit3A_107 = arith.constant 0.000000e+00 : f32
      %broadcast_in_dim3A_108 = vector.broadcast %jit3A_106 : f32 to vector<16xf32>
      %broadcast_in_dim3A_109 = vector.broadcast %jit3A_107 : f32 to vector<16xf32>
      %select_n3A_110 = arith.select %ge3A_105, %broadcast_in_dim3A_108, %broadcast_in_dim3A_109 : vector<16xi1>, vector<16xf32>
      %add3A_111 = arith.addf %select_n3A_99, %select_n3A_110 : vector<16xf32>
      %swap3A = arith.constant 0 : index
      %swap3A_112 = tpu.vector_load %arg21[%swap3A] {strides = array<i32>} : memref<16xf32, #tpu.memory_space<vmem>>, vector<16xf32>,
      %swap3A_113 = vector.shape_cast %swap3A_112 : vector<16xf32> to vector<16xf32>
      %swap3A_114 = vector.shape_cast %add3A_111 : vector<16xf32> to vector<16xf32>
      tpu.vector_store %arg21[%swap3A], %swap3A_114 {strides = array<i32>} : memref<16xf32, #tpu.memory_space<vmem>>, vector<16xf32>,
      %dma_wait3A_115 = arith.constant 0 : i32
      %dma_wait3A_116 = arith.constant 0 : i32
      %dma_wait3A_117 = arith.constant 0 : i32
      %dma_wait3A_118 = tpu.memref_slice %arg19[%dma_wait3A_115, %dma_wait3A_116, %dma_wait3A_117] : memref<3x16x128xf32, #tpu.memory_space<vmem>> -> memref<1x16x128xf32, #tpu.memory_space<vmem>>
      %dma_wait3A_119 = tpu.memref_squeeze %dma_wait3A_118 : memref<1x16x128xf32, #tpu.memory_space<vmem>> -> memref<16x128xf32, #tpu.memory_space<vmem>>
      %dma_wait3A_120 = arith.constant 0 : i32
      %dma_wait3A_121 = arith.constant 0 : i32
      %dma_wait3A_122 = tpu.memref_slice %arg5[%dma_wait3A_120, %dma_wait3A_121] : memref<50000x128xf32, #tpu.memory_space<hbm>> -> memref<50000x128xf32, #tpu.memory_space<hbm>>
      tpu.wait_indirect_dma semaphore(%arg22 : memref<!tpu.dma_semaphore, #tpu.memory_space<semaphore_mem>>) src(%dma_wait3A_122 : memref<50000x128xf32, #tpu.memory_space<hbm>>) dst(%dma_wait3A_119 : memref<16x128xf32, #tpu.memory_space<vmem>>)
      %dma_wait3A_123 = arith.constant 1 : i32
      %dma_wait3A_124 = arith.constant 0 : i32
      %dma_wait3A_125 = arith.constant 0 : i32
      %dma_wait3A_126 = tpu.memref_slice %arg19[%dma_wait3A_123, %dma_wait3A_124, %dma_wait3A_125] : memref<3x16x128xf32, #tpu.memory_space<vmem>> -> memref<1x16x128xf32, #tpu.memory_space<vmem>>
      %dma_wait3A_127 = tpu.memref_squeeze %dma_wait3A_126 : memref<1x16x128xf32, #tpu.memory_space<vmem>> -> memref<16x128xf32, #tpu.memory_space<vmem>>
      %dma_wait3A_128 = arith.constant 0 : i32
      %dma_wait3A_129 = arith.constant 0 : i32
      %dma_wait3A_130 = tpu.memref_slice %arg5[%dma_wait3A_128, %dma_wait3A_129] : memref<50000x128xf32, #tpu.memory_space<hbm>> -> memref<50000x128xf32, #tpu.memory_space<hbm>>
      tpu.wait_indirect_dma semaphore(%arg22 : memref<!tpu.dma_semaphore, #tpu.memory_space<semaphore_mem>>) src(%dma_wait3A_130 : memref<50000x128xf32, #tpu.memory_space<hbm>>) dst(%dma_wait3A_127 : memref<16x128xf32, #tpu.memory_space<vmem>>)
      %dma_wait3A_131 = arith.constant 0 : i32
      %dma_wait3A_132 = arith.constant 0 : i32
      %dma_wait3A_133 = tpu.memref_slice %arg6[%dma_wait3A_131, %dma_wait3A_132] : memref<474x128xf32, #tpu.memory_space<hbm>> -> memref<474x128xf32, #tpu.memory_space<hbm>>
      tpu.wait_indirect_dma semaphore(%arg22 : memref<!tpu.dma_semaphore, #tpu.memory_space<semaphore_mem>>) src(%dma_wait3A_133 : memref<474x128xf32, #tpu.memory_space<hbm>>) dst(%arg15 : memref<16x128xf32, #tpu.memory_space<vmem>>)
      %scan3A = arith.constant 0 : i32
      %scan3A_134 = arith.constant 0 : i32
      %scan3A_135 = arith.constant 16 : i32
      %scan3A_136 = arith.addi %scan3A_134, %scan3A_135 : i32
      %scan3A_137 = arith.constant 1 : i32
      scf.for %scan3A_165 = %scan3A_134 to %scan3A_136 step %scan3A_137  : i32 {
        %get3A_166 = arith.constant 0 : i32
        %get3A_167 = arith.index_cast %get3A_166 : i32 to index
        %get3A_168 = arith.index_cast %scan3A_165 : i32 to index
        %get3A_169 = arith.constant 0 : index
        %get3A_170 = tpu.vector_load %arg19[%get3A_167, %get3A_168, %get3A_169] {strides = array<i32>} : memref<3x16x128xf32, #tpu.memory_space<vmem>>, vector<1x1x16xf32>,
        %get3A_171 = vector.shape_cast %get3A_170 : vector<1x1x16xf32> to vector<16xf32>
        %get3A_172 = arith.constant 1 : i32
        %get3A_173 = arith.index_cast %get3A_172 : i32 to index
        %get3A_174 = arith.index_cast %scan3A_165 : i32 to index
        %get3A_175 = arith.constant 0 : index
        %get3A_176 = tpu.vector_load %arg19[%get3A_173, %get3A_174, %get3A_175] {strides = array<i32>} : memref<3x16x128xf32, #tpu.memory_space<vmem>>, vector<1x1x16xf32>,
        %get3A_177 = vector.shape_cast %get3A_176 : vector<1x1x16xf32> to vector<16xf32>
        %add3A_178 = arith.addf %get3A_171, %get3A_177 : vector<16xf32>
        %swap3A_179 = arith.index_cast %scan3A_165 : i32 to index
        %swap3A_180 = arith.constant 0 : index
        %swap3A_181 = tpu.vector_load %arg20[%swap3A_179, %swap3A_180] {strides = array<i32>} : memref<16x128xf32, #tpu.memory_space<vmem>>, vector<1x16xf32>,
        %swap3A_182 = vector.shape_cast %swap3A_181 : vector<1x16xf32> to vector<16xf32>
        %swap3A_183 = vector.shape_cast %add3A_178 : vector<16xf32> to vector<1x16xf32>
        tpu.vector_store %arg20[%swap3A_179, %swap3A_180], %swap3A_183 {strides = array<i32>} : memref<16x128xf32, #tpu.memory_space<vmem>>, vector<1x16xf32>,
        %get3A_184 = arith.constant 0 : i32
        %get3A_185 = arith.index_cast %get3A_184 : i32 to index
        %get3A_186 = arith.index_cast %scan3A_165 : i32 to index
        %get3A_187 = arith.constant 16 : index
        %get3A_188 = tpu.vector_load %arg19[%get3A_185, %get3A_186, %get3A_187] {strides = array<i32>} : memref<3x16x128xf32, #tpu.memory_space<vmem>>, vector<1x1x16xf32>,
        %get3A_189 = vector.shape_cast %get3A_188 : vector<1x1x16xf32> to vector<16xf32>
        %get3A_190 = arith.constant 1 : i32
        %get3A_191 = arith.index_cast %get3A_190 : i32 to index
        %get3A_192 = arith.index_cast %scan3A_165 : i32 to index
        %get3A_193 = arith.constant 16 : index
        %get3A_194 = tpu.vector_load %arg19[%get3A_191, %get3A_192, %get3A_193] {strides = array<i32>} : memref<3x16x128xf32, #tpu.memory_space<vmem>>, vector<1x1x16xf32>,
        %get3A_195 = vector.shape_cast %get3A_194 : vector<1x1x16xf32> to vector<16xf32>
        %add3A_196 = arith.addf %get3A_189, %get3A_195 : vector<16xf32>
        %swap3A_197 = arith.index_cast %scan3A_165 : i32 to index
        %swap3A_198 = arith.constant 16 : index
        %swap3A_199 = tpu.vector_load %arg20[%swap3A_197, %swap3A_198] {strides = array<i32>} : memref<16x128xf32, #tpu.memory_space<vmem>>, vector<1x16xf32>,
        %swap3A_200 = vector.shape_cast %swap3A_199 : vector<1x16xf32> to vector<16xf32>
        %swap3A_201 = vector.shape_cast %add3A_196 : vector<16xf32> to vector<1x16xf32>
        tpu.vector_store %arg20[%swap3A_197, %swap3A_198], %swap3A_201 {strides = array<i32>} : memref<16x128xf32, #tpu.memory_space<vmem>>, vector<1x16xf32>,
        %get3A_202 = arith.constant 0 : i32
        %get3A_203 = arith.index_cast %get3A_202 : i32 to index
        %get3A_204 = arith.index_cast %scan3A_165 : i32 to index
        %get3A_205 = arith.constant 32 : index
        %get3A_206 = tpu.vector_load %arg19[%get3A_203, %get3A_204, %get3A_205] {strides = array<i32>} : memref<3x16x128xf32, #tpu.memory_space<vmem>>, vector<1x1x16xf32>,
        %get3A_207 = vector.shape_cast %get3A_206 : vector<1x1x16xf32> to vector<16xf32>
        %get3A_208 = arith.constant 1 : i32
        %get3A_209 = arith.index_cast %get3A_208 : i32 to index
        %get3A_210 = arith.index_cast %scan3A_165 : i32 to index
        %get3A_211 = arith.constant 32 : index
        %get3A_212 = tpu.vector_load %arg19[%get3A_209, %get3A_210, %get3A_211] {strides = array<i32>} : memref<3x16x128xf32, #tpu.memory_space<vmem>>, vector<1x1x16xf32>,
        %get3A_213 = vector.shape_cast %get3A_212 : vector<1x1x16xf32> to vector<16xf32>
        %add3A_214 = arith.addf %get3A_207, %get3A_213 : vector<16xf32>
        %swap3A_215 = arith.index_cast %scan3A_165 : i32 to index
        %swap3A_216 = arith.constant 32 : index
        %swap3A_217 = tpu.vector_load %arg20[%swap3A_215, %swap3A_216] {strides = array<i32>} : memref<16x128xf32, #tpu.memory_space<vmem>>, vector<1x16xf32>,
        %swap3A_218 = vector.shape_cast %swap3A_217 : vector<1x16xf32> to vector<16xf32>
        %swap3A_219 = vector.shape_cast %add3A_214 : vector<16xf32> to vector<1x16xf32>
        tpu.vector_store %arg20[%swap3A_215, %swap3A_216], %swap3A_219 {strides = array<i32>} : memref<16x128xf32, #tpu.memory_space<vmem>>, vector<1x16xf32>,
        %get3A_220 = arith.constant 0 : i32
        %get3A_221 = arith.index_cast %get3A_220 : i32 to index
        %get3A_222 = arith.index_cast %scan3A_165 : i32 to index
        %get3A_223 = arith.constant 48 : index
        %get3A_224 = tpu.vector_load %arg19[%get3A_221, %get3A_222, %get3A_223] {strides = array<i32>} : memref<3x16x128xf32, #tpu.memory_space<vmem>>, vector<1x1x16xf32>,
        %get3A_225 = vector.shape_cast %get3A_224 : vector<1x1x16xf32> to vector<16xf32>
        %get3A_226 = arith.constant 1 : i32
        %get3A_227 = arith.index_cast %get3A_226 : i32 to index
        %get3A_228 = arith.index_cast %scan3A_165 : i32 to index
        %get3A_229 = arith.constant 48 : index
        %get3A_230 = tpu.vector_load %arg19[%get3A_227, %get3A_228, %get3A_229] {strides = array<i32>} : memref<3x16x128xf32, #tpu.memory_space<vmem>>, vector<1x1x16xf32>,
        %get3A_231 = vector.shape_cast %get3A_230 : vector<1x1x16xf32> to vector<16xf32>
        %add3A_232 = arith.addf %get3A_225, %get3A_231 : vector<16xf32>
        %swap3A_233 = arith.index_cast %scan3A_165 : i32 to index
        %swap3A_234 = arith.constant 48 : index
        %swap3A_235 = tpu.vector_load %arg20[%swap3A_233, %swap3A_234] {strides = array<i32>} : memref<16x128xf32, #tpu.memory_space<vmem>>, vector<1x16xf32>,
        %swap3A_236 = vector.shape_cast %swap3A_235 : vector<1x16xf32> to vector<16xf32>
        %swap3A_237 = vector.shape_cast %add3A_232 : vector<16xf32> to vector<1x16xf32>
        tpu.vector_store %arg20[%swap3A_233, %swap3A_234], %swap3A_237 {strides = array<i32>} : memref<16x128xf32, #tpu.memory_space<vmem>>, vector<1x16xf32>,
        %get3A_238 = arith.constant 0 : i32
        %get3A_239 = arith.index_cast %get3A_238 : i32 to index
        %get3A_240 = arith.index_cast %scan3A_165 : i32 to index
        %get3A_241 = arith.constant 64 : index
        %get3A_242 = tpu.vector_load %arg19[%get3A_239, %get3A_240, %get3A_241] {strides = array<i32>} : memref<3x16x128xf32, #tpu.memory_space<vmem>>, vector<1x1x16xf32>,
        %get3A_243 = vector.shape_cast %get3A_242 : vector<1x1x16xf32> to vector<16xf32>
        %get3A_244 = arith.constant 1 : i32
        %get3A_245 = arith.index_cast %get3A_244 : i32 to index
        %get3A_246 = arith.index_cast %scan3A_165 : i32 to index
        %get3A_247 = arith.constant 64 : index
        %get3A_248 = tpu.vector_load %arg19[%get3A_245, %get3A_246, %get3A_247] {strides = array<i32>} : memref<3x16x128xf32, #tpu.memory_space<vmem>>, vector<1x1x16xf32>,
        %get3A_249 = vector.shape_cast %get3A_248 : vector<1x1x16xf32> to vector<16xf32>
        %add3A_250 = arith.addf %get3A_243, %get3A_249 : vector<16xf32>
        %swap3A_251 = arith.index_cast %scan3A_165 : i32 to index
        %swap3A_252 = arith.constant 64 : index
        %swap3A_253 = tpu.vector_load %arg20[%swap3A_251, %swap3A_252] {strides = array<i32>} : memref<16x128xf32, #tpu.memory_space<vmem>>, vector<1x16xf32>,
        %swap3A_254 = vector.shape_cast %swap3A_253 : vector<1x16xf32> to vector<16xf32>
        %swap3A_255 = vector.shape_cast %add3A_250 : vector<16xf32> to vector<1x16xf32>
        tpu.vector_store %arg20[%swap3A_251, %swap3A_252], %swap3A_255 {strides = array<i32>} : memref<16x128xf32, #tpu.memory_space<vmem>>, vector<1x16xf32>,
        %get3A_256 = arith.constant 0 : i32
        %get3A_257 = arith.index_cast %get3A_256 : i32 to index
        %get3A_258 = arith.index_cast %scan3A_165 : i32 to index
        %get3A_259 = arith.constant 80 : index
        %get3A_260 = tpu.vector_load %arg19[%get3A_257, %get3A_258, %get3A_259] {strides = array<i32>} : memref<3x16x128xf32, #tpu.memory_space<vmem>>, vector<1x1x16xf32>,
        %get3A_261 = vector.shape_cast %get3A_260 : vector<1x1x16xf32> to vector<16xf32>
        %get3A_262 = arith.constant 1 : i32
        %get3A_263 = arith.index_cast %get3A_262 : i32 to index
        %get3A_264 = arith.index_cast %scan3A_165 : i32 to index
        %get3A_265 = arith.constant 80 : index
        %get3A_266 = tpu.vector_load %arg19[%get3A_263, %get3A_264, %get3A_265] {strides = array<i32>} : memref<3x16x128xf32, #tpu.memory_space<vmem>>, vector<1x1x16xf32>,
        %get3A_267 = vector.shape_cast %get3A_266 : vector<1x1x16xf32> to vector<16xf32>
        %add3A_268 = arith.addf %get3A_261, %get3A_267 : vector<16xf32>
        %swap3A_269 = arith.index_cast %scan3A_165 : i32 to index
        %swap3A_270 = arith.constant 80 : index
        %swap3A_271 = tpu.vector_load %arg20[%swap3A_269, %swap3A_270] {strides = array<i32>} : memref<16x128xf32, #tpu.memory_space<vmem>>, vector<1x16xf32>,
        %swap3A_272 = vector.shape_cast %swap3A_271 : vector<1x16xf32> to vector<16xf32>
        %swap3A_273 = vector.shape_cast %add3A_268 : vector<16xf32> to vector<1x16xf32>
        tpu.vector_store %arg20[%swap3A_269, %swap3A_270], %swap3A_273 {strides = array<i32>} : memref<16x128xf32, #tpu.memory_space<vmem>>, vector<1x16xf32>,
        %get3A_274 = arith.constant 0 : i32
        %get3A_275 = arith.index_cast %get3A_274 : i32 to index
        %get3A_276 = arith.index_cast %scan3A_165 : i32 to index
        %get3A_277 = arith.constant 96 : index
        %get3A_278 = tpu.vector_load %arg19[%get3A_275, %get3A_276, %get3A_277] {strides = array<i32>} : memref<3x16x128xf32, #tpu.memory_space<vmem>>, vector<1x1x16xf32>,
        %get3A_279 = vector.shape_cast %get3A_278 : vector<1x1x16xf32> to vector<16xf32>
        %get3A_280 = arith.constant 1 : i32
        %get3A_281 = arith.index_cast %get3A_280 : i32 to index
        %get3A_282 = arith.index_cast %scan3A_165 : i32 to index
        %get3A_283 = arith.constant 96 : index
        %get3A_284 = tpu.vector_load %arg19[%get3A_281, %get3A_282, %get3A_283] {strides = array<i32>} : memref<3x16x128xf32, #tpu.memory_space<vmem>>, vector<1x1x16xf32>,
        %get3A_285 = vector.shape_cast %get3A_284 : vector<1x1x16xf32> to vector<16xf32>
        %add3A_286 = arith.addf %get3A_279, %get3A_285 : vector<16xf32>
        %swap3A_287 = arith.index_cast %scan3A_165 : i32 to index
        %swap3A_288 = arith.constant 96 : index
        %swap3A_289 = tpu.vector_load %arg20[%swap3A_287, %swap3A_288] {strides = array<i32>} : memref<16x128xf32, #tpu.memory_space<vmem>>, vector<1x16xf32>,
        %swap3A_290 = vector.shape_cast %swap3A_289 : vector<1x16xf32> to vector<16xf32>
        %swap3A_291 = vector.shape_cast %add3A_286 : vector<16xf32> to vector<1x16xf32>
        tpu.vector_store %arg20[%swap3A_287, %swap3A_288], %swap3A_291 {strides = array<i32>} : memref<16x128xf32, #tpu.memory_space<vmem>>, vector<1x16xf32>,
        %get3A_292 = arith.constant 0 : i32
        %get3A_293 = arith.index_cast %get3A_292 : i32 to index
        %get3A_294 = arith.index_cast %scan3A_165 : i32 to index
        %get3A_295 = arith.constant 112 : index
        %get3A_296 = tpu.vector_load %arg19[%get3A_293, %get3A_294, %get3A_295] {strides = array<i32>} : memref<3x16x128xf32, #tpu.memory_space<vmem>>, vector<1x1x16xf32>,
        %get3A_297 = vector.shape_cast %get3A_296 : vector<1x1x16xf32> to vector<16xf32>
        %get3A_298 = arith.constant 1 : i32
        %get3A_299 = arith.index_cast %get3A_298 : i32 to index
        %get3A_300 = arith.index_cast %scan3A_165 : i32 to index
        %get3A_301 = arith.constant 112 : index
        %get3A_302 = tpu.vector_load %arg19[%get3A_299, %get3A_300, %get3A_301] {strides = array<i32>} : memref<3x16x128xf32, #tpu.memory_space<vmem>>, vector<1x1x16xf32>,
        %get3A_303 = vector.shape_cast %get3A_302 : vector<1x1x16xf32> to vector<16xf32>
        %add3A_304 = arith.addf %get3A_297, %get3A_303 : vector<16xf32>
        %swap3A_305 = arith.index_cast %scan3A_165 : i32 to index
        %swap3A_306 = arith.constant 112 : index
        %swap3A_307 = tpu.vector_load %arg20[%swap3A_305, %swap3A_306] {strides = array<i32>} : memref<16x128xf32, #tpu.memory_space<vmem>>, vector<1x16xf32>,
        %swap3A_308 = vector.shape_cast %swap3A_307 : vector<1x16xf32> to vector<16xf32>
        %swap3A_309 = vector.shape_cast %add3A_304 : vector<16xf32> to vector<1x16xf32>
        tpu.vector_store %arg20[%swap3A_305, %swap3A_306], %swap3A_309 {strides = array<i32>} : memref<16x128xf32, #tpu.memory_space<vmem>>, vector<1x16xf32>,
      }
      %scan3A_138 = arith.constant 16 : i32
      %dma_start3A_139 = arith.constant 0 : i32
      %dma_start3A_140 = tpu.memref_slice %arg11[%mul3A_32, %dma_start3A_139] : memref<128x128xf32, #tpu.memory_space<hbm>> -> memref<16x128xf32, #tpu.memory_space<hbm>>
      %dma_start3A_141 = arith.constant 0 : i32
      %dma_start3A_142 = tpu.memref_slice %arg11[%mul3A_32, %dma_start3A_141] : memref<128x128xf32, #tpu.memory_space<hbm>> -> memref<16x128xf32, #tpu.memory_space<hbm>>
      tpu.enqueue_dma source(%arg20 : memref<16x128xf32, #tpu.memory_space<vmem>>) target(%dma_start3A_142 : memref<16x128xf32, #tpu.memory_space<hbm>>) target_semaphore(%arg23 : memref<!tpu.dma_semaphore, #tpu.memory_space<semaphore_mem>>)
      %dma_start3A_143 = arith.constant 2 : i32
      %dma_start3A_144 = tpu.memref_slice %arg13[%dma_start3A_143, %mul3A_32] : memref<4x128xf32, #tpu.memory_space<hbm>> -> memref<1x16xf32, #tpu.memory_space<hbm>>
      %dma_start3A_145 = tpu.memref_squeeze %dma_start3A_144 : memref<1x16xf32, #tpu.memory_space<hbm>> -> memref<16xf32, #tpu.memory_space<hbm>>
      %dma_start3A_146 = tpu.memref_slice %arg13[%dma_start3A_143, %mul3A_32] : memref<4x128xf32, #tpu.memory_space<hbm>> -> memref<1x16xf32, #tpu.memory_space<hbm>>
      %dma_start3A_147 = tpu.memref_squeeze %dma_start3A_146 : memref<1x16xf32, #tpu.memory_space<hbm>> -> memref<16xf32, #tpu.memory_space<hbm>>
      tpu.enqueue_dma source(%arg21 : memref<16xf32, #tpu.memory_space<vmem>>) target(%dma_start3A_147 : memref<16xf32, #tpu.memory_space<hbm>>) target_semaphore(%arg23 : memref<!tpu.dma_semaphore, #tpu.memory_space<semaphore_mem>>)
      %dma_start3A_148 = arith.constant 0 : i32
      %dma_start3A_149 = tpu.memref_slice %arg8[%mul3A_32, %dma_start3A_148] : memref<128x128xf32, #tpu.memory_space<hbm>> -> memref<16x128xf32, #tpu.memory_space<hbm>>
      %dma_start3A_150 = arith.constant 0 : i32
      %dma_start3A_151 = tpu.memref_slice %arg8[%mul3A_32, %dma_start3A_150] : memref<128x128xf32, #tpu.memory_space<hbm>> -> memref<16x128xf32, #tpu.memory_space<hbm>>
      tpu.enqueue_dma source(%arg15 : memref<16x128xf32, #tpu.memory_space<vmem>>) target(%dma_start3A_151 : memref<16x128xf32, #tpu.memory_space<hbm>>) target_semaphore(%arg23 : memref<!tpu.dma_semaphore, #tpu.memory_space<semaphore_mem>>)
      %dma_wait3A_152 = arith.constant 0 : i32
      %dma_wait3A_153 = tpu.memref_slice %arg11[%mul3A_32, %dma_wait3A_152] : memref<128x128xf32, #tpu.memory_space<hbm>> -> memref<16x128xf32, #tpu.memory_space<hbm>>
      %dma_wait3A_154 = arith.constant 0 : i32
      %dma_wait3A_155 = tpu.memref_slice %arg11[%mul3A_32, %dma_wait3A_154] : memref<128x128xf32, #tpu.memory_space<hbm>> -> memref<16x128xf32, #tpu.memory_space<hbm>>
      tpu.wait_dma2 semaphore(%arg23 : memref<!tpu.dma_semaphore, #tpu.memory_space<semaphore_mem>>) src(%arg20 : memref<16x128xf32, #tpu.memory_space<vmem>>) dst(%dma_wait3A_155 : memref<16x128xf32, #tpu.memory_space<hbm>>)
      %dma_wait3A_156 = arith.constant 2 : i32
      %dma_wait3A_157 = tpu.memref_slice %arg13[%dma_wait3A_156, %mul3A_32] : memref<4x128xf32, #tpu.memory_space<hbm>> -> memref<1x16xf32, #tpu.memory_space<hbm>>
      %dma_wait3A_158 = tpu.memref_squeeze %dma_wait3A_157 : memref<1x16xf32, #tpu.memory_space<hbm>> -> memref<16xf32, #tpu.memory_space<hbm>>
      %dma_wait3A_159 = tpu.memref_slice %arg13[%dma_wait3A_156, %mul3A_32] : memref<4x128xf32, #tpu.memory_space<hbm>> -> memref<1x16xf32, #tpu.memory_space<hbm>>
      %dma_wait3A_160 = tpu.memref_squeeze %dma_wait3A_159 : memref<1x16xf32, #tpu.memory_space<hbm>> -> memref<16xf32, #tpu.memory_space<hbm>>
      tpu.wait_dma2 semaphore(%arg23 : memref<!tpu.dma_semaphore, #tpu.memory_space<semaphore_mem>>) src(%arg21 : memref<16xf32, #tpu.memory_space<vmem>>) dst(%dma_wait3A_160 : memref<16xf32, #tpu.memory_space<hbm>>)
      %dma_wait3A_161 = arith.constant 0 : i32
      %dma_wait3A_162 = tpu.memref_slice %arg8[%mul3A_32, %dma_wait3A_161] : memref<128x128xf32, #tpu.memory_space<hbm>> -> memref<16x128xf32, #tpu.memory_space<hbm>>
      %dma_wait3A_163 = arith.constant 0 : i32
      %dma_wait3A_164 = tpu.memref_slice %arg8[%mul3A_32, %dma_wait3A_163] : memref<128x128xf32, #tpu.memory_space<hbm>> -> memref<16x128xf32, #tpu.memory_space<hbm>>
      tpu.wait_dma2 semaphore(%arg23 : memref<!tpu.dma_semaphore, #tpu.memory_space<semaphore_mem>>) src(%arg15 : memref<16x128xf32, #tpu.memory_space<vmem>>) dst(%dma_wait3A_164 : memref<16x128xf32, #tpu.memory_space<hbm>>)
    } else {
    }
    %eq3A_46 = arith.constant 3 : i32
    %eq3A_47 = arith.cmpi eq, %select_n3A_30, %eq3A_46 : i32
    %convert_element_type3A_48 = arith.extui %eq3A_47 : i1 to i32
    %cond3A_49 = arith.constant 0 : i32
    %cond3A_50 = arith.cmpi ne, %convert_element_type3A_48, %cond3A_49 : i32
    scf.if %cond3A_50 {
      %dma_start3A = arith.constant 7 : i32
      %dma_start3A_51 = tpu.memref_slice %arg4[%dma_start3A, %mul3A_32] : memref<10x128xi32, #tpu.memory_space<hbm>> -> memref<1x16xi32, #tpu.memory_space<hbm>>
      %dma_start3A_52 = tpu.memref_squeeze %dma_start3A_51 : memref<1x16xi32, #tpu.memory_space<hbm>> -> memref<16xi32, #tpu.memory_space<hbm>>
      %dma_start3A_53 = tpu.memref_slice %arg4[%dma_start3A, %mul3A_32] : memref<10x128xi32, #tpu.memory_space<hbm>> -> memref<1x16xi32, #tpu.memory_space<hbm>>
      %dma_start3A_54 = tpu.memref_squeeze %dma_start3A_53 : memref<1x16xi32, #tpu.memory_space<hbm>> -> memref<16xi32, #tpu.memory_space<hbm>>
      tpu.enqueue_dma source(%dma_start3A_54 : memref<16xi32, #tpu.memory_space<hbm>>) target(%arg16 : memref<16xi32, #tpu.memory_space<vmem>>) target_semaphore(%arg23 : memref<!tpu.dma_semaphore, #tpu.memory_space<semaphore_mem>>)
      %dma_start3A_55 = arith.constant 8 : i32
      %dma_start3A_56 = tpu.memref_slice %arg4[%dma_start3A_55, %mul3A_32] : memref<10x128xi32, #tpu.memory_space<hbm>> -> memref<1x16xi32, #tpu.memory_space<hbm>>
      %dma_start3A_57 = tpu.memref_squeeze %dma_start3A_56 : memref<1x16xi32, #tpu.memory_space<hbm>> -> memref<16xi32, #tpu.memory_space<hbm>>
      %dma_start3A_58 = tpu.memref_slice %arg4[%dma_start3A_55, %mul3A_32] : memref<10x128xi32, #tpu.memory_space<hbm>> -> memref<1x16xi32, #tpu.memory_space<hbm>>
      %dma_start3A_59 = tpu.memref_squeeze %dma_start3A_58 : memref<1x16xi32, #tpu.memory_space<hbm>> -> memref<16xi32, #tpu.memory_space<hbm>>
      tpu.enqueue_dma source(%dma_start3A_59 : memref<16xi32, #tpu.memory_space<hbm>>) target(%arg17 : memref<16xi32, #tpu.memory_space<vmem>>) target_semaphore(%arg23 : memref<!tpu.dma_semaphore, #tpu.memory_space<semaphore_mem>>)
      %dma_start3A_60 = arith.constant 9 : i32
      %dma_start3A_61 = tpu.memref_slice %arg4[%dma_start3A_60, %mul3A_32] : memref<10x128xi32, #tpu.memory_space<hbm>> -> memref<1x16xi32, #tpu.memory_space<hbm>>
      %dma_start3A_62 = tpu.memref_squeeze %dma_start3A_61 : memref<1x16xi32, #tpu.memory_space<hbm>> -> memref<16xi32, #tpu.memory_space<hbm>>
      %dma_start3A_63 = tpu.memref_slice %arg4[%dma_start3A_60, %mul3A_32] : memref<10x128xi32, #tpu.memory_space<hbm>> -> memref<1x16xi32, #tpu.memory_space<hbm>>
      %dma_start3A_64 = tpu.memref_squeeze %dma_start3A_63 : memref<1x16xi32, #tpu.memory_space<hbm>> -> memref<16xi32, #tpu.memory_space<hbm>>
      tpu.enqueue_dma source(%dma_start3A_64 : memref<16xi32, #tpu.memory_space<hbm>>) target(%arg18 : memref<16xi32, #tpu.memory_space<vmem>>) target_semaphore(%arg23 : memref<!tpu.dma_semaphore, #tpu.memory_space<semaphore_mem>>)
      %dma_wait3A = arith.constant 7 : i32
      %dma_wait3A_65 = tpu.memref_slice %arg4[%dma_wait3A, %mul3A_32] : memref<10x128xi32, #tpu.memory_space<hbm>> -> memref<1x16xi32, #tpu.memory_space<hbm>>
      %dma_wait3A_66 = tpu.memref_squeeze %dma_wait3A_65 : memref<1x16xi32, #tpu.memory_space<hbm>> -> memref<16xi32, #tpu.memory_space<hbm>>
      %dma_wait3A_67 = tpu.memref_slice %arg4[%dma_wait3A, %mul3A_32] : memref<10x128xi32, #tpu.memory_space<hbm>> -> memref<1x16xi32, #tpu.memory_space<hbm>>
      %dma_wait3A_68 = tpu.memref_squeeze %dma_wait3A_67 : memref<1x16xi32, #tpu.memory_space<hbm>> -> memref<16xi32, #tpu.memory_space<hbm>>
      tpu.wait_dma2 semaphore(%arg23 : memref<!tpu.dma_semaphore, #tpu.memory_space<semaphore_mem>>) src(%dma_wait3A_68 : memref<16xi32, #tpu.memory_space<hbm>>) dst(%arg16 : memref<16xi32, #tpu.memory_space<vmem>>)
      %dma_wait3A_69 = arith.constant 8 : i32
      %dma_wait3A_70 = tpu.memref_slice %arg4[%dma_wait3A_69, %mul3A_32] : memref<10x128xi32, #tpu.memory_space<hbm>> -> memref<1x16xi32, #tpu.memory_space<hbm>>
      %dma_wait3A_71 = tpu.memref_squeeze %dma_wait3A_70 : memref<1x16xi32, #tpu.memory_space<hbm>> -> memref<16xi32, #tpu.memory_space<hbm>>
      %dma_wait3A_72 = tpu.memref_slice %arg4[%dma_wait3A_69, %mul3A_32] : memref<10x128xi32, #tpu.memory_space<hbm>> -> memref<1x16xi32, #tpu.memory_space<hbm>>
      %dma_wait3A_73 = tpu.memref_squeeze %dma_wait3A_72 : memref<1x16xi32, #tpu.memory_space<hbm>> -> memref<16xi32, #tpu.memory_space<hbm>>
      tpu.wait_dma2 semaphore(%arg23 : memref<!tpu.dma_semaphore, #tpu.memory_space<semaphore_mem>>) src(%dma_wait3A_73 : memref<16xi32, #tpu.memory_space<hbm>>) dst(%arg17 : memref<16xi32, #tpu.memory_space<vmem>>)
      %dma_wait3A_74 = arith.constant 9 : i32
      %dma_wait3A_75 = tpu.memref_slice %arg4[%dma_wait3A_74, %mul3A_32] : memref<10x128xi32, #tpu.memory_space<hbm>> -> memref<1x16xi32, #tpu.memory_space<hbm>>
      %dma_wait3A_76 = tpu.memref_squeeze %dma_wait3A_75 : memref<1x16xi32, #tpu.memory_space<hbm>> -> memref<16xi32, #tpu.memory_space<hbm>>
      %dma_wait3A_77 = tpu.memref_slice %arg4[%dma_wait3A_74, %mul3A_32] : memref<10x128xi32, #tpu.memory_space<hbm>> -> memref<1x16xi32, #tpu.memory_space<hbm>>
      %dma_wait3A_78 = tpu.memref_squeeze %dma_wait3A_77 : memref<1x16xi32, #tpu.memory_space<hbm>> -> memref<16xi32, #tpu.memory_space<hbm>>
      tpu.wait_dma2 semaphore(%arg23 : memref<!tpu.dma_semaphore, #tpu.memory_space<semaphore_mem>>) src(%dma_wait3A_78 : memref<16xi32, #tpu.memory_space<hbm>>) dst(%arg18 : memref<16xi32, #tpu.memory_space<vmem>>)
      %dma_start3A_79 = arith.constant 0 : i32
      %dma_start3A_80 = arith.constant 0 : i32
      %dma_start3A_81 = arith.constant 0 : i32
      %dma_start3A_82 = tpu.memref_slice %arg19[%dma_start3A_79, %dma_start3A_80, %dma_start3A_81] : memref<3x16x128xf32, #tpu.memory_space<vmem>> -> memref<1x16x128xf32, #tpu.memory_space<vmem>>
      %dma_start3A_83 = tpu.memref_squeeze %dma_start3A_82 : memref<1x16x128xf32, #tpu.memory_space<vmem>> -> memref<16x128xf32, #tpu.memory_space<vmem>>
      %dma_start3A_84 = arith.constant 0 : i32
      %dma_start3A_85 = arith.constant 0 : i32
      %dma_start3A_86 = tpu.memref_slice %arg5[%dma_start3A_84, %dma_start3A_85] : memref<50000x128xf32, #tpu.memory_space<hbm>> -> memref<50000x128xf32, #tpu.memory_space<hbm>>
      tpu.enqueue_indirect_dma source(%dma_start3A_86 : memref<50000x128xf32, #tpu.memory_space<hbm>>) target(%dma_start3A_83 : memref<16x128xf32, #tpu.memory_space<vmem>>) offsets(%arg16 : memref<16xi32, #tpu.memory_space<vmem>>) semaphore(%arg22 : memref<!tpu.dma_semaphore, #tpu.memory_space<semaphore_mem>>)
      %dma_start3A_87 = arith.constant 1 : i32
      %dma_start3A_88 = arith.constant 0 : i32
      %dma_start3A_89 = arith.constant 0 : i32
      %dma_start3A_90 = tpu.memref_slice %arg19[%dma_start3A_87, %dma_start3A_88, %dma_start3A_89] : memref<3x16x128xf32, #tpu.memory_space<vmem>> -> memref<1x16x128xf32, #tpu.memory_space<vmem>>
      %dma_start3A_91 = tpu.memref_squeeze %dma_start3A_90 : memref<1x16x128xf32, #tpu.memory_space<vmem>> -> memref<16x128xf32, #tpu.memory_space<vmem>>
      %dma_start3A_92 = arith.constant 0 : i32
      %dma_start3A_93 = arith.constant 0 : i32
      %dma_start3A_94 = tpu.memref_slice %arg5[%dma_start3A_92, %dma_start3A_93] : memref<50000x128xf32, #tpu.memory_space<hbm>> -> memref<50000x128xf32, #tpu.memory_space<hbm>>
      tpu.enqueue_indirect_dma source(%dma_start3A_94 : memref<50000x128xf32, #tpu.memory_space<hbm>>) target(%dma_start3A_91 : memref<16x128xf32, #tpu.memory_space<vmem>>) offsets(%arg17 : memref<16xi32, #tpu.memory_space<vmem>>) semaphore(%arg22 : memref<!tpu.dma_semaphore, #tpu.memory_space<semaphore_mem>>)
      %dma_start3A_95 = arith.constant 2 : i32
      %dma_start3A_96 = arith.constant 0 : i32
      %dma_start3A_97 = arith.constant 0 : i32
      %dma_start3A_98 = tpu.memref_slice %arg19[%dma_start3A_95, %dma_start3A_96, %dma_start3A_97] : memref<3x16x128xf32, #tpu.memory_space<vmem>> -> memref<1x16x128xf32, #tpu.memory_space<vmem>>
      %dma_start3A_99 = tpu.memref_squeeze %dma_start3A_98 : memref<1x16x128xf32, #tpu.memory_space<vmem>> -> memref<16x128xf32, #tpu.memory_space<vmem>>
      %dma_start3A_100 = arith.constant 0 : i32
      %dma_start3A_101 = arith.constant 0 : i32
      %dma_start3A_102 = tpu.memref_slice %arg5[%dma_start3A_100, %dma_start3A_101] : memref<50000x128xf32, #tpu.memory_space<hbm>> -> memref<50000x128xf32, #tpu.memory_space<hbm>>
      tpu.enqueue_indirect_dma source(%dma_start3A_102 : memref<50000x128xf32, #tpu.memory_space<hbm>>) target(%dma_start3A_99 : memref<16x128xf32, #tpu.memory_space<vmem>>) offsets(%arg18 : memref<16xi32, #tpu.memory_space<vmem>>) semaphore(%arg22 : memref<!tpu.dma_semaphore, #tpu.memory_space<semaphore_mem>>)
      %get3A = arith.constant 0 : index
      %get3A_103 = tpu.vector_load %arg16[%get3A] {strides = array<i32>} : memref<16xi32, #tpu.memory_space<vmem>>, vector<16xi32>,
      %get3A_104 = vector.shape_cast %get3A_103 : vector<16xi32> to vector<16xi32>
      %ge3A = arith.constant 1373 : i32
      %ge3A_105 = vector.broadcast %ge3A : i32 to vector<16xi32>
      %ge3A_106 = arith.cmpi sge, %get3A_104, %ge3A_105 : vector<16xi32>
      %jit3A_107 = arith.constant 1.000000e+00 : f32
      %jit3A_108 = arith.constant 0.000000e+00 : f32
      %broadcast_in_dim3A = vector.broadcast %jit3A_107 : f32 to vector<16xf32>
      %broadcast_in_dim3A_109 = vector.broadcast %jit3A_108 : f32 to vector<16xf32>
      %select_n3A_110 = arith.select %ge3A_106, %broadcast_in_dim3A, %broadcast_in_dim3A_109 : vector<16xi1>, vector<16xf32>
      %get3A_111 = arith.constant 0 : index
      %get3A_112 = tpu.vector_load %arg17[%get3A_111] {strides = array<i32>} : memref<16xi32, #tpu.memory_space<vmem>>, vector<16xi32>,
      %get3A_113 = vector.shape_cast %get3A_112 : vector<16xi32> to vector<16xi32>
      %ge3A_114 = arith.constant 1373 : i32
      %ge3A_115 = vector.broadcast %ge3A_114 : i32 to vector<16xi32>
      %ge3A_116 = arith.cmpi sge, %get3A_113, %ge3A_115 : vector<16xi32>
      %jit3A_117 = arith.constant 1.000000e+00 : f32
      %jit3A_118 = arith.constant 0.000000e+00 : f32
      %broadcast_in_dim3A_119 = vector.broadcast %jit3A_117 : f32 to vector<16xf32>
      %broadcast_in_dim3A_120 = vector.broadcast %jit3A_118 : f32 to vector<16xf32>
      %select_n3A_121 = arith.select %ge3A_116, %broadcast_in_dim3A_119, %broadcast_in_dim3A_120 : vector<16xi1>, vector<16xf32>
      %add3A_122 = arith.addf %select_n3A_110, %select_n3A_121 : vector<16xf32>
      %get3A_123 = arith.constant 0 : index
      %get3A_124 = tpu.vector_load %arg18[%get3A_123] {strides = array<i32>} : memref<16xi32, #tpu.memory_space<vmem>>, vector<16xi32>,
      %get3A_125 = vector.shape_cast %get3A_124 : vector<16xi32> to vector<16xi32>
      %ge3A_126 = arith.constant 1373 : i32
      %ge3A_127 = vector.broadcast %ge3A_126 : i32 to vector<16xi32>
      %ge3A_128 = arith.cmpi sge, %get3A_125, %ge3A_127 : vector<16xi32>
      %jit3A_129 = arith.constant 1.000000e+00 : f32
      %jit3A_130 = arith.constant 0.000000e+00 : f32
      %broadcast_in_dim3A_131 = vector.broadcast %jit3A_129 : f32 to vector<16xf32>
      %broadcast_in_dim3A_132 = vector.broadcast %jit3A_130 : f32 to vector<16xf32>
      %select_n3A_133 = arith.select %ge3A_128, %broadcast_in_dim3A_131, %broadcast_in_dim3A_132 : vector<16xi1>, vector<16xf32>
      %add3A_134 = arith.addf %add3A_122, %select_n3A_133 : vector<16xf32>
      %swap3A = arith.constant 0 : index
      %swap3A_135 = tpu.vector_load %arg21[%swap3A] {strides = array<i32>} : memref<16xf32, #tpu.memory_space<vmem>>, vector<16xf32>,
      %swap3A_136 = vector.shape_cast %swap3A_135 : vector<16xf32> to vector<16xf32>
      %swap3A_137 = vector.shape_cast %add3A_134 : vector<16xf32> to vector<16xf32>
      tpu.vector_store %arg21[%swap3A], %swap3A_137 {strides = array<i32>} : memref<16xf32, #tpu.memory_space<vmem>>, vector<16xf32>,
      %dma_wait3A_138 = arith.constant 0 : i32
      %dma_wait3A_139 = arith.constant 0 : i32
      %dma_wait3A_140 = arith.constant 0 : i32
      %dma_wait3A_141 = tpu.memref_slice %arg19[%dma_wait3A_138, %dma_wait3A_139, %dma_wait3A_140] : memref<3x16x128xf32, #tpu.memory_space<vmem>> -> memref<1x16x128xf32, #tpu.memory_space<vmem>>
      %dma_wait3A_142 = tpu.memref_squeeze %dma_wait3A_141 : memref<1x16x128xf32, #tpu.memory_space<vmem>> -> memref<16x128xf32, #tpu.memory_space<vmem>>
      %dma_wait3A_143 = arith.constant 0 : i32
      %dma_wait3A_144 = arith.constant 0 : i32
      %dma_wait3A_145 = tpu.memref_slice %arg5[%dma_wait3A_143, %dma_wait3A_144] : memref<50000x128xf32, #tpu.memory_space<hbm>> -> memref<50000x128xf32, #tpu.memory_space<hbm>>
      tpu.wait_indirect_dma semaphore(%arg22 : memref<!tpu.dma_semaphore, #tpu.memory_space<semaphore_mem>>) src(%dma_wait3A_145 : memref<50000x128xf32, #tpu.memory_space<hbm>>) dst(%dma_wait3A_142 : memref<16x128xf32, #tpu.memory_space<vmem>>)
      %dma_wait3A_146 = arith.constant 1 : i32
      %dma_wait3A_147 = arith.constant 0 : i32
      %dma_wait3A_148 = arith.constant 0 : i32
      %dma_wait3A_149 = tpu.memref_slice %arg19[%dma_wait3A_146, %dma_wait3A_147, %dma_wait3A_148] : memref<3x16x128xf32, #tpu.memory_space<vmem>> -> memref<1x16x128xf32, #tpu.memory_space<vmem>>
      %dma_wait3A_150 = tpu.memref_squeeze %dma_wait3A_149 : memref<1x16x128xf32, #tpu.memory_space<vmem>> -> memref<16x128xf32, #tpu.memory_space<vmem>>
      %dma_wait3A_151 = arith.constant 0 : i32
      %dma_wait3A_152 = arith.constant 0 : i32
      %dma_wait3A_153 = tpu.memref_slice %arg5[%dma_wait3A_151, %dma_wait3A_152] : memref<50000x128xf32, #tpu.memory_space<hbm>> -> memref<50000x128xf32, #tpu.memory_space<hbm>>
      tpu.wait_indirect_dma semaphore(%arg22 : memref<!tpu.dma_semaphore, #tpu.memory_space<semaphore_mem>>) src(%dma_wait3A_153 : memref<50000x128xf32, #tpu.memory_space<hbm>>) dst(%dma_wait3A_150 : memref<16x128xf32, #tpu.memory_space<vmem>>)
      %dma_wait3A_154 = arith.constant 2 : i32
      %dma_wait3A_155 = arith.constant 0 : i32
      %dma_wait3A_156 = arith.constant 0 : i32
      %dma_wait3A_157 = tpu.memref_slice %arg19[%dma_wait3A_154, %dma_wait3A_155, %dma_wait3A_156] : memref<3x16x128xf32, #tpu.memory_space<vmem>> -> memref<1x16x128xf32, #tpu.memory_space<vmem>>
      %dma_wait3A_158 = tpu.memref_squeeze %dma_wait3A_157 : memref<1x16x128xf32, #tpu.memory_space<vmem>> -> memref<16x128xf32, #tpu.memory_space<vmem>>
      %dma_wait3A_159 = arith.constant 0 : i32
      %dma_wait3A_160 = arith.constant 0 : i32
      %dma_wait3A_161 = tpu.memref_slice %arg5[%dma_wait3A_159, %dma_wait3A_160] : memref<50000x128xf32, #tpu.memory_space<hbm>> -> memref<50000x128xf32, #tpu.memory_space<hbm>>
      tpu.wait_indirect_dma semaphore(%arg22 : memref<!tpu.dma_semaphore, #tpu.memory_space<semaphore_mem>>) src(%dma_wait3A_161 : memref<50000x128xf32, #tpu.memory_space<hbm>>) dst(%dma_wait3A_158 : memref<16x128xf32, #tpu.memory_space<vmem>>)
      %scan3A = arith.constant 0 : i32
      %scan3A_162 = arith.constant 0 : i32
      %scan3A_163 = arith.constant 16 : i32
      %scan3A_164 = arith.addi %scan3A_162, %scan3A_163 : i32
      %scan3A_165 = arith.constant 1 : i32
      scf.for %scan3A_185 = %scan3A_162 to %scan3A_164 step %scan3A_165  : i32 {
        %get3A_186 = arith.constant 0 : i32
        %get3A_187 = arith.index_cast %get3A_186 : i32 to index
        %get3A_188 = arith.index_cast %scan3A_185 : i32 to index
        %get3A_189 = arith.constant 0 : index
        %get3A_190 = tpu.vector_load %arg19[%get3A_187, %get3A_188, %get3A_189] {strides = array<i32>} : memref<3x16x128xf32, #tpu.memory_space<vmem>>, vector<1x1x16xf32>,
        %get3A_191 = vector.shape_cast %get3A_190 : vector<1x1x16xf32> to vector<16xf32>
        %get3A_192 = arith.constant 1 : i32
        %get3A_193 = arith.index_cast %get3A_192 : i32 to index
        %get3A_194 = arith.index_cast %scan3A_185 : i32 to index
        %get3A_195 = arith.constant 0 : index
        %get3A_196 = tpu.vector_load %arg19[%get3A_193, %get3A_194, %get3A_195] {strides = array<i32>} : memref<3x16x128xf32, #tpu.memory_space<vmem>>, vector<1x1x16xf32>,
        %get3A_197 = vector.shape_cast %get3A_196 : vector<1x1x16xf32> to vector<16xf32>
        %add3A_198 = arith.addf %get3A_191, %get3A_197 : vector<16xf32>
        %get3A_199 = arith.constant 2 : i32
        %get3A_200 = arith.index_cast %get3A_199 : i32 to index
        %get3A_201 = arith.index_cast %scan3A_185 : i32 to index
        %get3A_202 = arith.constant 0 : index
        %get3A_203 = tpu.vector_load %arg19[%get3A_200, %get3A_201, %get3A_202] {strides = array<i32>} : memref<3x16x128xf32, #tpu.memory_space<vmem>>, vector<1x1x16xf32>,
        %get3A_204 = vector.shape_cast %get3A_203 : vector<1x1x16xf32> to vector<16xf32>
        %add3A_205 = arith.addf %add3A_198, %get3A_204 : vector<16xf32>
        %swap3A_206 = arith.index_cast %scan3A_185 : i32 to index
        %swap3A_207 = arith.constant 0 : index
        %swap3A_208 = tpu.vector_load %arg20[%swap3A_206, %swap3A_207] {strides = array<i32>} : memref<16x128xf32, #tpu.memory_space<vmem>>, vector<1x16xf32>,
        %swap3A_209 = vector.shape_cast %swap3A_208 : vector<1x16xf32> to vector<16xf32>
        %swap3A_210 = vector.shape_cast %add3A_205 : vector<16xf32> to vector<1x16xf32>
        tpu.vector_store %arg20[%swap3A_206, %swap3A_207], %swap3A_210 {strides = array<i32>} : memref<16x128xf32, #tpu.memory_space<vmem>>, vector<1x16xf32>,
        %get3A_211 = arith.constant 0 : i32
        %get3A_212 = arith.index_cast %get3A_211 : i32 to index
        %get3A_213 = arith.index_cast %scan3A_185 : i32 to index
        %get3A_214 = arith.constant 16 : index
        %get3A_215 = tpu.vector_load %arg19[%get3A_212, %get3A_213, %get3A_214] {strides = array<i32>} : memref<3x16x128xf32, #tpu.memory_space<vmem>>, vector<1x1x16xf32>,
        %get3A_216 = vector.shape_cast %get3A_215 : vector<1x1x16xf32> to vector<16xf32>
        %get3A_217 = arith.constant 1 : i32
        %get3A_218 = arith.index_cast %get3A_217 : i32 to index
        %get3A_219 = arith.index_cast %scan3A_185 : i32 to index
        %get3A_220 = arith.constant 16 : index
        %get3A_221 = tpu.vector_load %arg19[%get3A_218, %get3A_219, %get3A_220] {strides = array<i32>} : memref<3x16x128xf32, #tpu.memory_space<vmem>>, vector<1x1x16xf32>,
        %get3A_222 = vector.shape_cast %get3A_221 : vector<1x1x16xf32> to vector<16xf32>
        %add3A_223 = arith.addf %get3A_216, %get3A_222 : vector<16xf32>
        %get3A_224 = arith.constant 2 : i32
        %get3A_225 = arith.index_cast %get3A_224 : i32 to index
        %get3A_226 = arith.index_cast %scan3A_185 : i32 to index
        %get3A_227 = arith.constant 16 : index
        %get3A_228 = tpu.vector_load %arg19[%get3A_225, %get3A_226, %get3A_227] {strides = array<i32>} : memref<3x16x128xf32, #tpu.memory_space<vmem>>, vector<1x1x16xf32>,
        %get3A_229 = vector.shape_cast %get3A_228 : vector<1x1x16xf32> to vector<16xf32>
        %add3A_230 = arith.addf %add3A_223, %get3A_229 : vector<16xf32>
        %swap3A_231 = arith.index_cast %scan3A_185 : i32 to index
        %swap3A_232 = arith.constant 16 : index
        %swap3A_233 = tpu.vector_load %arg20[%swap3A_231, %swap3A_232] {strides = array<i32>} : memref<16x128xf32, #tpu.memory_space<vmem>>, vector<1x16xf32>,
        %swap3A_234 = vector.shape_cast %swap3A_233 : vector<1x16xf32> to vector<16xf32>
        %swap3A_235 = vector.shape_cast %add3A_230 : vector<16xf32> to vector<1x16xf32>
        tpu.vector_store %arg20[%swap3A_231, %swap3A_232], %swap3A_235 {strides = array<i32>} : memref<16x128xf32, #tpu.memory_space<vmem>>, vector<1x16xf32>,
        %get3A_236 = arith.constant 0 : i32
        %get3A_237 = arith.index_cast %get3A_236 : i32 to index
        %get3A_238 = arith.index_cast %scan3A_185 : i32 to index
        %get3A_239 = arith.constant 32 : index
        %get3A_240 = tpu.vector_load %arg19[%get3A_237, %get3A_238, %get3A_239] {strides = array<i32>} : memref<3x16x128xf32, #tpu.memory_space<vmem>>, vector<1x1x16xf32>,
        %get3A_241 = vector.shape_cast %get3A_240 : vector<1x1x16xf32> to vector<16xf32>
        %get3A_242 = arith.constant 1 : i32
        %get3A_243 = arith.index_cast %get3A_242 : i32 to index
        %get3A_244 = arith.index_cast %scan3A_185 : i32 to index
        %get3A_245 = arith.constant 32 : index
        %get3A_246 = tpu.vector_load %arg19[%get3A_243, %get3A_244, %get3A_245] {strides = array<i32>} : memref<3x16x128xf32, #tpu.memory_space<vmem>>, vector<1x1x16xf32>,
        %get3A_247 = vector.shape_cast %get3A_246 : vector<1x1x16xf32> to vector<16xf32>
        %add3A_248 = arith.addf %get3A_241, %get3A_247 : vector<16xf32>
        %get3A_249 = arith.constant 2 : i32
        %get3A_250 = arith.index_cast %get3A_249 : i32 to index
        %get3A_251 = arith.index_cast %scan3A_185 : i32 to index
        %get3A_252 = arith.constant 32 : index
        %get3A_253 = tpu.vector_load %arg19[%get3A_250, %get3A_251, %get3A_252] {strides = array<i32>} : memref<3x16x128xf32, #tpu.memory_space<vmem>>, vector<1x1x16xf32>,
        %get3A_254 = vector.shape_cast %get3A_253 : vector<1x1x16xf32> to vector<16xf32>
        %add3A_255 = arith.addf %add3A_248, %get3A_254 : vector<16xf32>
        %swap3A_256 = arith.index_cast %scan3A_185 : i32 to index
        %swap3A_257 = arith.constant 32 : index
        %swap3A_258 = tpu.vector_load %arg20[%swap3A_256, %swap3A_257] {strides = array<i32>} : memref<16x128xf32, #tpu.memory_space<vmem>>, vector<1x16xf32>,
        %swap3A_259 = vector.shape_cast %swap3A_258 : vector<1x16xf32> to vector<16xf32>
        %swap3A_260 = vector.shape_cast %add3A_255 : vector<16xf32> to vector<1x16xf32>
        tpu.vector_store %arg20[%swap3A_256, %swap3A_257], %swap3A_260 {strides = array<i32>} : memref<16x128xf32, #tpu.memory_space<vmem>>, vector<1x16xf32>,
        %get3A_261 = arith.constant 0 : i32
        %get3A_262 = arith.index_cast %get3A_261 : i32 to index
        %get3A_263 = arith.index_cast %scan3A_185 : i32 to index
        %get3A_264 = arith.constant 48 : index
        %get3A_265 = tpu.vector_load %arg19[%get3A_262, %get3A_263, %get3A_264] {strides = array<i32>} : memref<3x16x128xf32, #tpu.memory_space<vmem>>, vector<1x1x16xf32>,
        %get3A_266 = vector.shape_cast %get3A_265 : vector<1x1x16xf32> to vector<16xf32>
        %get3A_267 = arith.constant 1 : i32
        %get3A_268 = arith.index_cast %get3A_267 : i32 to index
        %get3A_269 = arith.index_cast %scan3A_185 : i32 to index
        %get3A_270 = arith.constant 48 : index
        %get3A_271 = tpu.vector_load %arg19[%get3A_268, %get3A_269, %get3A_270] {strides = array<i32>} : memref<3x16x128xf32, #tpu.memory_space<vmem>>, vector<1x1x16xf32>,
        %get3A_272 = vector.shape_cast %get3A_271 : vector<1x1x16xf32> to vector<16xf32>
        %add3A_273 = arith.addf %get3A_266, %get3A_272 : vector<16xf32>
        %get3A_274 = arith.constant 2 : i32
        %get3A_275 = arith.index_cast %get3A_274 : i32 to index
        %get3A_276 = arith.index_cast %scan3A_185 : i32 to index
        %get3A_277 = arith.constant 48 : index
        %get3A_278 = tpu.vector_load %arg19[%get3A_275, %get3A_276, %get3A_277] {strides = array<i32>} : memref<3x16x128xf32, #tpu.memory_space<vmem>>, vector<1x1x16xf32>,
        %get3A_279 = vector.shape_cast %get3A_278 : vector<1x1x16xf32> to vector<16xf32>
        %add3A_280 = arith.addf %add3A_273, %get3A_279 : vector<16xf32>
        %swap3A_281 = arith.index_cast %scan3A_185 : i32 to index
        %swap3A_282 = arith.constant 48 : index
        %swap3A_283 = tpu.vector_load %arg20[%swap3A_281, %swap3A_282] {strides = array<i32>} : memref<16x128xf32, #tpu.memory_space<vmem>>, vector<1x16xf32>,
        %swap3A_284 = vector.shape_cast %swap3A_283 : vector<1x16xf32> to vector<16xf32>
        %swap3A_285 = vector.shape_cast %add3A_280 : vector<16xf32> to vector<1x16xf32>
        tpu.vector_store %arg20[%swap3A_281, %swap3A_282], %swap3A_285 {strides = array<i32>} : memref<16x128xf32, #tpu.memory_space<vmem>>, vector<1x16xf32>,
        %get3A_286 = arith.constant 0 : i32
        %get3A_287 = arith.index_cast %get3A_286 : i32 to index
        %get3A_288 = arith.index_cast %scan3A_185 : i32 to index
        %get3A_289 = arith.constant 64 : index
        %get3A_290 = tpu.vector_load %arg19[%get3A_287, %get3A_288, %get3A_289] {strides = array<i32>} : memref<3x16x128xf32, #tpu.memory_space<vmem>>, vector<1x1x16xf32>,
        %get3A_291 = vector.shape_cast %get3A_290 : vector<1x1x16xf32> to vector<16xf32>
        %get3A_292 = arith.constant 1 : i32
        %get3A_293 = arith.index_cast %get3A_292 : i32 to index
        %get3A_294 = arith.index_cast %scan3A_185 : i32 to index
        %get3A_295 = arith.constant 64 : index
        %get3A_296 = tpu.vector_load %arg19[%get3A_293, %get3A_294, %get3A_295] {strides = array<i32>} : memref<3x16x128xf32, #tpu.memory_space<vmem>>, vector<1x1x16xf32>,
        %get3A_297 = vector.shape_cast %get3A_296 : vector<1x1x16xf32> to vector<16xf32>
        %add3A_298 = arith.addf %get3A_291, %get3A_297 : vector<16xf32>
        %get3A_299 = arith.constant 2 : i32
        %get3A_300 = arith.index_cast %get3A_299 : i32 to index
        %get3A_301 = arith.index_cast %scan3A_185 : i32 to index
        %get3A_302 = arith.constant 64 : index
        %get3A_303 = tpu.vector_load %arg19[%get3A_300, %get3A_301, %get3A_302] {strides = array<i32>} : memref<3x16x128xf32, #tpu.memory_space<vmem>>, vector<1x1x16xf32>,
        %get3A_304 = vector.shape_cast %get3A_303 : vector<1x1x16xf32> to vector<16xf32>
        %add3A_305 = arith.addf %add3A_298, %get3A_304 : vector<16xf32>
        %swap3A_306 = arith.index_cast %scan3A_185 : i32 to index
        %swap3A_307 = arith.constant 64 : index
        %swap3A_308 = tpu.vector_load %arg20[%swap3A_306, %swap3A_307] {strides = array<i32>} : memref<16x128xf32, #tpu.memory_space<vmem>>, vector<1x16xf32>,
        %swap3A_309 = vector.shape_cast %swap3A_308 : vector<1x16xf32> to vector<16xf32>
        %swap3A_310 = vector.shape_cast %add3A_305 : vector<16xf32> to vector<1x16xf32>
        tpu.vector_store %arg20[%swap3A_306, %swap3A_307], %swap3A_310 {strides = array<i32>} : memref<16x128xf32, #tpu.memory_space<vmem>>, vector<1x16xf32>,
        %get3A_311 = arith.constant 0 : i32
        %get3A_312 = arith.index_cast %get3A_311 : i32 to index
        %get3A_313 = arith.index_cast %scan3A_185 : i32 to index
        %get3A_314 = arith.constant 80 : index
        %get3A_315 = tpu.vector_load %arg19[%get3A_312, %get3A_313, %get3A_314] {strides = array<i32>} : memref<3x16x128xf32, #tpu.memory_space<vmem>>, vector<1x1x16xf32>,
        %get3A_316 = vector.shape_cast %get3A_315 : vector<1x1x16xf32> to vector<16xf32>
        %get3A_317 = arith.constant 1 : i32
        %get3A_318 = arith.index_cast %get3A_317 : i32 to index
        %get3A_319 = arith.index_cast %scan3A_185 : i32 to index
        %get3A_320 = arith.constant 80 : index
        %get3A_321 = tpu.vector_load %arg19[%get3A_318, %get3A_319, %get3A_320] {strides = array<i32>} : memref<3x16x128xf32, #tpu.memory_space<vmem>>, vector<1x1x16xf32>,
        %get3A_322 = vector.shape_cast %get3A_321 : vector<1x1x16xf32> to vector<16xf32>
        %add3A_323 = arith.addf %get3A_316, %get3A_322 : vector<16xf32>
        %get3A_324 = arith.constant 2 : i32
        %get3A_325 = arith.index_cast %get3A_324 : i32 to index
        %get3A_326 = arith.index_cast %scan3A_185 : i32 to index
        %get3A_327 = arith.constant 80 : index
        %get3A_328 = tpu.vector_load %arg19[%get3A_325, %get3A_326, %get3A_327] {strides = array<i32>} : memref<3x16x128xf32, #tpu.memory_space<vmem>>, vector<1x1x16xf32>,
        %get3A_329 = vector.shape_cast %get3A_328 : vector<1x1x16xf32> to vector<16xf32>
        %add3A_330 = arith.addf %add3A_323, %get3A_329 : vector<16xf32>
        %swap3A_331 = arith.index_cast %scan3A_185 : i32 to index
        %swap3A_332 = arith.constant 80 : index
        %swap3A_333 = tpu.vector_load %arg20[%swap3A_331, %swap3A_332] {strides = array<i32>} : memref<16x128xf32, #tpu.memory_space<vmem>>, vector<1x16xf32>,
        %swap3A_334 = vector.shape_cast %swap3A_333 : vector<1x16xf32> to vector<16xf32>
        %swap3A_335 = vector.shape_cast %add3A_330 : vector<16xf32> to vector<1x16xf32>
        tpu.vector_store %arg20[%swap3A_331, %swap3A_332], %swap3A_335 {strides = array<i32>} : memref<16x128xf32, #tpu.memory_space<vmem>>, vector<1x16xf32>,
        %get3A_336 = arith.constant 0 : i32
        %get3A_337 = arith.index_cast %get3A_336 : i32 to index
        %get3A_338 = arith.index_cast %scan3A_185 : i32 to index
        %get3A_339 = arith.constant 96 : index
        %get3A_340 = tpu.vector_load %arg19[%get3A_337, %get3A_338, %get3A_339] {strides = array<i32>} : memref<3x16x128xf32, #tpu.memory_space<vmem>>, vector<1x1x16xf32>,
        %get3A_341 = vector.shape_cast %get3A_340 : vector<1x1x16xf32> to vector<16xf32>
        %get3A_342 = arith.constant 1 : i32
        %get3A_343 = arith.index_cast %get3A_342 : i32 to index
        %get3A_344 = arith.index_cast %scan3A_185 : i32 to index
        %get3A_345 = arith.constant 96 : index
        %get3A_346 = tpu.vector_load %arg19[%get3A_343, %get3A_344, %get3A_345] {strides = array<i32>} : memref<3x16x128xf32, #tpu.memory_space<vmem>>, vector<1x1x16xf32>,
        %get3A_347 = vector.shape_cast %get3A_346 : vector<1x1x16xf32> to vector<16xf32>
        %add3A_348 = arith.addf %get3A_341, %get3A_347 : vector<16xf32>
        %get3A_349 = arith.constant 2 : i32
        %get3A_350 = arith.index_cast %get3A_349 : i32 to index
        %get3A_351 = arith.index_cast %scan3A_185 : i32 to index
        %get3A_352 = arith.constant 96 : index
        %get3A_353 = tpu.vector_load %arg19[%get3A_350, %get3A_351, %get3A_352] {strides = array<i32>} : memref<3x16x128xf32, #tpu.memory_space<vmem>>, vector<1x1x16xf32>,
        %get3A_354 = vector.shape_cast %get3A_353 : vector<1x1x16xf32> to vector<16xf32>
        %add3A_355 = arith.addf %add3A_348, %get3A_354 : vector<16xf32>
        %swap3A_356 = arith.index_cast %scan3A_185 : i32 to index
        %swap3A_357 = arith.constant 96 : index
        %swap3A_358 = tpu.vector_load %arg20[%swap3A_356, %swap3A_357] {strides = array<i32>} : memref<16x128xf32, #tpu.memory_space<vmem>>, vector<1x16xf32>,
        %swap3A_359 = vector.shape_cast %swap3A_358 : vector<1x16xf32> to vector<16xf32>
        %swap3A_360 = vector.shape_cast %add3A_355 : vector<16xf32> to vector<1x16xf32>
        tpu.vector_store %arg20[%swap3A_356, %swap3A_357], %swap3A_360 {strides = array<i32>} : memref<16x128xf32, #tpu.memory_space<vmem>>, vector<1x16xf32>,
        %get3A_361 = arith.constant 0 : i32
        %get3A_362 = arith.index_cast %get3A_361 : i32 to index
        %get3A_363 = arith.index_cast %scan3A_185 : i32 to index
        %get3A_364 = arith.constant 112 : index
        %get3A_365 = tpu.vector_load %arg19[%get3A_362, %get3A_363, %get3A_364] {strides = array<i32>} : memref<3x16x128xf32, #tpu.memory_space<vmem>>, vector<1x1x16xf32>,
        %get3A_366 = vector.shape_cast %get3A_365 : vector<1x1x16xf32> to vector<16xf32>
        %get3A_367 = arith.constant 1 : i32
        %get3A_368 = arith.index_cast %get3A_367 : i32 to index
        %get3A_369 = arith.index_cast %scan3A_185 : i32 to index
        %get3A_370 = arith.constant 112 : index
        %get3A_371 = tpu.vector_load %arg19[%get3A_368, %get3A_369, %get3A_370] {strides = array<i32>} : memref<3x16x128xf32, #tpu.memory_space<vmem>>, vector<1x1x16xf32>,
        %get3A_372 = vector.shape_cast %get3A_371 : vector<1x1x16xf32> to vector<16xf32>
        %add3A_373 = arith.addf %get3A_366, %get3A_372 : vector<16xf32>
        %get3A_374 = arith.constant 2 : i32
        %get3A_375 = arith.index_cast %get3A_374 : i32 to index
        %get3A_376 = arith.index_cast %scan3A_185 : i32 to index
        %get3A_377 = arith.constant 112 : index
        %get3A_378 = tpu.vector_load %arg19[%get3A_375, %get3A_376, %get3A_377] {strides = array<i32>} : memref<3x16x128xf32, #tpu.memory_space<vmem>>, vector<1x1x16xf32>,
        %get3A_379 = vector.shape_cast %get3A_378 : vector<1x1x16xf32> to vector<16xf32>
        %add3A_380 = arith.addf %add3A_373, %get3A_379 : vector<16xf32>
        %swap3A_381 = arith.index_cast %scan3A_185 : i32 to index
        %swap3A_382 = arith.constant 112 : index
        %swap3A_383 = tpu.vector_load %arg20[%swap3A_381, %swap3A_382] {strides = array<i32>} : memref<16x128xf32, #tpu.memory_space<vmem>>, vector<1x16xf32>,
        %swap3A_384 = vector.shape_cast %swap3A_383 : vector<1x16xf32> to vector<16xf32>
        %swap3A_385 = vector.shape_cast %add3A_380 : vector<16xf32> to vector<1x16xf32>
        tpu.vector_store %arg20[%swap3A_381, %swap3A_382], %swap3A_385 {strides = array<i32>} : memref<16x128xf32, #tpu.memory_space<vmem>>, vector<1x16xf32>,
      }
      %scan3A_166 = arith.constant 16 : i32
      %dma_start3A_167 = arith.constant 0 : i32
      %dma_start3A_168 = tpu.memref_slice %arg12[%mul3A_32, %dma_start3A_167] : memref<128x128xf32, #tpu.memory_space<hbm>> -> memref<16x128xf32, #tpu.memory_space<hbm>>
      %dma_start3A_169 = arith.constant 0 : i32
      %dma_start3A_170 = tpu.memref_slice %arg12[%mul3A_32, %dma_start3A_169] : memref<128x128xf32, #tpu.memory_space<hbm>> -> memref<16x128xf32, #tpu.memory_space<hbm>>
      tpu.enqueue_dma source(%arg20 : memref<16x128xf32, #tpu.memory_space<vmem>>) target(%dma_start3A_170 : memref<16x128xf32, #tpu.memory_space<hbm>>) target_semaphore(%arg23 : memref<!tpu.dma_semaphore, #tpu.memory_space<semaphore_mem>>)
      %dma_start3A_171 = arith.constant 3 : i32
      %dma_start3A_172 = tpu.memref_slice %arg13[%dma_start3A_171, %mul3A_32] : memref<4x128xf32, #tpu.memory_space<hbm>> -> memref<1x16xf32, #tpu.memory_space<hbm>>
      %dma_start3A_173 = tpu.memref_squeeze %dma_start3A_172 : memref<1x16xf32, #tpu.memory_space<hbm>> -> memref<16xf32, #tpu.memory_space<hbm>>
      %dma_start3A_174 = tpu.memref_slice %arg13[%dma_start3A_171, %mul3A_32] : memref<4x128xf32, #tpu.memory_space<hbm>> -> memref<1x16xf32, #tpu.memory_space<hbm>>
      %dma_start3A_175 = tpu.memref_squeeze %dma_start3A_174 : memref<1x16xf32, #tpu.memory_space<hbm>> -> memref<16xf32, #tpu.memory_space<hbm>>
      tpu.enqueue_dma source(%arg21 : memref<16xf32, #tpu.memory_space<vmem>>) target(%dma_start3A_175 : memref<16xf32, #tpu.memory_space<hbm>>) target_semaphore(%arg23 : memref<!tpu.dma_semaphore, #tpu.memory_space<semaphore_mem>>)
      %dma_wait3A_176 = arith.constant 0 : i32
      %dma_wait3A_177 = tpu.memref_slice %arg12[%mul3A_32, %dma_wait3A_176] : memref<128x128xf32, #tpu.memory_space<hbm>> -> memref<16x128xf32, #tpu.memory_space<hbm>>
      %dma_wait3A_178 = arith.constant 0 : i32
      %dma_wait3A_179 = tpu.memref_slice %arg12[%mul3A_32, %dma_wait3A_178] : memref<128x128xf32, #tpu.memory_space<hbm>> -> memref<16x128xf32, #tpu.memory_space<hbm>>
      tpu.wait_dma2 semaphore(%arg23 : memref<!tpu.dma_semaphore, #tpu.memory_space<semaphore_mem>>) src(%arg20 : memref<16x128xf32, #tpu.memory_space<vmem>>) dst(%dma_wait3A_179 : memref<16x128xf32, #tpu.memory_space<hbm>>)
      %dma_wait3A_180 = arith.constant 3 : i32
      %dma_wait3A_181 = tpu.memref_slice %arg13[%dma_wait3A_180, %mul3A_32] : memref<4x128xf32, #tpu.memory_space<hbm>> -> memref<1x16xf32, #tpu.memory_space<hbm>>
      %dma_wait3A_182 = tpu.memref_squeeze %dma_wait3A_181 : memref<1x16xf32, #tpu.memory_space<hbm>> -> memref<16xf32, #tpu.memory_space<hbm>>
      %dma_wait3A_183 = tpu.memref_slice %arg13[%dma_wait3A_180, %mul3A_32] : memref<4x128xf32, #tpu.memory_space<hbm>> -> memref<1x16xf32, #tpu.memory_space<hbm>>
      %dma_wait3A_184 = tpu.memref_squeeze %dma_wait3A_183 : memref<1x16xf32, #tpu.memory_space<hbm>> -> memref<16xf32, #tpu.memory_space<hbm>>
      tpu.wait_dma2 semaphore(%arg23 : memref<!tpu.dma_semaphore, #tpu.memory_space<semaphore_mem>>) src(%arg21 : memref<16xf32, #tpu.memory_space<vmem>>) dst(%dma_wait3A_184 : memref<16xf32, #tpu.memory_space<hbm>>)
    } else {
    }
    return
  }
}

#map = affine_map<(d0, d1) -> (0)>
#map1 = affine_map<(d0, d1) -> (0, 0)>
module attributes {stable_mosaic.version = 14 : i64} {
  func.func @k(%arg0: i32, %arg1: i32, %arg2: memref<128xi32, #tpu.memory_space<hbm>>, %arg3: memref<500000xi32, #tpu.memory_space<hbm>>, %arg4: memref<10x128xi32, #tpu.memory_space<hbm>>, %arg5: memref<16xi32, #tpu.memory_space<vmem>>, %arg6: memref<10x16xi32, #tpu.memory_space<vmem>>, %arg7: memref<!tpu.dma_semaphore, #tpu.memory_space<semaphore_mem>>, %arg8: memref<!tpu.dma_semaphore, #tpu.memory_space<semaphore_mem>>) attributes {dimension_semantics = [#tpu.dimension_semantics<core_parallel>, #tpu.dimension_semantics<subcore_parallel>], iteration_bounds = array<i64: 2, 16>, scalar_prefetch = 0 : i64, scratch_operands = 4 : i64, tpu.core_type = #tpu.core_type<sc_vector_subcore>, window_params = [{transform_indices = #map}, {transform_indices = #map}, {transform_indices = #map1}]} {
    %mul3A = arith.constant 2 : i32
    %mul3A_0 = arith.muli %arg1, %mul3A : i32
    %add3A = arith.addi %mul3A_0, %arg0 : i32
    %lt3A = arith.constant 8 : i32
    %lt3A_1 = arith.cmpi slt, %add3A, %lt3A : i32
    %convert_element_type3A = arith.extui %lt3A_1 : i1 to i32
    %cond3A = arith.constant 0 : i32
    %cond3A_2 = arith.cmpi ne, %convert_element_type3A, %cond3A : i32
    scf.if %cond3A_2 {
      %mul3A_3 = arith.constant 16 : i32
      %mul3A_4 = arith.muli %add3A, %mul3A_3 : i32
      "tpu.region"() ({
        %run_scoped3A = tpu.sem_alloc : memref<!tpu.dma_semaphore, #tpu.memory_space<semaphore_mem>>
        %dma_start3A_395 = tpu.memref_slice %arg2[%mul3A_4] : memref<128xi32, #tpu.memory_space<hbm>> -> memref<16xi32, #tpu.memory_space<hbm>>
        %dma_start3A_396 = tpu.memref_slice %arg2[%mul3A_4] : memref<128xi32, #tpu.memory_space<hbm>> -> memref<16xi32, #tpu.memory_space<hbm>>
        tpu.enqueue_dma source(%dma_start3A_396 : memref<16xi32, #tpu.memory_space<hbm>>) target(%arg5 : memref<16xi32, #tpu.memory_space<vmem>>) target_semaphore(%run_scoped3A : memref<!tpu.dma_semaphore, #tpu.memory_space<semaphore_mem>>)
        %dma_wait3A_397 = tpu.memref_slice %arg2[%mul3A_4] : memref<128xi32, #tpu.memory_space<hbm>> -> memref<16xi32, #tpu.memory_space<hbm>>
        %dma_wait3A_398 = tpu.memref_slice %arg2[%mul3A_4] : memref<128xi32, #tpu.memory_space<hbm>> -> memref<16xi32, #tpu.memory_space<hbm>>
        tpu.wait_dma2 semaphore(%run_scoped3A : memref<!tpu.dma_semaphore, #tpu.memory_space<semaphore_mem>>) src(%dma_wait3A_398 : memref<16xi32, #tpu.memory_space<hbm>>) dst(%arg5 : memref<16xi32, #tpu.memory_space<vmem>>)
        tpu.yield
      }) : () -> ()
      %get3A = arith.constant 0 : index
      %get3A_5 = tpu.vector_load %arg5[%get3A] {strides = array<i32>} : memref<16xi32, #tpu.memory_space<vmem>>, vector<16xi32>,
      %get3A_6 = vector.shape_cast %get3A_5 : vector<16xi32> to vector<16xi32>
      %add3A_7 = arith.constant 0 : i32
      %add3A_8 = vector.broadcast %add3A_7 : i32 to vector<16xi32>
      %add3A_9 = arith.addi %get3A_6, %add3A_8 : vector<16xi32>
      %dma_start3A = arith.constant 0 : i32
      %dma_start3A_10 = arith.constant 0 : i32
      %dma_start3A_11 = tpu.memref_slice %arg6[%dma_start3A, %dma_start3A_10] : memref<10x16xi32, #tpu.memory_space<vmem>> -> memref<1x16xi32, #tpu.memory_space<vmem>>
      %dma_start3A_12 = tpu.memref_squeeze %dma_start3A_11 : memref<1x16xi32, #tpu.memory_space<vmem>> -> memref<16xi32, #tpu.memory_space<vmem>>
      %dma_start3A_13 = arith.constant 0 : i32
      %dma_start3A_14 = tpu.memref_slice %arg3[%dma_start3A_13] : memref<500000xi32, #tpu.memory_space<hbm>> -> memref<500000xi32, #tpu.memory_space<hbm>>
      tpu.enqueue_indirect_dma source(%dma_start3A_14 : memref<500000xi32, #tpu.memory_space<hbm>>) target(%dma_start3A_12 : memref<16xi32, #tpu.memory_space<vmem>>) offsets(%add3A_9 : vector<16xi32>) semaphore(%arg7 : memref<!tpu.dma_semaphore, #tpu.memory_space<semaphore_mem>>)
      %add3A_15 = arith.constant 50000 : i32
      %add3A_16 = vector.broadcast %add3A_15 : i32 to vector<16xi32>
      %add3A_17 = arith.addi %get3A_6, %add3A_16 : vector<16xi32>
      %dma_start3A_18 = arith.constant 1 : i32
      %dma_start3A_19 = arith.constant 0 : i32
      %dma_start3A_20 = tpu.memref_slice %arg6[%dma_start3A_18, %dma_start3A_19] : memref<10x16xi32, #tpu.memory_space<vmem>> -> memref<1x16xi32, #tpu.memory_space<vmem>>
      %dma_start3A_21 = tpu.memref_squeeze %dma_start3A_20 : memref<1x16xi32, #tpu.memory_space<vmem>> -> memref<16xi32, #tpu.memory_space<vmem>>
      %dma_start3A_22 = arith.constant 0 : i32
      %dma_start3A_23 = tpu.memref_slice %arg3[%dma_start3A_22] : memref<500000xi32, #tpu.memory_space<hbm>> -> memref<500000xi32, #tpu.memory_space<hbm>>
      tpu.enqueue_indirect_dma source(%dma_start3A_23 : memref<500000xi32, #tpu.memory_space<hbm>>) target(%dma_start3A_21 : memref<16xi32, #tpu.memory_space<vmem>>) offsets(%add3A_17 : vector<16xi32>) semaphore(%arg7 : memref<!tpu.dma_semaphore, #tpu.memory_space<semaphore_mem>>)
      %add3A_24 = arith.constant 100000 : i32
      %add3A_25 = vector.broadcast %add3A_24 : i32 to vector<16xi32>
      %add3A_26 = arith.addi %get3A_6, %add3A_25 : vector<16xi32>
      %dma_start3A_27 = arith.constant 2 : i32
      %dma_start3A_28 = arith.constant 0 : i32
      %dma_start3A_29 = tpu.memref_slice %arg6[%dma_start3A_27, %dma_start3A_28] : memref<10x16xi32, #tpu.memory_space<vmem>> -> memref<1x16xi32, #tpu.memory_space<vmem>>
      %dma_start3A_30 = tpu.memref_squeeze %dma_start3A_29 : memref<1x16xi32, #tpu.memory_space<vmem>> -> memref<16xi32, #tpu.memory_space<vmem>>
      %dma_start3A_31 = arith.constant 0 : i32
      %dma_start3A_32 = tpu.memref_slice %arg3[%dma_start3A_31] : memref<500000xi32, #tpu.memory_space<hbm>> -> memref<500000xi32, #tpu.memory_space<hbm>>
      tpu.enqueue_indirect_dma source(%dma_start3A_32 : memref<500000xi32, #tpu.memory_space<hbm>>) target(%dma_start3A_30 : memref<16xi32, #tpu.memory_space<vmem>>) offsets(%add3A_26 : vector<16xi32>) semaphore(%arg7 : memref<!tpu.dma_semaphore, #tpu.memory_space<semaphore_mem>>)
      %add3A_33 = arith.constant 150000 : i32
      %add3A_34 = vector.broadcast %add3A_33 : i32 to vector<16xi32>
      %add3A_35 = arith.addi %get3A_6, %add3A_34 : vector<16xi32>
      %dma_start3A_36 = arith.constant 3 : i32
      %dma_start3A_37 = arith.constant 0 : i32
      %dma_start3A_38 = tpu.memref_slice %arg6[%dma_start3A_36, %dma_start3A_37] : memref<10x16xi32, #tpu.memory_space<vmem>> -> memref<1x16xi32, #tpu.memory_space<vmem>>
      %dma_start3A_39 = tpu.memref_squeeze %dma_start3A_38 : memref<1x16xi32, #tpu.memory_space<vmem>> -> memref<16xi32, #tpu.memory_space<vmem>>
      %dma_start3A_40 = arith.constant 0 : i32
      %dma_start3A_41 = tpu.memref_slice %arg3[%dma_start3A_40] : memref<500000xi32, #tpu.memory_space<hbm>> -> memref<500000xi32, #tpu.memory_space<hbm>>
      tpu.enqueue_indirect_dma source(%dma_start3A_41 : memref<500000xi32, #tpu.memory_space<hbm>>) target(%dma_start3A_39 : memref<16xi32, #tpu.memory_space<vmem>>) offsets(%add3A_35 : vector<16xi32>) semaphore(%arg7 : memref<!tpu.dma_semaphore, #tpu.memory_space<semaphore_mem>>)
      %add3A_42 = arith.constant 200000 : i32
      %add3A_43 = vector.broadcast %add3A_42 : i32 to vector<16xi32>
      %add3A_44 = arith.addi %get3A_6, %add3A_43 : vector<16xi32>
      %dma_start3A_45 = arith.constant 4 : i32
      %dma_start3A_46 = arith.constant 0 : i32
      %dma_start3A_47 = tpu.memref_slice %arg6[%dma_start3A_45, %dma_start3A_46] : memref<10x16xi32, #tpu.memory_space<vmem>> -> memref<1x16xi32, #tpu.memory_space<vmem>>
      %dma_start3A_48 = tpu.memref_squeeze %dma_start3A_47 : memref<1x16xi32, #tpu.memory_space<vmem>> -> memref<16xi32, #tpu.memory_space<vmem>>
      %dma_start3A_49 = arith.constant 0 : i32
      %dma_start3A_50 = tpu.memref_slice %arg3[%dma_start3A_49] : memref<500000xi32, #tpu.memory_space<hbm>> -> memref<500000xi32, #tpu.memory_space<hbm>>
      tpu.enqueue_indirect_dma source(%dma_start3A_50 : memref<500000xi32, #tpu.memory_space<hbm>>) target(%dma_start3A_48 : memref<16xi32, #tpu.memory_space<vmem>>) offsets(%add3A_44 : vector<16xi32>) semaphore(%arg7 : memref<!tpu.dma_semaphore, #tpu.memory_space<semaphore_mem>>)
      %add3A_51 = arith.constant 250000 : i32
      %add3A_52 = vector.broadcast %add3A_51 : i32 to vector<16xi32>
      %add3A_53 = arith.addi %get3A_6, %add3A_52 : vector<16xi32>
      %dma_start3A_54 = arith.constant 5 : i32
      %dma_start3A_55 = arith.constant 0 : i32
      %dma_start3A_56 = tpu.memref_slice %arg6[%dma_start3A_54, %dma_start3A_55] : memref<10x16xi32, #tpu.memory_space<vmem>> -> memref<1x16xi32, #tpu.memory_space<vmem>>
      %dma_start3A_57 = tpu.memref_squeeze %dma_start3A_56 : memref<1x16xi32, #tpu.memory_space<vmem>> -> memref<16xi32, #tpu.memory_space<vmem>>
      %dma_start3A_58 = arith.constant 0 : i32
      %dma_start3A_59 = tpu.memref_slice %arg3[%dma_start3A_58] : memref<500000xi32, #tpu.memory_space<hbm>> -> memref<500000xi32, #tpu.memory_space<hbm>>
      tpu.enqueue_indirect_dma source(%dma_start3A_59 : memref<500000xi32, #tpu.memory_space<hbm>>) target(%dma_start3A_57 : memref<16xi32, #tpu.memory_space<vmem>>) offsets(%add3A_53 : vector<16xi32>) semaphore(%arg7 : memref<!tpu.dma_semaphore, #tpu.memory_space<semaphore_mem>>)
      %add3A_60 = arith.constant 300000 : i32
      %add3A_61 = vector.broadcast %add3A_60 : i32 to vector<16xi32>
      %add3A_62 = arith.addi %get3A_6, %add3A_61 : vector<16xi32>
      %dma_start3A_63 = arith.constant 6 : i32
      %dma_start3A_64 = arith.constant 0 : i32
      %dma_start3A_65 = tpu.memref_slice %arg6[%dma_start3A_63, %dma_start3A_64] : memref<10x16xi32, #tpu.memory_space<vmem>> -> memref<1x16xi32, #tpu.memory_space<vmem>>
      %dma_start3A_66 = tpu.memref_squeeze %dma_start3A_65 : memref<1x16xi32, #tpu.memory_space<vmem>> -> memref<16xi32, #tpu.memory_space<vmem>>
      %dma_start3A_67 = arith.constant 0 : i32
      %dma_start3A_68 = tpu.memref_slice %arg3[%dma_start3A_67] : memref<500000xi32, #tpu.memory_space<hbm>> -> memref<500000xi32, #tpu.memory_space<hbm>>
      tpu.enqueue_indirect_dma source(%dma_start3A_68 : memref<500000xi32, #tpu.memory_space<hbm>>) target(%dma_start3A_66 : memref<16xi32, #tpu.memory_space<vmem>>) offsets(%add3A_62 : vector<16xi32>) semaphore(%arg7 : memref<!tpu.dma_semaphore, #tpu.memory_space<semaphore_mem>>)
      %add3A_69 = arith.constant 350000 : i32
      %add3A_70 = vector.broadcast %add3A_69 : i32 to vector<16xi32>
      %add3A_71 = arith.addi %get3A_6, %add3A_70 : vector<16xi32>
      %dma_start3A_72 = arith.constant 7 : i32
      %dma_start3A_73 = arith.constant 0 : i32
      %dma_start3A_74 = tpu.memref_slice %arg6[%dma_start3A_72, %dma_start3A_73] : memref<10x16xi32, #tpu.memory_space<vmem>> -> memref<1x16xi32, #tpu.memory_space<vmem>>
      %dma_start3A_75 = tpu.memref_squeeze %dma_start3A_74 : memref<1x16xi32, #tpu.memory_space<vmem>> -> memref<16xi32, #tpu.memory_space<vmem>>
      %dma_start3A_76 = arith.constant 0 : i32
      %dma_start3A_77 = tpu.memref_slice %arg3[%dma_start3A_76] : memref<500000xi32, #tpu.memory_space<hbm>> -> memref<500000xi32, #tpu.memory_space<hbm>>
      tpu.enqueue_indirect_dma source(%dma_start3A_77 : memref<500000xi32, #tpu.memory_space<hbm>>) target(%dma_start3A_75 : memref<16xi32, #tpu.memory_space<vmem>>) offsets(%add3A_71 : vector<16xi32>) semaphore(%arg7 : memref<!tpu.dma_semaphore, #tpu.memory_space<semaphore_mem>>)
      %add3A_78 = arith.constant 400000 : i32
      %add3A_79 = vector.broadcast %add3A_78 : i32 to vector<16xi32>
      %add3A_80 = arith.addi %get3A_6, %add3A_79 : vector<16xi32>
      %dma_start3A_81 = arith.constant 8 : i32
      %dma_start3A_82 = arith.constant 0 : i32
      %dma_start3A_83 = tpu.memref_slice %arg6[%dma_start3A_81, %dma_start3A_82] : memref<10x16xi32, #tpu.memory_space<vmem>> -> memref<1x16xi32, #tpu.memory_space<vmem>>
      %dma_start3A_84 = tpu.memref_squeeze %dma_start3A_83 : memref<1x16xi32, #tpu.memory_space<vmem>> -> memref<16xi32, #tpu.memory_space<vmem>>
      %dma_start3A_85 = arith.constant 0 : i32
      %dma_start3A_86 = tpu.memref_slice %arg3[%dma_start3A_85] : memref<500000xi32, #tpu.memory_space<hbm>> -> memref<500000xi32, #tpu.memory_space<hbm>>
      tpu.enqueue_indirect_dma source(%dma_start3A_86 : memref<500000xi32, #tpu.memory_space<hbm>>) target(%dma_start3A_84 : memref<16xi32, #tpu.memory_space<vmem>>) offsets(%add3A_80 : vector<16xi32>) semaphore(%arg7 : memref<!tpu.dma_semaphore, #tpu.memory_space<semaphore_mem>>)
      %add3A_87 = arith.constant 450000 : i32
      %add3A_88 = vector.broadcast %add3A_87 : i32 to vector<16xi32>
      %add3A_89 = arith.addi %get3A_6, %add3A_88 : vector<16xi32>
      %dma_start3A_90 = arith.constant 9 : i32
      %dma_start3A_91 = arith.constant 0 : i32
      %dma_start3A_92 = tpu.memref_slice %arg6[%dma_start3A_90, %dma_start3A_91] : memref<10x16xi32, #tpu.memory_space<vmem>> -> memref<1x16xi32, #tpu.memory_space<vmem>>
      %dma_start3A_93 = tpu.memref_squeeze %dma_start3A_92 : memref<1x16xi32, #tpu.memory_space<vmem>> -> memref<16xi32, #tpu.memory_space<vmem>>
      %dma_start3A_94 = arith.constant 0 : i32
      %dma_start3A_95 = tpu.memref_slice %arg3[%dma_start3A_94] : memref<500000xi32, #tpu.memory_space<hbm>> -> memref<500000xi32, #tpu.memory_space<hbm>>
      tpu.enqueue_indirect_dma source(%dma_start3A_95 : memref<500000xi32, #tpu.memory_space<hbm>>) target(%dma_start3A_93 : memref<16xi32, #tpu.memory_space<vmem>>) offsets(%add3A_89 : vector<16xi32>) semaphore(%arg7 : memref<!tpu.dma_semaphore, #tpu.memory_space<semaphore_mem>>)
      %dma_wait3A = arith.constant 0 : i32
      %dma_wait3A_96 = arith.constant 0 : i32
      %dma_wait3A_97 = tpu.memref_slice %arg6[%dma_wait3A, %dma_wait3A_96] : memref<10x16xi32, #tpu.memory_space<vmem>> -> memref<1x16xi32, #tpu.memory_space<vmem>>
      %dma_wait3A_98 = tpu.memref_squeeze %dma_wait3A_97 : memref<1x16xi32, #tpu.memory_space<vmem>> -> memref<16xi32, #tpu.memory_space<vmem>>
      %dma_wait3A_99 = arith.constant 0 : i32
      %dma_wait3A_100 = tpu.memref_slice %arg3[%dma_wait3A_99] : memref<500000xi32, #tpu.memory_space<hbm>> -> memref<500000xi32, #tpu.memory_space<hbm>>
      tpu.wait_indirect_dma semaphore(%arg7 : memref<!tpu.dma_semaphore, #tpu.memory_space<semaphore_mem>>) src(%dma_wait3A_100 : memref<500000xi32, #tpu.memory_space<hbm>>) dst(%dma_wait3A_98 : memref<16xi32, #tpu.memory_space<vmem>>)
      %dma_wait3A_101 = arith.constant 1 : i32
      %dma_wait3A_102 = arith.constant 0 : i32
      %dma_wait3A_103 = tpu.memref_slice %arg6[%dma_wait3A_101, %dma_wait3A_102] : memref<10x16xi32, #tpu.memory_space<vmem>> -> memref<1x16xi32, #tpu.memory_space<vmem>>
      %dma_wait3A_104 = tpu.memref_squeeze %dma_wait3A_103 : memref<1x16xi32, #tpu.memory_space<vmem>> -> memref<16xi32, #tpu.memory_space<vmem>>
      %dma_wait3A_105 = arith.constant 0 : i32
      %dma_wait3A_106 = tpu.memref_slice %arg3[%dma_wait3A_105] : memref<500000xi32, #tpu.memory_space<hbm>> -> memref<500000xi32, #tpu.memory_space<hbm>>
      tpu.wait_indirect_dma semaphore(%arg7 : memref<!tpu.dma_semaphore, #tpu.memory_space<semaphore_mem>>) src(%dma_wait3A_106 : memref<500000xi32, #tpu.memory_space<hbm>>) dst(%dma_wait3A_104 : memref<16xi32, #tpu.memory_space<vmem>>)
      %dma_wait3A_107 = arith.constant 2 : i32
      %dma_wait3A_108 = arith.constant 0 : i32
      %dma_wait3A_109 = tpu.memref_slice %arg6[%dma_wait3A_107, %dma_wait3A_108] : memref<10x16xi32, #tpu.memory_space<vmem>> -> memref<1x16xi32, #tpu.memory_space<vmem>>
      %dma_wait3A_110 = tpu.memref_squeeze %dma_wait3A_109 : memref<1x16xi32, #tpu.memory_space<vmem>> -> memref<16xi32, #tpu.memory_space<vmem>>
      %dma_wait3A_111 = arith.constant 0 : i32
      %dma_wait3A_112 = tpu.memref_slice %arg3[%dma_wait3A_111] : memref<500000xi32, #tpu.memory_space<hbm>> -> memref<500000xi32, #tpu.memory_space<hbm>>
      tpu.wait_indirect_dma semaphore(%arg7 : memref<!tpu.dma_semaphore, #tpu.memory_space<semaphore_mem>>) src(%dma_wait3A_112 : memref<500000xi32, #tpu.memory_space<hbm>>) dst(%dma_wait3A_110 : memref<16xi32, #tpu.memory_space<vmem>>)
      %dma_wait3A_113 = arith.constant 3 : i32
      %dma_wait3A_114 = arith.constant 0 : i32
      %dma_wait3A_115 = tpu.memref_slice %arg6[%dma_wait3A_113, %dma_wait3A_114] : memref<10x16xi32, #tpu.memory_space<vmem>> -> memref<1x16xi32, #tpu.memory_space<vmem>>
      %dma_wait3A_116 = tpu.memref_squeeze %dma_wait3A_115 : memref<1x16xi32, #tpu.memory_space<vmem>> -> memref<16xi32, #tpu.memory_space<vmem>>
      %dma_wait3A_117 = arith.constant 0 : i32
      %dma_wait3A_118 = tpu.memref_slice %arg3[%dma_wait3A_117] : memref<500000xi32, #tpu.memory_space<hbm>> -> memref<500000xi32, #tpu.memory_space<hbm>>
      tpu.wait_indirect_dma semaphore(%arg7 : memref<!tpu.dma_semaphore, #tpu.memory_space<semaphore_mem>>) src(%dma_wait3A_118 : memref<500000xi32, #tpu.memory_space<hbm>>) dst(%dma_wait3A_116 : memref<16xi32, #tpu.memory_space<vmem>>)
      %dma_wait3A_119 = arith.constant 4 : i32
      %dma_wait3A_120 = arith.constant 0 : i32
      %dma_wait3A_121 = tpu.memref_slice %arg6[%dma_wait3A_119, %dma_wait3A_120] : memref<10x16xi32, #tpu.memory_space<vmem>> -> memref<1x16xi32, #tpu.memory_space<vmem>>
      %dma_wait3A_122 = tpu.memref_squeeze %dma_wait3A_121 : memref<1x16xi32, #tpu.memory_space<vmem>> -> memref<16xi32, #tpu.memory_space<vmem>>
      %dma_wait3A_123 = arith.constant 0 : i32
      %dma_wait3A_124 = tpu.memref_slice %arg3[%dma_wait3A_123] : memref<500000xi32, #tpu.memory_space<hbm>> -> memref<500000xi32, #tpu.memory_space<hbm>>
      tpu.wait_indirect_dma semaphore(%arg7 : memref<!tpu.dma_semaphore, #tpu.memory_space<semaphore_mem>>) src(%dma_wait3A_124 : memref<500000xi32, #tpu.memory_space<hbm>>) dst(%dma_wait3A_122 : memref<16xi32, #tpu.memory_space<vmem>>)
      %dma_wait3A_125 = arith.constant 5 : i32
      %dma_wait3A_126 = arith.constant 0 : i32
      %dma_wait3A_127 = tpu.memref_slice %arg6[%dma_wait3A_125, %dma_wait3A_126] : memref<10x16xi32, #tpu.memory_space<vmem>> -> memref<1x16xi32, #tpu.memory_space<vmem>>
      %dma_wait3A_128 = tpu.memref_squeeze %dma_wait3A_127 : memref<1x16xi32, #tpu.memory_space<vmem>> -> memref<16xi32, #tpu.memory_space<vmem>>
      %dma_wait3A_129 = arith.constant 0 : i32
      %dma_wait3A_130 = tpu.memref_slice %arg3[%dma_wait3A_129] : memref<500000xi32, #tpu.memory_space<hbm>> -> memref<500000xi32, #tpu.memory_space<hbm>>
      tpu.wait_indirect_dma semaphore(%arg7 : memref<!tpu.dma_semaphore, #tpu.memory_space<semaphore_mem>>) src(%dma_wait3A_130 : memref<500000xi32, #tpu.memory_space<hbm>>) dst(%dma_wait3A_128 : memref<16xi32, #tpu.memory_space<vmem>>)
      %dma_wait3A_131 = arith.constant 6 : i32
      %dma_wait3A_132 = arith.constant 0 : i32
      %dma_wait3A_133 = tpu.memref_slice %arg6[%dma_wait3A_131, %dma_wait3A_132] : memref<10x16xi32, #tpu.memory_space<vmem>> -> memref<1x16xi32, #tpu.memory_space<vmem>>
      %dma_wait3A_134 = tpu.memref_squeeze %dma_wait3A_133 : memref<1x16xi32, #tpu.memory_space<vmem>> -> memref<16xi32, #tpu.memory_space<vmem>>
      %dma_wait3A_135 = arith.constant 0 : i32
      %dma_wait3A_136 = tpu.memref_slice %arg3[%dma_wait3A_135] : memref<500000xi32, #tpu.memory_space<hbm>> -> memref<500000xi32, #tpu.memory_space<hbm>>
      tpu.wait_indirect_dma semaphore(%arg7 : memref<!tpu.dma_semaphore, #tpu.memory_space<semaphore_mem>>) src(%dma_wait3A_136 : memref<500000xi32, #tpu.memory_space<hbm>>) dst(%dma_wait3A_134 : memref<16xi32, #tpu.memory_space<vmem>>)
      %dma_wait3A_137 = arith.constant 7 : i32
      %dma_wait3A_138 = arith.constant 0 : i32
      %dma_wait3A_139 = tpu.memref_slice %arg6[%dma_wait3A_137, %dma_wait3A_138] : memref<10x16xi32, #tpu.memory_space<vmem>> -> memref<1x16xi32, #tpu.memory_space<vmem>>
      %dma_wait3A_140 = tpu.memref_squeeze %dma_wait3A_139 : memref<1x16xi32, #tpu.memory_space<vmem>> -> memref<16xi32, #tpu.memory_space<vmem>>
      %dma_wait3A_141 = arith.constant 0 : i32
      %dma_wait3A_142 = tpu.memref_slice %arg3[%dma_wait3A_141] : memref<500000xi32, #tpu.memory_space<hbm>> -> memref<500000xi32, #tpu.memory_space<hbm>>
      tpu.wait_indirect_dma semaphore(%arg7 : memref<!tpu.dma_semaphore, #tpu.memory_space<semaphore_mem>>) src(%dma_wait3A_142 : memref<500000xi32, #tpu.memory_space<hbm>>) dst(%dma_wait3A_140 : memref<16xi32, #tpu.memory_space<vmem>>)
      %dma_wait3A_143 = arith.constant 8 : i32
      %dma_wait3A_144 = arith.constant 0 : i32
      %dma_wait3A_145 = tpu.memref_slice %arg6[%dma_wait3A_143, %dma_wait3A_144] : memref<10x16xi32, #tpu.memory_space<vmem>> -> memref<1x16xi32, #tpu.memory_space<vmem>>
      %dma_wait3A_146 = tpu.memref_squeeze %dma_wait3A_145 : memref<1x16xi32, #tpu.memory_space<vmem>> -> memref<16xi32, #tpu.memory_space<vmem>>
      %dma_wait3A_147 = arith.constant 0 : i32
      %dma_wait3A_148 = tpu.memref_slice %arg3[%dma_wait3A_147] : memref<500000xi32, #tpu.memory_space<hbm>> -> memref<500000xi32, #tpu.memory_space<hbm>>
      tpu.wait_indirect_dma semaphore(%arg7 : memref<!tpu.dma_semaphore, #tpu.memory_space<semaphore_mem>>) src(%dma_wait3A_148 : memref<500000xi32, #tpu.memory_space<hbm>>) dst(%dma_wait3A_146 : memref<16xi32, #tpu.memory_space<vmem>>)
      %dma_wait3A_149 = arith.constant 9 : i32
      %dma_wait3A_150 = arith.constant 0 : i32
      %dma_wait3A_151 = tpu.memref_slice %arg6[%dma_wait3A_149, %dma_wait3A_150] : memref<10x16xi32, #tpu.memory_space<vmem>> -> memref<1x16xi32, #tpu.memory_space<vmem>>
      %dma_wait3A_152 = tpu.memref_squeeze %dma_wait3A_151 : memref<1x16xi32, #tpu.memory_space<vmem>> -> memref<16xi32, #tpu.memory_space<vmem>>
      %dma_wait3A_153 = arith.constant 0 : i32
      %dma_wait3A_154 = tpu.memref_slice %arg3[%dma_wait3A_153] : memref<500000xi32, #tpu.memory_space<hbm>> -> memref<500000xi32, #tpu.memory_space<hbm>>
      tpu.wait_indirect_dma semaphore(%arg7 : memref<!tpu.dma_semaphore, #tpu.memory_space<semaphore_mem>>) src(%dma_wait3A_154 : memref<500000xi32, #tpu.memory_space<hbm>>) dst(%dma_wait3A_152 : memref<16xi32, #tpu.memory_space<vmem>>)
      %dma_start3A_155 = arith.constant 0 : i32
      %dma_start3A_156 = arith.constant 0 : i32
      %dma_start3A_157 = arith.constant 0 : i32
      %dma_start3A_158 = tpu.memref_slice %arg6[%dma_start3A_155, %dma_start3A_157] : memref<10x16xi32, #tpu.memory_space<vmem>> -> memref<1x16xi32, #tpu.memory_space<vmem>>
      %dma_start3A_159 = tpu.memref_squeeze %dma_start3A_158 : memref<1x16xi32, #tpu.memory_space<vmem>> -> memref<16xi32, #tpu.memory_space<vmem>>
      %dma_start3A_160 = tpu.memref_slice %arg4[%dma_start3A_156, %mul3A_4] : memref<10x128xi32, #tpu.memory_space<hbm>> -> memref<1x16xi32, #tpu.memory_space<hbm>>
      %dma_start3A_161 = tpu.memref_squeeze %dma_start3A_160 : memref<1x16xi32, #tpu.memory_space<hbm>> -> memref<16xi32, #tpu.memory_space<hbm>>
      %dma_start3A_162 = tpu.memref_slice %arg4[%dma_start3A_156, %mul3A_4] : memref<10x128xi32, #tpu.memory_space<hbm>> -> memref<1x16xi32, #tpu.memory_space<hbm>>
      %dma_start3A_163 = tpu.memref_squeeze %dma_start3A_162 : memref<1x16xi32, #tpu.memory_space<hbm>> -> memref<16xi32, #tpu.memory_space<hbm>>
      %dma_start3A_164 = arith.constant 0 : i32
      %dma_start3A_165 = tpu.memref_slice %arg6[%dma_start3A_155, %dma_start3A_164] : memref<10x16xi32, #tpu.memory_space<vmem>> -> memref<1x16xi32, #tpu.memory_space<vmem>>
      %dma_start3A_166 = tpu.memref_squeeze %dma_start3A_165 : memref<1x16xi32, #tpu.memory_space<vmem>> -> memref<16xi32, #tpu.memory_space<vmem>>
      tpu.enqueue_dma source(%dma_start3A_166 : memref<16xi32, #tpu.memory_space<vmem>>) target(%dma_start3A_163 : memref<16xi32, #tpu.memory_space<hbm>>) target_semaphore(%arg8 : memref<!tpu.dma_semaphore, #tpu.memory_space<semaphore_mem>>)
      %dma_start3A_167 = arith.constant 1 : i32
      %dma_start3A_168 = arith.constant 1 : i32
      %dma_start3A_169 = arith.constant 0 : i32
      %dma_start3A_170 = tpu.memref_slice %arg6[%dma_start3A_167, %dma_start3A_169] : memref<10x16xi32, #tpu.memory_space<vmem>> -> memref<1x16xi32, #tpu.memory_space<vmem>>
      %dma_start3A_171 = tpu.memref_squeeze %dma_start3A_170 : memref<1x16xi32, #tpu.memory_space<vmem>> -> memref<16xi32, #tpu.memory_space<vmem>>
      %dma_start3A_172 = tpu.memref_slice %arg4[%dma_start3A_168, %mul3A_4] : memref<10x128xi32, #tpu.memory_space<hbm>> -> memref<1x16xi32, #tpu.memory_space<hbm>>
      %dma_start3A_173 = tpu.memref_squeeze %dma_start3A_172 : memref<1x16xi32, #tpu.memory_space<hbm>> -> memref<16xi32, #tpu.memory_space<hbm>>
      %dma_start3A_174 = tpu.memref_slice %arg4[%dma_start3A_168, %mul3A_4] : memref<10x128xi32, #tpu.memory_space<hbm>> -> memref<1x16xi32, #tpu.memory_space<hbm>>
      %dma_start3A_175 = tpu.memref_squeeze %dma_start3A_174 : memref<1x16xi32, #tpu.memory_space<hbm>> -> memref<16xi32, #tpu.memory_space<hbm>>
      %dma_start3A_176 = arith.constant 0 : i32
      %dma_start3A_177 = tpu.memref_slice %arg6[%dma_start3A_167, %dma_start3A_176] : memref<10x16xi32, #tpu.memory_space<vmem>> -> memref<1x16xi32, #tpu.memory_space<vmem>>
      %dma_start3A_178 = tpu.memref_squeeze %dma_start3A_177 : memref<1x16xi32, #tpu.memory_space<vmem>> -> memref<16xi32, #tpu.memory_space<vmem>>
      tpu.enqueue_dma source(%dma_start3A_178 : memref<16xi32, #tpu.memory_space<vmem>>) target(%dma_start3A_175 : memref<16xi32, #tpu.memory_space<hbm>>) target_semaphore(%arg8 : memref<!tpu.dma_semaphore, #tpu.memory_space<semaphore_mem>>)
      %dma_start3A_179 = arith.constant 2 : i32
      %dma_start3A_180 = arith.constant 2 : i32
      %dma_start3A_181 = arith.constant 0 : i32
      %dma_start3A_182 = tpu.memref_slice %arg6[%dma_start3A_179, %dma_start3A_181] : memref<10x16xi32, #tpu.memory_space<vmem>> -> memref<1x16xi32, #tpu.memory_space<vmem>>
      %dma_start3A_183 = tpu.memref_squeeze %dma_start3A_182 : memref<1x16xi32, #tpu.memory_space<vmem>> -> memref<16xi32, #tpu.memory_space<vmem>>
      %dma_start3A_184 = tpu.memref_slice %arg4[%dma_start3A_180, %mul3A_4] : memref<10x128xi32, #tpu.memory_space<hbm>> -> memref<1x16xi32, #tpu.memory_space<hbm>>
      %dma_start3A_185 = tpu.memref_squeeze %dma_start3A_184 : memref<1x16xi32, #tpu.memory_space<hbm>> -> memref<16xi32, #tpu.memory_space<hbm>>
      %dma_start3A_186 = tpu.memref_slice %arg4[%dma_start3A_180, %mul3A_4] : memref<10x128xi32, #tpu.memory_space<hbm>> -> memref<1x16xi32, #tpu.memory_space<hbm>>
      %dma_start3A_187 = tpu.memref_squeeze %dma_start3A_186 : memref<1x16xi32, #tpu.memory_space<hbm>> -> memref<16xi32, #tpu.memory_space<hbm>>
      %dma_start3A_188 = arith.constant 0 : i32
      %dma_start3A_189 = tpu.memref_slice %arg6[%dma_start3A_179, %dma_start3A_188] : memref<10x16xi32, #tpu.memory_space<vmem>> -> memref<1x16xi32, #tpu.memory_space<vmem>>
      %dma_start3A_190 = tpu.memref_squeeze %dma_start3A_189 : memref<1x16xi32, #tpu.memory_space<vmem>> -> memref<16xi32, #tpu.memory_space<vmem>>
      tpu.enqueue_dma source(%dma_start3A_190 : memref<16xi32, #tpu.memory_space<vmem>>) target(%dma_start3A_187 : memref<16xi32, #tpu.memory_space<hbm>>) target_semaphore(%arg8 : memref<!tpu.dma_semaphore, #tpu.memory_space<semaphore_mem>>)
      %dma_start3A_191 = arith.constant 3 : i32
      %dma_start3A_192 = arith.constant 3 : i32
      %dma_start3A_193 = arith.constant 0 : i32
      %dma_start3A_194 = tpu.memref_slice %arg6[%dma_start3A_191, %dma_start3A_193] : memref<10x16xi32, #tpu.memory_space<vmem>> -> memref<1x16xi32, #tpu.memory_space<vmem>>
      %dma_start3A_195 = tpu.memref_squeeze %dma_start3A_194 : memref<1x16xi32, #tpu.memory_space<vmem>> -> memref<16xi32, #tpu.memory_space<vmem>>
      %dma_start3A_196 = tpu.memref_slice %arg4[%dma_start3A_192, %mul3A_4] : memref<10x128xi32, #tpu.memory_space<hbm>> -> memref<1x16xi32, #tpu.memory_space<hbm>>
      %dma_start3A_197 = tpu.memref_squeeze %dma_start3A_196 : memref<1x16xi32, #tpu.memory_space<hbm>> -> memref<16xi32, #tpu.memory_space<hbm>>
      %dma_start3A_198 = tpu.memref_slice %arg4[%dma_start3A_192, %mul3A_4] : memref<10x128xi32, #tpu.memory_space<hbm>> -> memref<1x16xi32, #tpu.memory_space<hbm>>
      %dma_start3A_199 = tpu.memref_squeeze %dma_start3A_198 : memref<1x16xi32, #tpu.memory_space<hbm>> -> memref<16xi32, #tpu.memory_space<hbm>>
      %dma_start3A_200 = arith.constant 0 : i32
      %dma_start3A_201 = tpu.memref_slice %arg6[%dma_start3A_191, %dma_start3A_200] : memref<10x16xi32, #tpu.memory_space<vmem>> -> memref<1x16xi32, #tpu.memory_space<vmem>>
      %dma_start3A_202 = tpu.memref_squeeze %dma_start3A_201 : memref<1x16xi32, #tpu.memory_space<vmem>> -> memref<16xi32, #tpu.memory_space<vmem>>
      tpu.enqueue_dma source(%dma_start3A_202 : memref<16xi32, #tpu.memory_space<vmem>>) target(%dma_start3A_199 : memref<16xi32, #tpu.memory_space<hbm>>) target_semaphore(%arg8 : memref<!tpu.dma_semaphore, #tpu.memory_space<semaphore_mem>>)
      %dma_start3A_203 = arith.constant 4 : i32
      %dma_start3A_204 = arith.constant 4 : i32
      %dma_start3A_205 = arith.constant 0 : i32
      %dma_start3A_206 = tpu.memref_slice %arg6[%dma_start3A_203, %dma_start3A_205] : memref<10x16xi32, #tpu.memory_space<vmem>> -> memref<1x16xi32, #tpu.memory_space<vmem>>
      %dma_start3A_207 = tpu.memref_squeeze %dma_start3A_206 : memref<1x16xi32, #tpu.memory_space<vmem>> -> memref<16xi32, #tpu.memory_space<vmem>>
      %dma_start3A_208 = tpu.memref_slice %arg4[%dma_start3A_204, %mul3A_4] : memref<10x128xi32, #tpu.memory_space<hbm>> -> memref<1x16xi32, #tpu.memory_space<hbm>>
      %dma_start3A_209 = tpu.memref_squeeze %dma_start3A_208 : memref<1x16xi32, #tpu.memory_space<hbm>> -> memref<16xi32, #tpu.memory_space<hbm>>
      %dma_start3A_210 = tpu.memref_slice %arg4[%dma_start3A_204, %mul3A_4] : memref<10x128xi32, #tpu.memory_space<hbm>> -> memref<1x16xi32, #tpu.memory_space<hbm>>
      %dma_start3A_211 = tpu.memref_squeeze %dma_start3A_210 : memref<1x16xi32, #tpu.memory_space<hbm>> -> memref<16xi32, #tpu.memory_space<hbm>>
      %dma_start3A_212 = arith.constant 0 : i32
      %dma_start3A_213 = tpu.memref_slice %arg6[%dma_start3A_203, %dma_start3A_212] : memref<10x16xi32, #tpu.memory_space<vmem>> -> memref<1x16xi32, #tpu.memory_space<vmem>>
      %dma_start3A_214 = tpu.memref_squeeze %dma_start3A_213 : memref<1x16xi32, #tpu.memory_space<vmem>> -> memref<16xi32, #tpu.memory_space<vmem>>
      tpu.enqueue_dma source(%dma_start3A_214 : memref<16xi32, #tpu.memory_space<vmem>>) target(%dma_start3A_211 : memref<16xi32, #tpu.memory_space<hbm>>) target_semaphore(%arg8 : memref<!tpu.dma_semaphore, #tpu.memory_space<semaphore_mem>>)
      %dma_start3A_215 = arith.constant 5 : i32
      %dma_start3A_216 = arith.constant 5 : i32
      %dma_start3A_217 = arith.constant 0 : i32
      %dma_start3A_218 = tpu.memref_slice %arg6[%dma_start3A_215, %dma_start3A_217] : memref<10x16xi32, #tpu.memory_space<vmem>> -> memref<1x16xi32, #tpu.memory_space<vmem>>
      %dma_start3A_219 = tpu.memref_squeeze %dma_start3A_218 : memref<1x16xi32, #tpu.memory_space<vmem>> -> memref<16xi32, #tpu.memory_space<vmem>>
      %dma_start3A_220 = tpu.memref_slice %arg4[%dma_start3A_216, %mul3A_4] : memref<10x128xi32, #tpu.memory_space<hbm>> -> memref<1x16xi32, #tpu.memory_space<hbm>>
      %dma_start3A_221 = tpu.memref_squeeze %dma_start3A_220 : memref<1x16xi32, #tpu.memory_space<hbm>> -> memref<16xi32, #tpu.memory_space<hbm>>
      %dma_start3A_222 = tpu.memref_slice %arg4[%dma_start3A_216, %mul3A_4] : memref<10x128xi32, #tpu.memory_space<hbm>> -> memref<1x16xi32, #tpu.memory_space<hbm>>
      %dma_start3A_223 = tpu.memref_squeeze %dma_start3A_222 : memref<1x16xi32, #tpu.memory_space<hbm>> -> memref<16xi32, #tpu.memory_space<hbm>>
      %dma_start3A_224 = arith.constant 0 : i32
      %dma_start3A_225 = tpu.memref_slice %arg6[%dma_start3A_215, %dma_start3A_224] : memref<10x16xi32, #tpu.memory_space<vmem>> -> memref<1x16xi32, #tpu.memory_space<vmem>>
      %dma_start3A_226 = tpu.memref_squeeze %dma_start3A_225 : memref<1x16xi32, #tpu.memory_space<vmem>> -> memref<16xi32, #tpu.memory_space<vmem>>
      tpu.enqueue_dma source(%dma_start3A_226 : memref<16xi32, #tpu.memory_space<vmem>>) target(%dma_start3A_223 : memref<16xi32, #tpu.memory_space<hbm>>) target_semaphore(%arg8 : memref<!tpu.dma_semaphore, #tpu.memory_space<semaphore_mem>>)
      %dma_start3A_227 = arith.constant 6 : i32
      %dma_start3A_228 = arith.constant 6 : i32
      %dma_start3A_229 = arith.constant 0 : i32
      %dma_start3A_230 = tpu.memref_slice %arg6[%dma_start3A_227, %dma_start3A_229] : memref<10x16xi32, #tpu.memory_space<vmem>> -> memref<1x16xi32, #tpu.memory_space<vmem>>
      %dma_start3A_231 = tpu.memref_squeeze %dma_start3A_230 : memref<1x16xi32, #tpu.memory_space<vmem>> -> memref<16xi32, #tpu.memory_space<vmem>>
      %dma_start3A_232 = tpu.memref_slice %arg4[%dma_start3A_228, %mul3A_4] : memref<10x128xi32, #tpu.memory_space<hbm>> -> memref<1x16xi32, #tpu.memory_space<hbm>>
      %dma_start3A_233 = tpu.memref_squeeze %dma_start3A_232 : memref<1x16xi32, #tpu.memory_space<hbm>> -> memref<16xi32, #tpu.memory_space<hbm>>
      %dma_start3A_234 = tpu.memref_slice %arg4[%dma_start3A_228, %mul3A_4] : memref<10x128xi32, #tpu.memory_space<hbm>> -> memref<1x16xi32, #tpu.memory_space<hbm>>
      %dma_start3A_235 = tpu.memref_squeeze %dma_start3A_234 : memref<1x16xi32, #tpu.memory_space<hbm>> -> memref<16xi32, #tpu.memory_space<hbm>>
      %dma_start3A_236 = arith.constant 0 : i32
      %dma_start3A_237 = tpu.memref_slice %arg6[%dma_start3A_227, %dma_start3A_236] : memref<10x16xi32, #tpu.memory_space<vmem>> -> memref<1x16xi32, #tpu.memory_space<vmem>>
      %dma_start3A_238 = tpu.memref_squeeze %dma_start3A_237 : memref<1x16xi32, #tpu.memory_space<vmem>> -> memref<16xi32, #tpu.memory_space<vmem>>
      tpu.enqueue_dma source(%dma_start3A_238 : memref<16xi32, #tpu.memory_space<vmem>>) target(%dma_start3A_235 : memref<16xi32, #tpu.memory_space<hbm>>) target_semaphore(%arg8 : memref<!tpu.dma_semaphore, #tpu.memory_space<semaphore_mem>>)
      %dma_start3A_239 = arith.constant 7 : i32
      %dma_start3A_240 = arith.constant 7 : i32
      %dma_start3A_241 = arith.constant 0 : i32
      %dma_start3A_242 = tpu.memref_slice %arg6[%dma_start3A_239, %dma_start3A_241] : memref<10x16xi32, #tpu.memory_space<vmem>> -> memref<1x16xi32, #tpu.memory_space<vmem>>
      %dma_start3A_243 = tpu.memref_squeeze %dma_start3A_242 : memref<1x16xi32, #tpu.memory_space<vmem>> -> memref<16xi32, #tpu.memory_space<vmem>>
      %dma_start3A_244 = tpu.memref_slice %arg4[%dma_start3A_240, %mul3A_4] : memref<10x128xi32, #tpu.memory_space<hbm>> -> memref<1x16xi32, #tpu.memory_space<hbm>>
      %dma_start3A_245 = tpu.memref_squeeze %dma_start3A_244 : memref<1x16xi32, #tpu.memory_space<hbm>> -> memref<16xi32, #tpu.memory_space<hbm>>
      %dma_start3A_246 = tpu.memref_slice %arg4[%dma_start3A_240, %mul3A_4] : memref<10x128xi32, #tpu.memory_space<hbm>> -> memref<1x16xi32, #tpu.memory_space<hbm>>
      %dma_start3A_247 = tpu.memref_squeeze %dma_start3A_246 : memref<1x16xi32, #tpu.memory_space<hbm>> -> memref<16xi32, #tpu.memory_space<hbm>>
      %dma_start3A_248 = arith.constant 0 : i32
      %dma_start3A_249 = tpu.memref_slice %arg6[%dma_start3A_239, %dma_start3A_248] : memref<10x16xi32, #tpu.memory_space<vmem>> -> memref<1x16xi32, #tpu.memory_space<vmem>>
      %dma_start3A_250 = tpu.memref_squeeze %dma_start3A_249 : memref<1x16xi32, #tpu.memory_space<vmem>> -> memref<16xi32, #tpu.memory_space<vmem>>
      tpu.enqueue_dma source(%dma_start3A_250 : memref<16xi32, #tpu.memory_space<vmem>>) target(%dma_start3A_247 : memref<16xi32, #tpu.memory_space<hbm>>) target_semaphore(%arg8 : memref<!tpu.dma_semaphore, #tpu.memory_space<semaphore_mem>>)
      %dma_start3A_251 = arith.constant 8 : i32
      %dma_start3A_252 = arith.constant 8 : i32
      %dma_start3A_253 = arith.constant 0 : i32
      %dma_start3A_254 = tpu.memref_slice %arg6[%dma_start3A_251, %dma_start3A_253] : memref<10x16xi32, #tpu.memory_space<vmem>> -> memref<1x16xi32, #tpu.memory_space<vmem>>
      %dma_start3A_255 = tpu.memref_squeeze %dma_start3A_254 : memref<1x16xi32, #tpu.memory_space<vmem>> -> memref<16xi32, #tpu.memory_space<vmem>>
      %dma_start3A_256 = tpu.memref_slice %arg4[%dma_start3A_252, %mul3A_4] : memref<10x128xi32, #tpu.memory_space<hbm>> -> memref<1x16xi32, #tpu.memory_space<hbm>>
      %dma_start3A_257 = tpu.memref_squeeze %dma_start3A_256 : memref<1x16xi32, #tpu.memory_space<hbm>> -> memref<16xi32, #tpu.memory_space<hbm>>
      %dma_start3A_258 = tpu.memref_slice %arg4[%dma_start3A_252, %mul3A_4] : memref<10x128xi32, #tpu.memory_space<hbm>> -> memref<1x16xi32, #tpu.memory_space<hbm>>
      %dma_start3A_259 = tpu.memref_squeeze %dma_start3A_258 : memref<1x16xi32, #tpu.memory_space<hbm>> -> memref<16xi32, #tpu.memory_space<hbm>>
      %dma_start3A_260 = arith.constant 0 : i32
      %dma_start3A_261 = tpu.memref_slice %arg6[%dma_start3A_251, %dma_start3A_260] : memref<10x16xi32, #tpu.memory_space<vmem>> -> memref<1x16xi32, #tpu.memory_space<vmem>>
      %dma_start3A_262 = tpu.memref_squeeze %dma_start3A_261 : memref<1x16xi32, #tpu.memory_space<vmem>> -> memref<16xi32, #tpu.memory_space<vmem>>
      tpu.enqueue_dma source(%dma_start3A_262 : memref<16xi32, #tpu.memory_space<vmem>>) target(%dma_start3A_259 : memref<16xi32, #tpu.memory_space<hbm>>) target_semaphore(%arg8 : memref<!tpu.dma_semaphore, #tpu.memory_space<semaphore_mem>>)
      %dma_start3A_263 = arith.constant 9 : i32
      %dma_start3A_264 = arith.constant 9 : i32
      %dma_start3A_265 = arith.constant 0 : i32
      %dma_start3A_266 = tpu.memref_slice %arg6[%dma_start3A_263, %dma_start3A_265] : memref<10x16xi32, #tpu.memory_space<vmem>> -> memref<1x16xi32, #tpu.memory_space<vmem>>
      %dma_start3A_267 = tpu.memref_squeeze %dma_start3A_266 : memref<1x16xi32, #tpu.memory_space<vmem>> -> memref<16xi32, #tpu.memory_space<vmem>>
      %dma_start3A_268 = tpu.memref_slice %arg4[%dma_start3A_264, %mul3A_4] : memref<10x128xi32, #tpu.memory_space<hbm>> -> memref<1x16xi32, #tpu.memory_space<hbm>>
      %dma_start3A_269 = tpu.memref_squeeze %dma_start3A_268 : memref<1x16xi32, #tpu.memory_space<hbm>> -> memref<16xi32, #tpu.memory_space<hbm>>
      %dma_start3A_270 = tpu.memref_slice %arg4[%dma_start3A_264, %mul3A_4] : memref<10x128xi32, #tpu.memory_space<hbm>> -> memref<1x16xi32, #tpu.memory_space<hbm>>
      %dma_start3A_271 = tpu.memref_squeeze %dma_start3A_270 : memref<1x16xi32, #tpu.memory_space<hbm>> -> memref<16xi32, #tpu.memory_space<hbm>>
      %dma_start3A_272 = arith.constant 0 : i32
      %dma_start3A_273 = tpu.memref_slice %arg6[%dma_start3A_263, %dma_start3A_272] : memref<10x16xi32, #tpu.memory_space<vmem>> -> memref<1x16xi32, #tpu.memory_space<vmem>>
      %dma_start3A_274 = tpu.memref_squeeze %dma_start3A_273 : memref<1x16xi32, #tpu.memory_space<vmem>> -> memref<16xi32, #tpu.memory_space<vmem>>
      tpu.enqueue_dma source(%dma_start3A_274 : memref<16xi32, #tpu.memory_space<vmem>>) target(%dma_start3A_271 : memref<16xi32, #tpu.memory_space<hbm>>) target_semaphore(%arg8 : memref<!tpu.dma_semaphore, #tpu.memory_space<semaphore_mem>>)
      %dma_wait3A_275 = arith.constant 0 : i32
      %dma_wait3A_276 = arith.constant 0 : i32
      %dma_wait3A_277 = arith.constant 0 : i32
      %dma_wait3A_278 = tpu.memref_slice %arg6[%dma_wait3A_275, %dma_wait3A_277] : memref<10x16xi32, #tpu.memory_space<vmem>> -> memref<1x16xi32, #tpu.memory_space<vmem>>
      %dma_wait3A_279 = tpu.memref_squeeze %dma_wait3A_278 : memref<1x16xi32, #tpu.memory_space<vmem>> -> memref<16xi32, #tpu.memory_space<vmem>>
      %dma_wait3A_280 = tpu.memref_slice %arg4[%dma_wait3A_276, %mul3A_4] : memref<10x128xi32, #tpu.memory_space<hbm>> -> memref<1x16xi32, #tpu.memory_space<hbm>>
      %dma_wait3A_281 = tpu.memref_squeeze %dma_wait3A_280 : memref<1x16xi32, #tpu.memory_space<hbm>> -> memref<16xi32, #tpu.memory_space<hbm>>
      %dma_wait3A_282 = tpu.memref_slice %arg4[%dma_wait3A_276, %mul3A_4] : memref<10x128xi32, #tpu.memory_space<hbm>> -> memref<1x16xi32, #tpu.memory_space<hbm>>
      %dma_wait3A_283 = tpu.memref_squeeze %dma_wait3A_282 : memref<1x16xi32, #tpu.memory_space<hbm>> -> memref<16xi32, #tpu.memory_space<hbm>>
      %dma_wait3A_284 = arith.constant 0 : i32
      %dma_wait3A_285 = tpu.memref_slice %arg6[%dma_wait3A_275, %dma_wait3A_284] : memref<10x16xi32, #tpu.memory_space<vmem>> -> memref<1x16xi32, #tpu.memory_space<vmem>>
      %dma_wait3A_286 = tpu.memref_squeeze %dma_wait3A_285 : memref<1x16xi32, #tpu.memory_space<vmem>> -> memref<16xi32, #tpu.memory_space<vmem>>
      tpu.wait_dma2 semaphore(%arg8 : memref<!tpu.dma_semaphore, #tpu.memory_space<semaphore_mem>>) src(%dma_wait3A_286 : memref<16xi32, #tpu.memory_space<vmem>>) dst(%dma_wait3A_283 : memref<16xi32, #tpu.memory_space<hbm>>)
      %dma_wait3A_287 = arith.constant 1 : i32
      %dma_wait3A_288 = arith.constant 1 : i32
      %dma_wait3A_289 = arith.constant 0 : i32
      %dma_wait3A_290 = tpu.memref_slice %arg6[%dma_wait3A_287, %dma_wait3A_289] : memref<10x16xi32, #tpu.memory_space<vmem>> -> memref<1x16xi32, #tpu.memory_space<vmem>>
      %dma_wait3A_291 = tpu.memref_squeeze %dma_wait3A_290 : memref<1x16xi32, #tpu.memory_space<vmem>> -> memref<16xi32, #tpu.memory_space<vmem>>
      %dma_wait3A_292 = tpu.memref_slice %arg4[%dma_wait3A_288, %mul3A_4] : memref<10x128xi32, #tpu.memory_space<hbm>> -> memref<1x16xi32, #tpu.memory_space<hbm>>
      %dma_wait3A_293 = tpu.memref_squeeze %dma_wait3A_292 : memref<1x16xi32, #tpu.memory_space<hbm>> -> memref<16xi32, #tpu.memory_space<hbm>>
      %dma_wait3A_294 = tpu.memref_slice %arg4[%dma_wait3A_288, %mul3A_4] : memref<10x128xi32, #tpu.memory_space<hbm>> -> memref<1x16xi32, #tpu.memory_space<hbm>>
      %dma_wait3A_295 = tpu.memref_squeeze %dma_wait3A_294 : memref<1x16xi32, #tpu.memory_space<hbm>> -> memref<16xi32, #tpu.memory_space<hbm>>
      %dma_wait3A_296 = arith.constant 0 : i32
      %dma_wait3A_297 = tpu.memref_slice %arg6[%dma_wait3A_287, %dma_wait3A_296] : memref<10x16xi32, #tpu.memory_space<vmem>> -> memref<1x16xi32, #tpu.memory_space<vmem>>
      %dma_wait3A_298 = tpu.memref_squeeze %dma_wait3A_297 : memref<1x16xi32, #tpu.memory_space<vmem>> -> memref<16xi32, #tpu.memory_space<vmem>>
      tpu.wait_dma2 semaphore(%arg8 : memref<!tpu.dma_semaphore, #tpu.memory_space<semaphore_mem>>) src(%dma_wait3A_298 : memref<16xi32, #tpu.memory_space<vmem>>) dst(%dma_wait3A_295 : memref<16xi32, #tpu.memory_space<hbm>>)
      %dma_wait3A_299 = arith.constant 2 : i32
      %dma_wait3A_300 = arith.constant 2 : i32
      %dma_wait3A_301 = arith.constant 0 : i32
      %dma_wait3A_302 = tpu.memref_slice %arg6[%dma_wait3A_299, %dma_wait3A_301] : memref<10x16xi32, #tpu.memory_space<vmem>> -> memref<1x16xi32, #tpu.memory_space<vmem>>
      %dma_wait3A_303 = tpu.memref_squeeze %dma_wait3A_302 : memref<1x16xi32, #tpu.memory_space<vmem>> -> memref<16xi32, #tpu.memory_space<vmem>>
      %dma_wait3A_304 = tpu.memref_slice %arg4[%dma_wait3A_300, %mul3A_4] : memref<10x128xi32, #tpu.memory_space<hbm>> -> memref<1x16xi32, #tpu.memory_space<hbm>>
      %dma_wait3A_305 = tpu.memref_squeeze %dma_wait3A_304 : memref<1x16xi32, #tpu.memory_space<hbm>> -> memref<16xi32, #tpu.memory_space<hbm>>
      %dma_wait3A_306 = tpu.memref_slice %arg4[%dma_wait3A_300, %mul3A_4] : memref<10x128xi32, #tpu.memory_space<hbm>> -> memref<1x16xi32, #tpu.memory_space<hbm>>
      %dma_wait3A_307 = tpu.memref_squeeze %dma_wait3A_306 : memref<1x16xi32, #tpu.memory_space<hbm>> -> memref<16xi32, #tpu.memory_space<hbm>>
      %dma_wait3A_308 = arith.constant 0 : i32
      %dma_wait3A_309 = tpu.memref_slice %arg6[%dma_wait3A_299, %dma_wait3A_308] : memref<10x16xi32, #tpu.memory_space<vmem>> -> memref<1x16xi32, #tpu.memory_space<vmem>>
      %dma_wait3A_310 = tpu.memref_squeeze %dma_wait3A_309 : memref<1x16xi32, #tpu.memory_space<vmem>> -> memref<16xi32, #tpu.memory_space<vmem>>
      tpu.wait_dma2 semaphore(%arg8 : memref<!tpu.dma_semaphore, #tpu.memory_space<semaphore_mem>>) src(%dma_wait3A_310 : memref<16xi32, #tpu.memory_space<vmem>>) dst(%dma_wait3A_307 : memref<16xi32, #tpu.memory_space<hbm>>)
      %dma_wait3A_311 = arith.constant 3 : i32
      %dma_wait3A_312 = arith.constant 3 : i32
      %dma_wait3A_313 = arith.constant 0 : i32
      %dma_wait3A_314 = tpu.memref_slice %arg6[%dma_wait3A_311, %dma_wait3A_313] : memref<10x16xi32, #tpu.memory_space<vmem>> -> memref<1x16xi32, #tpu.memory_space<vmem>>
      %dma_wait3A_315 = tpu.memref_squeeze %dma_wait3A_314 : memref<1x16xi32, #tpu.memory_space<vmem>> -> memref<16xi32, #tpu.memory_space<vmem>>
      %dma_wait3A_316 = tpu.memref_slice %arg4[%dma_wait3A_312, %mul3A_4] : memref<10x128xi32, #tpu.memory_space<hbm>> -> memref<1x16xi32, #tpu.memory_space<hbm>>
      %dma_wait3A_317 = tpu.memref_squeeze %dma_wait3A_316 : memref<1x16xi32, #tpu.memory_space<hbm>> -> memref<16xi32, #tpu.memory_space<hbm>>
      %dma_wait3A_318 = tpu.memref_slice %arg4[%dma_wait3A_312, %mul3A_4] : memref<10x128xi32, #tpu.memory_space<hbm>> -> memref<1x16xi32, #tpu.memory_space<hbm>>
      %dma_wait3A_319 = tpu.memref_squeeze %dma_wait3A_318 : memref<1x16xi32, #tpu.memory_space<hbm>> -> memref<16xi32, #tpu.memory_space<hbm>>
      %dma_wait3A_320 = arith.constant 0 : i32
      %dma_wait3A_321 = tpu.memref_slice %arg6[%dma_wait3A_311, %dma_wait3A_320] : memref<10x16xi32, #tpu.memory_space<vmem>> -> memref<1x16xi32, #tpu.memory_space<vmem>>
      %dma_wait3A_322 = tpu.memref_squeeze %dma_wait3A_321 : memref<1x16xi32, #tpu.memory_space<vmem>> -> memref<16xi32, #tpu.memory_space<vmem>>
      tpu.wait_dma2 semaphore(%arg8 : memref<!tpu.dma_semaphore, #tpu.memory_space<semaphore_mem>>) src(%dma_wait3A_322 : memref<16xi32, #tpu.memory_space<vmem>>) dst(%dma_wait3A_319 : memref<16xi32, #tpu.memory_space<hbm>>)
      %dma_wait3A_323 = arith.constant 4 : i32
      %dma_wait3A_324 = arith.constant 4 : i32
      %dma_wait3A_325 = arith.constant 0 : i32
      %dma_wait3A_326 = tpu.memref_slice %arg6[%dma_wait3A_323, %dma_wait3A_325] : memref<10x16xi32, #tpu.memory_space<vmem>> -> memref<1x16xi32, #tpu.memory_space<vmem>>
      %dma_wait3A_327 = tpu.memref_squeeze %dma_wait3A_326 : memref<1x16xi32, #tpu.memory_space<vmem>> -> memref<16xi32, #tpu.memory_space<vmem>>
      %dma_wait3A_328 = tpu.memref_slice %arg4[%dma_wait3A_324, %mul3A_4] : memref<10x128xi32, #tpu.memory_space<hbm>> -> memref<1x16xi32, #tpu.memory_space<hbm>>
      %dma_wait3A_329 = tpu.memref_squeeze %dma_wait3A_328 : memref<1x16xi32, #tpu.memory_space<hbm>> -> memref<16xi32, #tpu.memory_space<hbm>>
      %dma_wait3A_330 = tpu.memref_slice %arg4[%dma_wait3A_324, %mul3A_4] : memref<10x128xi32, #tpu.memory_space<hbm>> -> memref<1x16xi32, #tpu.memory_space<hbm>>
      %dma_wait3A_331 = tpu.memref_squeeze %dma_wait3A_330 : memref<1x16xi32, #tpu.memory_space<hbm>> -> memref<16xi32, #tpu.memory_space<hbm>>
      %dma_wait3A_332 = arith.constant 0 : i32
      %dma_wait3A_333 = tpu.memref_slice %arg6[%dma_wait3A_323, %dma_wait3A_332] : memref<10x16xi32, #tpu.memory_space<vmem>> -> memref<1x16xi32, #tpu.memory_space<vmem>>
      %dma_wait3A_334 = tpu.memref_squeeze %dma_wait3A_333 : memref<1x16xi32, #tpu.memory_space<vmem>> -> memref<16xi32, #tpu.memory_space<vmem>>
      tpu.wait_dma2 semaphore(%arg8 : memref<!tpu.dma_semaphore, #tpu.memory_space<semaphore_mem>>) src(%dma_wait3A_334 : memref<16xi32, #tpu.memory_space<vmem>>) dst(%dma_wait3A_331 : memref<16xi32, #tpu.memory_space<hbm>>)
      %dma_wait3A_335 = arith.constant 5 : i32
      %dma_wait3A_336 = arith.constant 5 : i32
      %dma_wait3A_337 = arith.constant 0 : i32
      %dma_wait3A_338 = tpu.memref_slice %arg6[%dma_wait3A_335, %dma_wait3A_337] : memref<10x16xi32, #tpu.memory_space<vmem>> -> memref<1x16xi32, #tpu.memory_space<vmem>>
      %dma_wait3A_339 = tpu.memref_squeeze %dma_wait3A_338 : memref<1x16xi32, #tpu.memory_space<vmem>> -> memref<16xi32, #tpu.memory_space<vmem>>
      %dma_wait3A_340 = tpu.memref_slice %arg4[%dma_wait3A_336, %mul3A_4] : memref<10x128xi32, #tpu.memory_space<hbm>> -> memref<1x16xi32, #tpu.memory_space<hbm>>
      %dma_wait3A_341 = tpu.memref_squeeze %dma_wait3A_340 : memref<1x16xi32, #tpu.memory_space<hbm>> -> memref<16xi32, #tpu.memory_space<hbm>>
      %dma_wait3A_342 = tpu.memref_slice %arg4[%dma_wait3A_336, %mul3A_4] : memref<10x128xi32, #tpu.memory_space<hbm>> -> memref<1x16xi32, #tpu.memory_space<hbm>>
      %dma_wait3A_343 = tpu.memref_squeeze %dma_wait3A_342 : memref<1x16xi32, #tpu.memory_space<hbm>> -> memref<16xi32, #tpu.memory_space<hbm>>
      %dma_wait3A_344 = arith.constant 0 : i32
      %dma_wait3A_345 = tpu.memref_slice %arg6[%dma_wait3A_335, %dma_wait3A_344] : memref<10x16xi32, #tpu.memory_space<vmem>> -> memref<1x16xi32, #tpu.memory_space<vmem>>
      %dma_wait3A_346 = tpu.memref_squeeze %dma_wait3A_345 : memref<1x16xi32, #tpu.memory_space<vmem>> -> memref<16xi32, #tpu.memory_space<vmem>>
      tpu.wait_dma2 semaphore(%arg8 : memref<!tpu.dma_semaphore, #tpu.memory_space<semaphore_mem>>) src(%dma_wait3A_346 : memref<16xi32, #tpu.memory_space<vmem>>) dst(%dma_wait3A_343 : memref<16xi32, #tpu.memory_space<hbm>>)
      %dma_wait3A_347 = arith.constant 6 : i32
      %dma_wait3A_348 = arith.constant 6 : i32
      %dma_wait3A_349 = arith.constant 0 : i32
      %dma_wait3A_350 = tpu.memref_slice %arg6[%dma_wait3A_347, %dma_wait3A_349] : memref<10x16xi32, #tpu.memory_space<vmem>> -> memref<1x16xi32, #tpu.memory_space<vmem>>
      %dma_wait3A_351 = tpu.memref_squeeze %dma_wait3A_350 : memref<1x16xi32, #tpu.memory_space<vmem>> -> memref<16xi32, #tpu.memory_space<vmem>>
      %dma_wait3A_352 = tpu.memref_slice %arg4[%dma_wait3A_348, %mul3A_4] : memref<10x128xi32, #tpu.memory_space<hbm>> -> memref<1x16xi32, #tpu.memory_space<hbm>>
      %dma_wait3A_353 = tpu.memref_squeeze %dma_wait3A_352 : memref<1x16xi32, #tpu.memory_space<hbm>> -> memref<16xi32, #tpu.memory_space<hbm>>
      %dma_wait3A_354 = tpu.memref_slice %arg4[%dma_wait3A_348, %mul3A_4] : memref<10x128xi32, #tpu.memory_space<hbm>> -> memref<1x16xi32, #tpu.memory_space<hbm>>
      %dma_wait3A_355 = tpu.memref_squeeze %dma_wait3A_354 : memref<1x16xi32, #tpu.memory_space<hbm>> -> memref<16xi32, #tpu.memory_space<hbm>>
      %dma_wait3A_356 = arith.constant 0 : i32
      %dma_wait3A_357 = tpu.memref_slice %arg6[%dma_wait3A_347, %dma_wait3A_356] : memref<10x16xi32, #tpu.memory_space<vmem>> -> memref<1x16xi32, #tpu.memory_space<vmem>>
      %dma_wait3A_358 = tpu.memref_squeeze %dma_wait3A_357 : memref<1x16xi32, #tpu.memory_space<vmem>> -> memref<16xi32, #tpu.memory_space<vmem>>
      tpu.wait_dma2 semaphore(%arg8 : memref<!tpu.dma_semaphore, #tpu.memory_space<semaphore_mem>>) src(%dma_wait3A_358 : memref<16xi32, #tpu.memory_space<vmem>>) dst(%dma_wait3A_355 : memref<16xi32, #tpu.memory_space<hbm>>)
      %dma_wait3A_359 = arith.constant 7 : i32
      %dma_wait3A_360 = arith.constant 7 : i32
      %dma_wait3A_361 = arith.constant 0 : i32
      %dma_wait3A_362 = tpu.memref_slice %arg6[%dma_wait3A_359, %dma_wait3A_361] : memref<10x16xi32, #tpu.memory_space<vmem>> -> memref<1x16xi32, #tpu.memory_space<vmem>>
      %dma_wait3A_363 = tpu.memref_squeeze %dma_wait3A_362 : memref<1x16xi32, #tpu.memory_space<vmem>> -> memref<16xi32, #tpu.memory_space<vmem>>
      %dma_wait3A_364 = tpu.memref_slice %arg4[%dma_wait3A_360, %mul3A_4] : memref<10x128xi32, #tpu.memory_space<hbm>> -> memref<1x16xi32, #tpu.memory_space<hbm>>
      %dma_wait3A_365 = tpu.memref_squeeze %dma_wait3A_364 : memref<1x16xi32, #tpu.memory_space<hbm>> -> memref<16xi32, #tpu.memory_space<hbm>>
      %dma_wait3A_366 = tpu.memref_slice %arg4[%dma_wait3A_360, %mul3A_4] : memref<10x128xi32, #tpu.memory_space<hbm>> -> memref<1x16xi32, #tpu.memory_space<hbm>>
      %dma_wait3A_367 = tpu.memref_squeeze %dma_wait3A_366 : memref<1x16xi32, #tpu.memory_space<hbm>> -> memref<16xi32, #tpu.memory_space<hbm>>
      %dma_wait3A_368 = arith.constant 0 : i32
      %dma_wait3A_369 = tpu.memref_slice %arg6[%dma_wait3A_359, %dma_wait3A_368] : memref<10x16xi32, #tpu.memory_space<vmem>> -> memref<1x16xi32, #tpu.memory_space<vmem>>
      %dma_wait3A_370 = tpu.memref_squeeze %dma_wait3A_369 : memref<1x16xi32, #tpu.memory_space<vmem>> -> memref<16xi32, #tpu.memory_space<vmem>>
      tpu.wait_dma2 semaphore(%arg8 : memref<!tpu.dma_semaphore, #tpu.memory_space<semaphore_mem>>) src(%dma_wait3A_370 : memref<16xi32, #tpu.memory_space<vmem>>) dst(%dma_wait3A_367 : memref<16xi32, #tpu.memory_space<hbm>>)
      %dma_wait3A_371 = arith.constant 8 : i32
      %dma_wait3A_372 = arith.constant 8 : i32
      %dma_wait3A_373 = arith.constant 0 : i32
      %dma_wait3A_374 = tpu.memref_slice %arg6[%dma_wait3A_371, %dma_wait3A_373] : memref<10x16xi32, #tpu.memory_space<vmem>> -> memref<1x16xi32, #tpu.memory_space<vmem>>
      %dma_wait3A_375 = tpu.memref_squeeze %dma_wait3A_374 : memref<1x16xi32, #tpu.memory_space<vmem>> -> memref<16xi32, #tpu.memory_space<vmem>>
      %dma_wait3A_376 = tpu.memref_slice %arg4[%dma_wait3A_372, %mul3A_4] : memref<10x128xi32, #tpu.memory_space<hbm>> -> memref<1x16xi32, #tpu.memory_space<hbm>>
      %dma_wait3A_377 = tpu.memref_squeeze %dma_wait3A_376 : memref<1x16xi32, #tpu.memory_space<hbm>> -> memref<16xi32, #tpu.memory_space<hbm>>
      %dma_wait3A_378 = tpu.memref_slice %arg4[%dma_wait3A_372, %mul3A_4] : memref<10x128xi32, #tpu.memory_space<hbm>> -> memref<1x16xi32, #tpu.memory_space<hbm>>
      %dma_wait3A_379 = tpu.memref_squeeze %dma_wait3A_378 : memref<1x16xi32, #tpu.memory_space<hbm>> -> memref<16xi32, #tpu.memory_space<hbm>>
      %dma_wait3A_380 = arith.constant 0 : i32
      %dma_wait3A_381 = tpu.memref_slice %arg6[%dma_wait3A_371, %dma_wait3A_380] : memref<10x16xi32, #tpu.memory_space<vmem>> -> memref<1x16xi32, #tpu.memory_space<vmem>>
      %dma_wait3A_382 = tpu.memref_squeeze %dma_wait3A_381 : memref<1x16xi32, #tpu.memory_space<vmem>> -> memref<16xi32, #tpu.memory_space<vmem>>
      tpu.wait_dma2 semaphore(%arg8 : memref<!tpu.dma_semaphore, #tpu.memory_space<semaphore_mem>>) src(%dma_wait3A_382 : memref<16xi32, #tpu.memory_space<vmem>>) dst(%dma_wait3A_379 : memref<16xi32, #tpu.memory_space<hbm>>)
      %dma_wait3A_383 = arith.constant 9 : i32
      %dma_wait3A_384 = arith.constant 9 : i32
      %dma_wait3A_385 = arith.constant 0 : i32
      %dma_wait3A_386 = tpu.memref_slice %arg6[%dma_wait3A_383, %dma_wait3A_385] : memref<10x16xi32, #tpu.memory_space<vmem>> -> memref<1x16xi32, #tpu.memory_space<vmem>>
      %dma_wait3A_387 = tpu.memref_squeeze %dma_wait3A_386 : memref<1x16xi32, #tpu.memory_space<vmem>> -> memref<16xi32, #tpu.memory_space<vmem>>
      %dma_wait3A_388 = tpu.memref_slice %arg4[%dma_wait3A_384, %mul3A_4] : memref<10x128xi32, #tpu.memory_space<hbm>> -> memref<1x16xi32, #tpu.memory_space<hbm>>
      %dma_wait3A_389 = tpu.memref_squeeze %dma_wait3A_388 : memref<1x16xi32, #tpu.memory_space<hbm>> -> memref<16xi32, #tpu.memory_space<hbm>>
      %dma_wait3A_390 = tpu.memref_slice %arg4[%dma_wait3A_384, %mul3A_4] : memref<10x128xi32, #tpu.memory_space<hbm>> -> memref<1x16xi32, #tpu.memory_space<hbm>>
      %dma_wait3A_391 = tpu.memref_squeeze %dma_wait3A_390 : memref<1x16xi32, #tpu.memory_space<hbm>> -> memref<16xi32, #tpu.memory_space<hbm>>
      %dma_wait3A_392 = arith.constant 0 : i32
      %dma_wait3A_393 = tpu.memref_slice %arg6[%dma_wait3A_383, %dma_wait3A_392] : memref<10x16xi32, #tpu.memory_space<vmem>> -> memref<1x16xi32, #tpu.memory_space<vmem>>
      %dma_wait3A_394 = tpu.memref_squeeze %dma_wait3A_393 : memref<1x16xi32, #tpu.memory_space<vmem>> -> memref<16xi32, #tpu.memory_space<vmem>>
      tpu.wait_dma2 semaphore(%arg8 : memref<!tpu.dma_semaphore, #tpu.memory_space<semaphore_mem>>) src(%dma_wait3A_394 : memref<16xi32, #tpu.memory_space<vmem>>) dst(%dma_wait3A_391 : memref<16xi32, #tpu.memory_space<hbm>>)
    } else {
    }
    return
  }
}

module attributes {stable_mosaic.version = 14 : i64} {
  func.func @_dense_body(%arg0: i32, %arg1: memref<128x128xf32, #tpu.memory_space<vmem>>, %arg2: memref<128x128xf32, #tpu.memory_space<vmem>>, %arg3: memref<128x128xf32, #tpu.memory_space<vmem>>, %arg4: memref<128x128xf32, #tpu.memory_space<vmem>>, %arg5: memref<128x128xf32, #tpu.memory_space<vmem>>, %arg6: memref<128x128xf32, #tpu.memory_space<vmem>>, %arg7: memref<4x128xf32, #tpu.memory_space<vmem>>, %arg8: memref<1x128xf32, #tpu.memory_space<vmem>>, %arg9: memref<1x128xf32, #tpu.memory_space<vmem>>, %arg10: memref<128x160xf32, #tpu.memory_space<vmem>>, %arg11: memref<128x256xf32, #tpu.memory_space<vmem>>, %arg12: memref<1x128xf32, #tpu.memory_space<vmem>>, %arg13: memref<128x128xf32, #tpu.memory_space<vmem>>, %arg14: memref<1x128xf32, #tpu.memory_space<vmem>>, %arg15: memref<8192x128xf32, #tpu.memory_space<vmem>>, %arg16: memref<8192x128xf32, #tpu.memory_space<vmem>>, %arg17: memref<128x128xf32, #tpu.memory_space<vmem>>) attributes {dimension_semantics = [#tpu.dimension_semantics<arbitrary>], iteration_bounds = array<i64: 7>, scalar_prefetch = 0 : i64, scratch_operands = 1 : i64, tpu.core_type = #tpu.core_type<tc>, window_params = [{pipeline_mode = #tpu.pipeline_mode<synchronous>, transform_indices = @transform_0, window_bounds = array<i64: 128, 128>}, {pipeline_mode = #tpu.pipeline_mode<synchronous>, transform_indices = @transform_1, window_bounds = array<i64: 128, 128>}, {pipeline_mode = #tpu.pipeline_mode<synchronous>, transform_indices = @transform_2, window_bounds = array<i64: 128, 128>}, {pipeline_mode = #tpu.pipeline_mode<synchronous>, transform_indices = @transform_3, window_bounds = array<i64: 128, 128>}, {pipeline_mode = #tpu.pipeline_mode<synchronous>, transform_indices = @transform_4, window_bounds = array<i64: 128, 128>}, {pipeline_mode = #tpu.pipeline_mode<synchronous>, transform_indices = @transform_5, window_bounds = array<i64: 128, 128>}, {pipeline_mode = #tpu.pipeline_mode<synchronous>, transform_indices = @transform_6, window_bounds = array<i64: 4, 128>}, {pipeline_mode = #tpu.pipeline_mode<synchronous>, transform_indices = @transform_7, window_bounds = array<i64: 1, 128>}, {pipeline_mode = #tpu.pipeline_mode<synchronous>, transform_indices = @transform_8, window_bounds = array<i64: 1, 128>}, {pipeline_mode = #tpu.pipeline_mode<synchronous>, transform_indices = @transform_9, window_bounds = array<i64: 128, 160>}, {pipeline_mode = #tpu.pipeline_mode<synchronous>, transform_indices = @transform_10, window_bounds = array<i64: 128, 256>}, {pipeline_mode = #tpu.pipeline_mode<synchronous>, transform_indices = @transform_11, window_bounds = array<i64: 1, 128>}, {pipeline_mode = #tpu.pipeline_mode<synchronous>, transform_indices = @transform_12, window_bounds = array<i64: 128, 128>}, {pipeline_mode = #tpu.pipeline_mode<synchronous>, transform_indices = @transform_13, window_bounds = array<i64: 1, 128>}, {transform_indices = @transform_14, window_bounds = array<i64: 8192, 128>}, {transform_indices = @transform_15, window_bounds = array<i64: 8192, 128>}]} {
    %eq3A = arith.constant 0 : i32
    %eq3A_0 = arith.cmpi eq, %arg0, %eq3A : i32
    %convert_element_type3A = arith.extui %eq3A_0 : i1 to i32
    %cond3A = arith.constant 0 : i32
    %cond3A_1 = arith.cmpi ne, %convert_element_type3A, %cond3A : i32
    scf.if %cond3A_1 {
      %get3A_15 = arith.constant 0 : index
      %get3A_16 = arith.constant 0 : index
      %get3A_17 = vector.load %arg3[%get3A_15, %get3A_16] : memref<128x128xf32, #tpu.memory_space<vmem>>, vector<128x128xf32>
      %get3A_18 = arith.constant 0 : index
      %get3A_19 = arith.constant 0 : index
      %get3A_20 = vector.load %arg4[%get3A_18, %get3A_19] : memref<128x128xf32, #tpu.memory_space<vmem>>, vector<128x128xf32>
      %add3A = arith.addf %get3A_17, %get3A_20 : vector<128x128xf32>
      %get3A_21 = arith.constant 0 : index
      %get3A_22 = arith.constant 0 : index
      %get3A_23 = vector.load %arg5[%get3A_21, %get3A_22] : memref<128x128xf32, #tpu.memory_space<vmem>>, vector<128x128xf32>
      %add3A_24 = arith.addf %add3A, %get3A_23 : vector<128x128xf32>
      %get3A_25 = arith.constant 0 : index
      %get3A_26 = arith.constant 0 : index
      %get3A_27 = vector.load %arg6[%get3A_25, %get3A_26] : memref<128x128xf32, #tpu.memory_space<vmem>>, vector<128x128xf32>
      %add3A_28 = arith.addf %add3A_24, %get3A_27 : vector<128x128xf32>
      %get3A_29 = arith.constant 0 : index
      %get3A_30 = arith.constant 0 : index
      %get3A_31 = vector.load %arg7[%get3A_29, %get3A_30] : memref<4x128xf32, #tpu.memory_space<vmem>>, vector<4x128xf32>
      %reduce_sum3A = arith.constant dense<0.000000e+00> : vector<128xf32>
      %reduce_sum3A_32 = vector.multi_reduction <add>, %get3A_31, %reduce_sum3A [0] : vector<4x128xf32> to vector<128xf32>
      %broadcast_in_dim3A = vector.shape_cast %reduce_sum3A_32 : vector<128xf32> to vector<1x128xf32>
      %get3A_33 = arith.constant 0 : index
      %get3A_34 = arith.constant 0 : index
      %get3A_35 = vector.load %arg8[%get3A_33, %get3A_34] : memref<1x128xf32, #tpu.memory_space<vmem>>, vector<1x128xf32>
      %dot_general3A_36 = arith.constant dense<0.000000e+00> : vector<128x128xf32>
      %dot_general3A_37 = tpu.matmul %broadcast_in_dim3A, %get3A_35, %dot_general3A_36 {dimension_numbers = #tpu.dot_dimension_numbers<[0], [0], [1], [1], [0, 1, 1, 1], [], []>, transpose_lhs_hint = false} : vector<1x128xf32>, vector<1x128xf32>, vector<128x128xf32> -> vector<128x128xf32>
      %broadcast_in_dim3A_38 = arith.constant 0.000000e+00 : f32
      %broadcast_in_dim3A_39 = vector.broadcast %broadcast_in_dim3A_38 : f32 to vector<128x32xf32>
      %concatenate3A = tpu.concatenate %add3A_28, %broadcast_in_dim3A_39 in 1 : vector<128x128xf32>, vector<128x32xf32> -> vector<128x160xf32>
      %get3A_40 = arith.constant 0 : index
      %get3A_41 = arith.constant 0 : index
      %get3A_42 = vector.load %arg1[%get3A_40, %get3A_41] : memref<128x128xf32, #tpu.memory_space<vmem>>, vector<128x128xf32>
      %get3A_43 = arith.constant 0 : index
      %get3A_44 = arith.constant 0 : index
      %get3A_45 = vector.load %arg10[%get3A_43, %get3A_44] : memref<128x160xf32, #tpu.memory_space<vmem>>, vector<128x160xf32>
      %dot_general3A_46 = arith.constant dense<0.000000e+00> : vector<128x128xf32>
      %dot_general3A_47 = tpu.matmul %concatenate3A, %get3A_45, %dot_general3A_46 {dimension_numbers = #tpu.dot_dimension_numbers<[1], [1], [0], [0], [0, 0, 1, 0], [], []>, transpose_lhs_hint = false} : vector<128x160xf32>, vector<128x160xf32>, vector<128x128xf32> -> vector<128x128xf32>
      %add3A_48 = arith.addf %get3A_42, %dot_general3A_47 : vector<128x128xf32>
      %add3A_49 = arith.addf %add3A_48, %dot_general3A_37 : vector<128x128xf32>
      %get3A_50 = arith.constant 0 : index
      %get3A_51 = arith.constant 0 : index
      %get3A_52 = vector.load %arg9[%get3A_50, %get3A_51] : memref<1x128xf32, #tpu.memory_space<vmem>>, vector<1x128xf32>
      %add3A_53 = vector.broadcast %get3A_52 : vector<1x128xf32> to vector<128x128xf32>
      %add3A_54 = arith.addf %add3A_49, %add3A_53 : vector<128x128xf32>
      %get3A_55 = arith.constant 0 : index
      %get3A_56 = arith.constant 0 : index
      %get3A_57 = vector.load %arg2[%get3A_55, %get3A_56] : memref<128x128xf32, #tpu.memory_space<vmem>>, vector<128x128xf32>
      %concatenate3A_58 = tpu.concatenate %add3A_54, %get3A_57 in 1 : vector<128x128xf32>, vector<128x128xf32> -> vector<128x256xf32>
      %get3A_59 = arith.constant 0 : index
      %get3A_60 = arith.constant 0 : index
      %get3A_61 = vector.load %arg11[%get3A_59, %get3A_60] : memref<128x256xf32, #tpu.memory_space<vmem>>, vector<128x256xf32>
      %dot_general3A_62 = arith.constant dense<0.000000e+00> : vector<128x128xf32>
      %dot_general3A_63 = tpu.matmul %concatenate3A_58, %get3A_61, %dot_general3A_62 {dimension_numbers = #tpu.dot_dimension_numbers<[1], [1], [0], [0], [0, 0, 1, 0], [], []>, transpose_lhs_hint = false} : vector<128x256xf32>, vector<128x256xf32>, vector<128x128xf32> -> vector<128x128xf32>
      %get3A_64 = arith.constant 0 : index
      %get3A_65 = arith.constant 0 : index
      %get3A_66 = vector.load %arg12[%get3A_64, %get3A_65] : memref<1x128xf32, #tpu.memory_space<vmem>>, vector<1x128xf32>
      %add3A_67 = vector.broadcast %get3A_66 : vector<1x128xf32> to vector<128x128xf32>
      %add3A_68 = arith.addf %dot_general3A_63, %add3A_67 : vector<128x128xf32>
      %max3A = arith.constant 0.000000e+00 : f32
      %max3A_69 = vector.broadcast %max3A : f32 to vector<128x128xf32>
      %max3A_70 = arith.maximumf %add3A_68, %max3A_69 : vector<128x128xf32>
      %get3A_71 = arith.constant 0 : index
      %get3A_72 = arith.constant 0 : index
      %get3A_73 = vector.load %arg13[%get3A_71, %get3A_72] : memref<128x128xf32, #tpu.memory_space<vmem>>, vector<128x128xf32>
      %dot_general3A_74 = arith.constant dense<0.000000e+00> : vector<128x128xf32>
      %dot_general3A_75 = tpu.matmul %max3A_70, %get3A_73, %dot_general3A_74 {dimension_numbers = #tpu.dot_dimension_numbers<[1], [1], [0], [0], [0, 0, 1, 0], [], []>, transpose_lhs_hint = false} : vector<128x128xf32>, vector<128x128xf32>, vector<128x128xf32> -> vector<128x128xf32>
      %get3A_76 = arith.constant 0 : index
      %get3A_77 = arith.constant 0 : index
      %get3A_78 = vector.load %arg14[%get3A_76, %get3A_77] : memref<1x128xf32, #tpu.memory_space<vmem>>, vector<1x128xf32>
      %add3A_79 = vector.broadcast %get3A_78 : vector<1x128xf32> to vector<128x128xf32>
      %add3A_80 = arith.addf %dot_general3A_75, %add3A_79 : vector<128x128xf32>
      %swap3A_81 = arith.constant 0 : index
      %swap3A_82 = arith.constant 0 : index
      %swap3A_83 = vector.load %arg17[%swap3A_81, %swap3A_82] : memref<128x128xf32, #tpu.memory_space<vmem>>, vector<128x128xf32>
      tpu.vector_store %arg17[%swap3A_81, %swap3A_82], %add3A_80 {strides = array<i32>} : memref<128x128xf32, #tpu.memory_space<vmem>>, vector<128x128xf32>,
    } else {
    }
    %get3A = arith.constant 0 : index
    %get3A_2 = arith.constant 0 : index
    %get3A_3 = vector.load %arg15[%get3A, %get3A_2] : memref<8192x128xf32, #tpu.memory_space<vmem>>, vector<8192x128xf32>
    %get3A_4 = arith.constant 0 : index
    %get3A_5 = arith.constant 0 : index
    %get3A_6 = vector.load %arg17[%get3A_4, %get3A_5] : memref<128x128xf32, #tpu.memory_space<vmem>>, vector<128x128xf32>
    %dot_general3A = arith.constant dense<0.000000e+00> : vector<8192x128xf32>
    %dot_general3A_7 = tpu.matmul %get3A_3, %get3A_6, %dot_general3A {dimension_numbers = #tpu.dot_dimension_numbers<[1], [1], [0], [0], [0, 0, 1, 0], [], []>, transpose_lhs_hint = false} : vector<8192x128xf32>, vector<128x128xf32>, vector<8192x128xf32> -> vector<8192x128xf32>
    %logistic3A = arith.negf %dot_general3A_7 : vector<8192x128xf32>
    %logistic3A_8 = math.exp %logistic3A : vector<8192x128xf32>
    %logistic3A_9 = arith.constant 1.000000e+00 : f32
    %logistic3A_10 = vector.broadcast %logistic3A_9 : f32 to vector<8192x128xf32>
    %logistic3A_11 = arith.addf %logistic3A_10, %logistic3A_8 : vector<8192x128xf32>
    %logistic3A_12 = arith.divf %logistic3A_10, %logistic3A_11 : vector<8192x128xf32>
    %swap3A = arith.constant 0 : index
    %swap3A_13 = arith.constant 0 : index
    %swap3A_14 = vector.load %arg16[%swap3A, %swap3A_13] : memref<8192x128xf32, #tpu.memory_space<vmem>>, vector<8192x128xf32>
    tpu.vector_store %arg16[%swap3A, %swap3A_13], %logistic3A_12 {strides = array<i32>} : memref<8192x128xf32, #tpu.memory_space<vmem>>, vector<8192x128xf32>,
    return
  }
  func.func @transform_0(%arg0: i32) -> (i32, i32) {
    %c0_i32 = arith.constant 0 : i32
    %c0_i32_0 = arith.constant 0 : i32
    %c0_i32_1 = arith.constant 0 : i32
    return %c0_i32, %c0_i32_0 : i32, i32
  }
  func.func @transform_1(%arg0: i32) -> (i32, i32) {
    %c0_i32 = arith.constant 0 : i32
    %c0_i32_0 = arith.constant 0 : i32
    %c0_i32_1 = arith.constant 0 : i32
    return %c0_i32, %c0_i32_0 : i32, i32
  }
  func.func @transform_2(%arg0: i32) -> (i32, i32) {
    %c0_i32 = arith.constant 0 : i32
    %c0_i32_0 = arith.constant 0 : i32
    %c0_i32_1 = arith.constant 0 : i32
    return %c0_i32, %c0_i32_0 : i32, i32
  }
  func.func @transform_3(%arg0: i32) -> (i32, i32) {
    %c0_i32 = arith.constant 0 : i32
    %c0_i32_0 = arith.constant 0 : i32
    %c0_i32_1 = arith.constant 0 : i32
    return %c0_i32, %c0_i32_0 : i32, i32
  }
  func.func @transform_4(%arg0: i32) -> (i32, i32) {
    %c0_i32 = arith.constant 0 : i32
    %c0_i32_0 = arith.constant 0 : i32
    %c0_i32_1 = arith.constant 0 : i32
    return %c0_i32, %c0_i32_0 : i32, i32
  }
  func.func @transform_5(%arg0: i32) -> (i32, i32) {
    %c0_i32 = arith.constant 0 : i32
    %c0_i32_0 = arith.constant 0 : i32
    %c0_i32_1 = arith.constant 0 : i32
    return %c0_i32, %c0_i32_0 : i32, i32
  }
  func.func @transform_6(%arg0: i32) -> (i32, i32) {
    %c0_i32 = arith.constant 0 : i32
    %c0_i32_0 = arith.constant 0 : i32
    %c0_i32_1 = arith.constant 0 : i32
    return %c0_i32, %c0_i32_0 : i32, i32
  }
  func.func @transform_7(%arg0: i32) -> (i32, i32) {
    %c0_i32 = arith.constant 0 : i32
    %c0_i32_0 = arith.constant 0 : i32
    %c0_i32_1 = arith.constant 0 : i32
    return %c0_i32, %c0_i32_0 : i32, i32
  }
  func.func @transform_8(%arg0: i32) -> (i32, i32) {
    %c0_i32 = arith.constant 0 : i32
    %c0_i32_0 = arith.constant 0 : i32
    %c0_i32_1 = arith.constant 0 : i32
    return %c0_i32, %c0_i32_0 : i32, i32
  }
  func.func @transform_9(%arg0: i32) -> (i32, i32) {
    %c0_i32 = arith.constant 0 : i32
    %c0_i32_0 = arith.constant 0 : i32
    %c0_i32_1 = arith.constant 0 : i32
    return %c0_i32, %c0_i32_0 : i32, i32
  }
  func.func @transform_10(%arg0: i32) -> (i32, i32) {
    %c0_i32 = arith.constant 0 : i32
    %c0_i32_0 = arith.constant 0 : i32
    %c0_i32_1 = arith.constant 0 : i32
    return %c0_i32, %c0_i32_0 : i32, i32
  }
  func.func @transform_11(%arg0: i32) -> (i32, i32) {
    %c0_i32 = arith.constant 0 : i32
    %c0_i32_0 = arith.constant 0 : i32
    %c0_i32_1 = arith.constant 0 : i32
    return %c0_i32, %c0_i32_0 : i32, i32
  }
  func.func @transform_12(%arg0: i32) -> (i32, i32) {
    %c0_i32 = arith.constant 0 : i32
    %c0_i32_0 = arith.constant 0 : i32
    %c0_i32_1 = arith.constant 0 : i32
    return %c0_i32, %c0_i32_0 : i32, i32
  }
  func.func @transform_13(%arg0: i32) -> (i32, i32) {
    %c0_i32 = arith.constant 0 : i32
    %c0_i32_0 = arith.constant 0 : i32
    %c0_i32_1 = arith.constant 0 : i32
    return %c0_i32, %c0_i32_0 : i32, i32
  }
  func.func @transform_14(%arg0: i32) -> (i32, i32) {
    %c0_i32 = arith.constant 0 : i32
    %c0_i32_0 = arith.constant 0 : i32
    return %arg0, %c0_i32 : i32, i32
  }
  func.func @transform_15(%arg0: i32) -> (i32, i32) {
    %c0_i32 = arith.constant 0 : i32
    %c0_i32_0 = arith.constant 0 : i32
    return %arg0, %c0_i32 : i32, i32
  }
}

</mosaic_0001>

<sc_bundles>
// kernel: kernel.5.cloned.1.call-start
scs
__scs_entry_jumppad:
0x0: {  	(pc) =	sbr.rel $0x88, $3  }
0x1: {  	(tag) =	ssettag $0x0;
	lr =	simm.s32 $0x1  }
0x2: {  	[smem:$0x3F95] =	sst lr;
	_ =	strace $0xD0000000  }
0x3: {  	_ = 	snop  }
0x4: {  	_ = 	snop  }
0x5: {  	_ = 	snop  }
0x6: {  	_ = 	snop  }
0x7: {  	_ = 	snop  }
__scs_overlays_trampoline_lowered:
0x8: {  	[smem:$0x3FA4] =	sst s0  }
0x9: {  	[smem:$0x3FA5] =	sst s1  }
0xa: {  	[smem:$0x3FA6] =	sst s2  }
0xb: {  	[smem:$0x3FA7] =	sst s3  }
0xc: {  	[smem:$0x3FA8] =	sst s4  }
0xd: {  	[smem:$0x3FA9] =	sst s5  }
0xe: {  	[smem:$0x3FAA] =	sst s6  }
0xf: {  	[smem:$0x3FAB] =	sst s7  }
0x10: {  	[smem:$0x3FAC] =	sst s8  }
0x11: {  	[smem:$0x3FAD] =	sst s9;
	s0 =	simm.s32 @!p0 $0x0  }
0x12: {  	s1 =	sld [smem:$0x3F93];
	s0 =	simm.s32 @p0 $0x1  }
0x13: {  	[smem:$0x3FAE] =	sst s0;
	s0 =	simm.s32 @!p1 $0x0  }
0x14: {  	s2 =	sld [smem:$0x3F92];
	s0 =	simm.s32 @p1 $0x1  }
0x15: {  	[smem:$0x3FAF] =	sst s0;
	s0 =	simm.s32 @!p2 $0x0  }
0x16: {  	s3 =	sld [smem:$0x3FDB];
	s0 =	simm.s32 @p2 $0x1  }
0x17: {  	s4 =	simm.s32 $0x1BF5;
	[smem:$0x3FB1] =	sst s0  }
0x18: {  	s0 =	sld [smem:$0x3F94];
	_ =	swait.ge [sflag:s4], $0x0  }
0x19: {  	s7 =	sld [smem:$0x3F95]  }
0x1a: {  	s8 =	sadd.s32 $0xFFFFE003, lr  }
0x1b: {  	s9 =	sadd.s32 $0xFFFFFEF7, lr;
	s5 =	simm.s32 $0xFFFFFFFF;
	p2 =	slt.u32 s8, $0xFFFFF086  }
0x1c: {  	p1 =	slt.u32 s9, $0xF7A;
	s5 =	simm.s32 @!p2 $0x0  }
0x1d: {  	s5 =	simm.s32 @p1 $0x1;
	p0 =	seq.s32 s7, s2  }
0x1e: {  	s7 =	smul.u32 @!p0 $0xF7A, s2;
	p2 =	seq.s32 @!p0 s5, $0x0  }
0x1f: {  	s9 =	smul.u32 $0xF7A, s1;
	s8 =	simm.s32 @!p0 $0x1BF5;
	p2 =	por !p2, p0  }
0x20: {  	[sflag:s8] =	ssyncset.s32 @!p0 $0xFFFFF086;
	s6 =	sadd.s32 @!p0 s3, s7;
	s7 =	simm.s32 @!p0 $0x108  }
0x21: {  	s3 =	sadd.s32 s3, s9;
	s6 =	sadd.s32 @!p0 $0x88, s6;
	s7 =	simm.s32 @p2 $0x1082  }
0x22: {  	[simem:s7], [sflag:s8] =	dma.local @!p0 [hbm:s6], $0xF7A  }
0x23: {  	s9 =	sor.u32 $0xD0000000, s2;
	s6 =	simm.s32 $0x108;
	_ =	swait.ge @!p0 [sflag:s8], $0x0  }
0x24: {  	s3 =	sadd.s32 $0x88, s3;
	s6 =	simm.s32 @!p1 $0x1082;
	[sflag:s4] =	ssyncset.s32 $0xFFFFF086  }
0x25: {  	[simem:s6], [sflag:s4] =	dma.local [hbm:s3], $0xF7A  }
0x26: {  	[smem:$0x3F95] =	sst s1;
	(tag) =	ssettag s2;
	_ =	strace s9  }
0x27: {  	s1 =	sld [smem:$0x3FA5]  }
0x28: {  	s2 =	sld [smem:$0x3FA6]  }
0x29: {  	s4 =	sld [smem:$0x3FA8]  }
0x2a: {  	p0 =	seq.s32 s5, $0x0;
	s5 =	sld [smem:$0x3FA9]  }
0x2b: {  	s6 =	sld [smem:$0x3FAA]  }
0x2c: {  	s7 =	sld [smem:$0x3FAB]  }
0x2d: {  	s3 =	simm.s32 $0x108;
	s8 =	sld [smem:$0x3FAC]  }
0x2e: {  	s3 =	simm.s32 @!p0 $0x1082;
	s9 =	sld [smem:$0x3FAD]  }
0x2f: {  	lr =	sadd.s32 s0, s3;
	s0 =	sld [smem:$0x3FA4]  }
0x30: {  	s3 =	sld [smem:$0x3FA7]  }
0x31: {  	[smem:$0x3FB0] =	sst s10  }
0x32: {  	s10 =	sld [smem:$0x3FAE];
	_ =	sdelay $0x3  }
0x33: {  	p0 =	seq.s32 s10, $0x1;
	s10 =	sld [smem:$0x3FB0];
	_ =	sdelay $0x3  }
0x34: {  	[smem:$0x3FB0] =	sst s10  }
0x35: {  	s10 =	sld [smem:$0x3FAF];
	_ =	sdelay $0x3  }
0x36: {  	p1 =	seq.s32 s10, $0x1;
	s10 =	sld [smem:$0x3FB0];
	_ =	sdelay $0x3  }
0x37: {  	[smem:$0x3FB0] =	sst s10  }
0x38: {  	s10 =	sld [smem:$0x3FB1]  }
0x39: {  	_ = 	snop;
	(pc) =	sbr.ind lr, $3  }
0x3a: {  	_ = 	snop  }
0x3b: {  	_ = 	snop  }
0x3c: {  	p2 =	seq.s32 s10, $0x1;
	s10 =	sld [smem:$0x3FB0]  }
0x3d: {  	_ =	shalt  }
0x3e: {  	_ =	shalt  }
0x3f: {  	_ =	shalt  }
0x40: {  	_ =	shalt  }
0x41: {  	_ =	shalt  }
0x42: {  	_ =	shalt  }
0x43: {  	_ =	shalt  }
0x44: {  	_ =	shalt  }
0x45: {  	_ =	shalt  }
0x46: {  	_ =	shalt  }
0x47: {  	_ =	shalt  }
0x48: {  	_ =	shalt  }
0x49: {  	_ =	shalt  }
0x4a: {  	_ =	shalt  }
0x4b: {  	_ =	shalt  }
0x4c: {  	_ =	shalt  }
0x4d: {  	_ =	shalt  }
0x4e: {  	_ =	shalt  }
0x4f: {  	_ =	shalt  }
0x50: {  	_ =	shalt  }
0x51: {  	_ =	shalt  }
0x52: {  	_ =	shalt  }
0x53: {  	_ =	shalt  }
0x54: {  	_ =	shalt  }
0x55: {  	_ =	shalt  }
0x56: {  	_ =	shalt  }
0x57: {  	_ =	shalt  }
0x58: {  	_ =	shalt  }
0x59: {  	_ =	shalt  }
0x5a: {  	_ =	shalt  }
0x5b: {  	_ =	shalt  }
0x5c: {  	_ =	shalt  }
0x5d: {  	_ =	shalt  }
0x5e: {  	_ =	shalt  }
0x5f: {  	_ =	shalt  }
0x60: {  	_ =	shalt  }
0x61: {  	_ =	shalt  }
0x62: {  	_ =	shalt  }
0x63: {  	_ =	shalt  }
0x64: {  	_ =	shalt  }
0x65: {  	_ =	shalt  }
0x66: {  	_ =	shalt  }
0x67: {  	_ =	shalt  }
0x68: {  	_ =	shalt  }
0x69: {  	_ =	shalt  }
0x6a: {  	_ =	shalt  }
0x6b: {  	_ =	shalt  }
0x6c: {  	_ =	shalt  }
0x6d: {  	_ =	shalt  }
0x6e: {  	_ =	shalt  }
0x6f: {  	_ =	shalt  }
0x70: {  	_ =	shalt  }
0x71: {  	_ =	shalt  }
0x72: {  	_ =	shalt  }
0x73: {  	_ =	shalt  }
0x74: {  	_ =	shalt  }
0x75: {  	_ =	shalt  }
0x76: {  	_ =	shalt  }
0x77: {  	_ =	shalt  }
0x78: {  	_ =	shalt  }
0x79: {  	_ =	shalt  }
0x7a: {  	_ =	shalt  }
0x7b: {  	_ =	shalt  }
0x7c: {  	_ =	shalt  }
0x7d: {  	_ =	shalt  }
0x7e: {  	_ =	shalt  }
0x7f: {  	_ =	shalt  }
0x80: {  	_ =	shalt  }
0x81: {  	_ =	shalt  }
0x82: {  	_ =	shalt  }
0x83: {  	_ =	shalt  }
0x84: {  	_ =	shalt  }
0x85: {  	_ =	shalt  }
0x86: {  	_ =	shalt  }
0x87: {  	_ =	shalt  }
.Lfunc_end0:
.L_simem_size_0:
called_computation_lowered:
.L_overlay_start_0:
0x88: {  	s2 =	sld [smem:$0x3FD9]  }
0x89: {  	s3 =	sld [smem:$0x3FFE];
	_ =	sdelay $0x1  }
0x8a: {  	s1 =	srdreg.scid  }
0x8b: {  	s0 =	sand.u32 $0x1, s1  }
0x8c: {  	s17 =	sshll.u32 s0, $0xA;
	s2 =	sadd.s32 s3, s2  }
0x8d: {  	s2 =	sadd.s32 s2, s17  }
0x8e: {  	[smem:$0x3FBC] =	sst s2  }
0x8f: {  	_ = 	snop  }
0x90: {  	s2 =	sld [smem:$0x3FC9]  }
0x91: {  	s18 =	sld [smem:$0x3FD0];
	(tm) =	ssettm $0x1  }
0x92: {  	s4 =	sld [smem:$0x3FFB];
	_ =	sdelay $0x3  }
0x93: {  	_ =	strace s4  }
0x94: {  	s4 =	sld [smem:$0x3FFC];
	_ =	sdelay $0x3  }
0x95: {  	_ =	strace s4  }
0x96: {  	s4 =	sld [smem:$0x3FFD];
	_ =	sdelay $0x3  }
0x97: {  	_ =	strace s4  }
0x98: {  	_ =	strace $0x8FFFFFFF  }
0x99: {  	s19 =	sld [smem:$0x3FDB];
	_ =	sdelay $0x1  }
0x9a: {  	s5 =	simm.s32 $_scs_section_size  }
0x9b: {  	s6 =	simm.s32 $_size__tile_overlayer_lowered;
	s7 =	simm.s32 $_tile_overlayer_lowered  }
0x9c: {  	s22 =	simm.s32 $0x1BFF;
	s21 =	sshll.u32 s7, $0x1;
	s4 =	sadd.s32 s5, s19  }
0x9d: {  	s8 =	simm.s32 $0x0;
	s20 =	sshll.u32 s6, $0x1;
	s6 =	sadd.s32 s21, s4  }
0x9e: {  	[timem:s8], [sflag:s22] =	dma.local [hbm:s6], s20  }
0x9f: {  	_ =	swait.ge [sflag:s22], s20  }
0xa0: {  	s5 =	ssub.s32 $0x0, s20;
	[sflag:s22] =	ssyncset.done $0x0  }
0xa1: {  	[sflag:s22] =	ssyncadd.s32 s5;
	_ =	sdelay $0x1  }
0xa2: {  	s23 =	simm.s32 $0x1B8B  }
0xa3: {  	_ =	swait.ge [sflag:s23], $0x1  }
0xa4: {  	[sflag:s23] =	ssyncset.done $0x0  }
0xa5: {  	s25 =	simm.s32 $0x1B8E;
	s24 =	sld [smem:$0x3FFE];
	[sflag:s23] =	ssyncadd.s32 $0xFFFFFFFF  }
0xa6: {  	s26 =	simm.s32 $execute0_lowered;
	[smem:$0x3FD2] =	sst s25  }
0xa7: {  	s6 =	sshll.u32 s26, $0x1;
	_ =	strace $0x80000046;
	[dreg:$0x1] =	wrdreg $0xFFFFFFFF  }
0xa8: {  	s28 =	simm.s32 $_size_execute0_lowered;
	s4 =	sadd.s32 s4, s6;
	[dreg:$0x0] =	wrdreg $0x0  }
0xa9: {  	s6 =	sshll.u32 s28, $0x1;
	[dreg:$0x2] =	wrdreg s4  }
0xaa: {  	[dreg:$0x3] =	wrdreg s6  }
0xab: {  	[dreg:$0x4] =	wrdreg $0xC0  }
0xac: {  	_ =	task [dreg:s8], $0x5FFFF  }
0xad: {  	[dreg:$0x1] =	wrdreg $0xFFFFFFFF  }
0xae: {  	[dreg:$0x0] =	wrdreg $0x60  }
0xaf: {  	[dreg:$0x2] =	wrdreg s2  }
0xb0: {  	[dreg:$0x3] =	wrdreg s18  }
0xb1: {  	[dreg:$0x4] =	wrdreg s24  }
0xb2: {  	[dreg:$0x5] =	wrdreg $0x9  }
0xb3: {  	_ =	task.clear_ibuf [dreg:s8], $0x6FFFF;
	_ =	strace $0x90000046  }
0xb4: {  	s29 =	simm.s32 $0x9;
	_ =	strace $0x80000048  }
0xb5: {  	_ =	swait.ge [sflag:s29], $0x1  }
0xb6: {  	[sflag:s29] =	ssyncadd.s32 $0xFFFFFFFF  }
0xb7: {  	_ =	strace $0x90000048  }
0xb8: {  	_ =	sfence  }
0xb9: {  	s30 =	sld [smem:$0x0];
	_ =	sdelay $0x2  }
0xba: {  	s31 =	sshll.u32 s1, $0xD;
	s1 =	sshrl.u32 s1, $0x2  }
0xbb: {  	s3 =	sand.u32 $0x4000, s31;
	s1 =	sadd.s32 s1, s30  }
0xbc: {  	s0 =	sor.u32 s3, s0;
	s1 =	sshll.u32 s1, $0x11  }
0xbd: {  	s0 =	sor.u32 s1, s0  }
0xbe: {  	s0 =	sadd.s32 $0x8F2B, s0  }
0xbf: {  	[sflag:s0] =	ssyncadd.remote.s32 $0x1  }
0xc0: {  	_ =	sfence.sel $0xFFFF  }
0xc1: {  	[dreg:$0x0] =	wrdreg $0xFFFFFFFF;
	(pc) =	sbr.abs _section_cstart, $3  }
0xc2: {  	[dreg:$0x1] =	wrdreg $0xFFFFFFFF  }
0xc3: {  	_ =	task.clear_ibuf [dreg:s8], $0x2FFFF;
	_ =	strace $0x9FFFFFFF  }
0xc4: {  	(tm) =	ssettm $0x7FFFFFFF  }
0xc5: {  	_ =	shalt  }
tec
execute0_lowered:
.L_overlay_start_1:
0x0: {  	(tag) =	ssettag $0x1  }
0x1: {  	s1 =	stileid.u32  }
0x2: {  	p0 =	sgt.u32 s1, $0x3  }
.Ltmp0:
0x3: {  	s4 =	rddreg [dreg:$0x0];
	(pc) =	sbr.rel @p0 .LBB2_4-.Ltmp0, $4  }
0x4: {  	s2 =	rddreg [dreg:$0x1]  }
0x5: {  	s17 =	rddreg [dreg:$0x2];
	s3 =	simm.s32 $0x0  }
0x6: {  	[smem:$0x7FF] =	sst s3  }
0x7: {  	s0 =	rddreg [dreg:$0x3];
	_ =	strace $0x80000047  }
0x8: {  	s5 =	srdreg.scid  }
0x9: {  	s29 =	sand.u32 $0x1, s5  }
0xa: {  	s31 =	sshll.u32 s1, $0x2;
	s6 =	sshll.u32 s29, $0x1  }
0xb: {  	s18 =	sor.u32 s6, s31  }
0xc: {  	s5 =	simm.s32 $0x3;
	s4 =	sadd.s32 s4, s18  }
0xd: {  	[tilespmem:s3], [sflag:$0x3] =	stream.linear.gather [hbm4b:s4+s3], $0x10, $0x38;
	[tilespmem:$0xB0] =	vst v63  }
0xe: {  	_ =	swait.ge [sflag:s5], $0x10  }
0xf: {  	[sflag:s5] =	ssyncset.done $0x0  }
0x10: {  	[sflag:s5] =	ssyncadd.s32 $0xFFFFFFF0  }
0x11: {  	v0 =	vld [tilespmem:$0x0];
	_ =	sdelay $0x4  }
0x12: {  	v1 =	vadd.s32 $0xC350, v0;
	_ =	sdelay $0x1  }
0x13: {  	vm0 =	vmmov $0xffff;
	s6 =	simm.s32 $0x10;
	v2 =	vadd.s32 $0x186A0, v0  }
0x14: {  	[tilespmem:s6], [sflag:$0x1] =	stream.indirect_vreg.gather [hbm4b:s2+s3], $0x1, v0, vm0, $0xb8;
	[tilespmem:$0xB0] =	vst v63  }
0x15: {  	s7 =	simm.s32 $0x20;
	v3 =	vadd.s32 $0x249F0, v0  }
0x16: {  	[tilespmem:s7], [sflag:$0x1] =	stream.indirect_vreg.gather [hbm4b:s2+s3], $0x1, v1, vm0, $0xb8;
	[tilespmem:$0xB0] =	vst v63  }
0x17: {  	s8 =	simm.s32 $0x30;
	v59 =	vadd.s32 $0x30D40, v0  }
0x18: {  	[tilespmem:s8], [sflag:$0x1] =	stream.indirect_vreg.gather [hbm4b:s2+s3], $0x1, v2, vm0, $0xb8;
	[tilespmem:$0xB0] =	vst v63  }
0x19: {  	s9 =	simm.s32 $0x40;
	v60 =	vadd.s32 $0x3D090, v0  }
0x1a: {  	[tilespmem:s9], [sflag:$0x1] =	stream.indirect_vreg.gather [hbm4b:s2+s3], $0x1, v3, vm0, $0xb8;
	[tilespmem:$0xB0] =	vst v63  }
0x1b: {  	s10 =	simm.s32 $0x50;
	v61 =	vadd.s32 $0x493E0, v0  }
0x1c: {  	[tilespmem:s10], [sflag:$0x1] =	stream.indirect_vreg.gather [hbm4b:s2+s3], $0x1, v59, vm0, $0xb8;
	[tilespmem:$0xB0] =	vst v63  }
0x1d: {  	s11 =	simm.s32 $0x60;
	v62 =	vadd.s32 $0x55730, v0  }
0x1e: {  	[tilespmem:s11], [sflag:$0x1] =	stream.indirect_vreg.gather [hbm4b:s2+s3], $0x1, v60, vm0, $0xb8;
	[tilespmem:$0xB0] =	vst v63  }
0x1f: {  	s12 =	simm.s32 $0x70;
	v63 =	vadd.s32 $0x61A80, v0  }
0x20: {  	[tilespmem:s12], [sflag:$0x1] =	stream.indirect_vreg.gather [hbm4b:s2+s3], $0x1, v61, vm0, $0xb8;
	[tilespmem:$0xB0] =	vst v63  }
0x21: {  	s13 =	simm.s32 $0x80;
	v0 =	vadd.s32 $0x6DDD0, v0  }
0x22: {  	[tilespmem:s13], [sflag:$0x1] =	stream.indirect_vreg.gather [hbm4b:s2+s3], $0x1, v62, vm0, $0xb8;
	[tilespmem:$0xB0] =	vst v63  }
0x23: {  	s14 =	simm.s32 $0x90  }
0x24: {  	[tilespmem:s14], [sflag:$0x1] =	stream.indirect_vreg.gather [hbm4b:s2+s3], $0x1, v63, vm0, $0xb8;
	[tilespmem:$0xB0] =	vst v63  }
0x25: {  	s15 =	simm.s32 $0xA0;
	s16 =	simm.s32 $0x1  }
0x26: {  	[tilespmem:s15], [sflag:$0x1] =	stream.indirect_vreg.gather [hbm4b:s2+s3], $0x1, v0, vm0, $0xb8;
	[tilespmem:$0xB0] =	vst v63  }
0x27: {  	_ =	swait.ge [sflag:s16], $0x10  }
0x28: {  	[sflag:s16] =	ssyncset.done $0x0  }
0x29: {  	[sflag:s16] =	ssyncadd.s32 $0xFFFFFFF0  }
0x2a: {  	_ =	swait.ge [sflag:s16], $0x10  }
0x2b: {  	[sflag:s16] =	ssyncset.done $0x0  }
0x2c: {  	[sflag:s16] =	ssyncadd.s32 $0xFFFFFFF0  }
0x2d: {  	_ =	swait.ge [sflag:s16], $0x10  }
0x2e: {  	[sflag:s16] =	ssyncset.done $0x0  }
0x2f: {  	[sflag:s16] =	ssyncadd.s32 $0xFFFFFFF0  }
0x30: {  	_ =	swait.ge [sflag:s16], $0x10  }
0x31: {  	[sflag:s16] =	ssyncset.done $0x0  }
0x32: {  	[sflag:s16] =	ssyncadd.s32 $0xFFFFFFF0  }
0x33: {  	_ =	swait.ge [sflag:s16], $0x10  }
0x34: {  	[sflag:s16] =	ssyncset.done $0x0  }
0x35: {  	[sflag:s16] =	ssyncadd.s32 $0xFFFFFFF0  }
0x36: {  	_ =	swait.ge [sflag:s16], $0x10  }
0x37: {  	[sflag:s16] =	ssyncset.done $0x0  }
0x38: {  	[sflag:s16] =	ssyncadd.s32 $0xFFFFFFF0  }
0x39: {  	_ =	swait.ge [sflag:s16], $0x10  }
0x3a: {  	[sflag:s16] =	ssyncset.done $0x0  }
0x3b: {  	[sflag:s16] =	ssyncadd.s32 $0xFFFFFFF0  }
0x3c: {  	_ =	swait.ge [sflag:s16], $0x10  }
0x3d: {  	[sflag:s16] =	ssyncset.done $0x0  }
0x3e: {  	[sflag:s16] =	ssyncadd.s32 $0xFFFFFFF0  }
0x3f: {  	_ =	swait.ge [sflag:s16], $0x10  }
0x40: {  	[sflag:s16] =	ssyncset.done $0x0  }
0x41: {  	[sflag:s16] =	ssyncadd.s32 $0xFFFFFFF0  }
0x42: {  	_ =	swait.ge [sflag:s16], $0x10  }
0x43: {  	s26 =	sadd.s32 s18, s17;
	[sflag:s16] =	ssyncset.done $0x0  }
0x44: {  	s17 =	sadd.s32 $0x2800, s26;
	[sflag:s16] =	ssyncadd.s32 $0xFFFFFFF0  }
0x45: {  	[hbm4b:s17+s3] =	stream.linear.scatter [tilespmem:s6], [sflag:$0x2], $0x10, $0x38;
	[tilespmem:$0xB0] =	vst v63  }
0x46: {  	s18 =	sadd.s32 $0x2810, s26  }
0x47: {  	[hbm4b:s18+s3] =	stream.linear.scatter [tilespmem:s7], [sflag:$0x2], $0x10, $0x38;
	[tilespmem:$0xB0] =	vst v63  }
0x48: {  	s19 =	sadd.s32 $0x2820, s26  }
0x49: {  	[hbm4b:s19+s3] =	stream.linear.scatter [tilespmem:s8], [sflag:$0x2], $0x10, $0x38;
	[tilespmem:$0xB0] =	vst v63  }
0x4a: {  	s20 =	sadd.s32 $0x2830, s26  }
0x4b: {  	[hbm4b:s20+s3] =	stream.linear.scatter [tilespmem:s9], [sflag:$0x2], $0x10, $0x38;
	[tilespmem:$0xB0] =	vst v63  }
0x4c: {  	s21 =	sadd.s32 $0x2840, s26  }
0x4d: {  	[hbm4b:s21+s3] =	stream.linear.scatter [tilespmem:s10], [sflag:$0x2], $0x10, $0x38;
	[tilespmem:$0xB0] =	vst v63  }
0x4e: {  	s22 =	sadd.s32 $0x2850, s26  }
0x4f: {  	[hbm4b:s22+s3] =	stream.linear.scatter [tilespmem:s11], [sflag:$0x2], $0x10, $0x38;
	[tilespmem:$0xB0] =	vst v63  }
0x50: {  	s23 =	sadd.s32 $0x2860, s26  }
0x51: {  	[hbm4b:s23+s3] =	stream.linear.scatter [tilespmem:s12], [sflag:$0x2], $0x10, $0x38;
	[tilespmem:$0xB0] =	vst v63  }
0x52: {  	s24 =	sadd.s32 $0x2870, s26  }
0x53: {  	[hbm4b:s24+s3] =	stream.linear.scatter [tilespmem:s13], [sflag:$0x2], $0x10, $0x38;
	[tilespmem:$0xB0] =	vst v63  }
0x54: {  	s25 =	sadd.s32 $0x2880, s26  }
0x55: {  	[hbm4b:s25+s3] =	stream.linear.scatter [tilespmem:s14], [sflag:$0x2], $0x10, $0x38;
	[tilespmem:$0xB0] =	vst v63  }
0x56: {  	s28 =	sadd.s32 $0x2890, s26;
	s26 =	simm.s32 $0x2  }
0x57: {  	[hbm4b:s28+s3] =	stream.linear.scatter [tilespmem:s15], [sflag:$0x2], $0x10, $0x38;
	[tilespmem:$0xB0] =	vst v63  }
0x58: {  	_ =	swait.ge [sflag:s26], $0x10  }
0x59: {  	[sflag:s26] =	ssyncset.done $0x0  }
0x5a: {  	[sflag:s26] =	ssyncadd.s32 $0xFFFFFFF0  }
0x5b: {  	_ =	swait.ge [sflag:s26], $0x10  }
0x5c: {  	[sflag:s26] =	ssyncset.done $0x0  }
0x5d: {  	[sflag:s26] =	ssyncadd.s32 $0xFFFFFFF0  }
0x5e: {  	_ =	swait.ge [sflag:s26], $0x10  }
0x5f: {  	[sflag:s26] =	ssyncset.done $0x0  }
0x60: {  	[sflag:s26] =	ssyncadd.s32 $0xFFFFFFF0  }
0x61: {  	_ =	swait.ge [sflag:s26], $0x10  }
0x62: {  	[sflag:s26] =	ssyncset.done $0x0  }
0x63: {  	[sflag:s26] =	ssyncadd.s32 $0xFFFFFFF0  }
0x64: {  	_ =	swait.ge [sflag:s26], $0x10  }
0x65: {  	[sflag:s26] =	ssyncset.done $0x0  }
0x66: {  	[sflag:s26] =	ssyncadd.s32 $0xFFFFFFF0  }
0x67: {  	_ =	swait.ge [sflag:s26], $0x10  }
0x68: {  	[sflag:s26] =	ssyncset.done $0x0  }
0x69: {  	[sflag:s26] =	ssyncadd.s32 $0xFFFFFFF0  }
0x6a: {  	_ =	swait.ge [sflag:s26], $0x10  }
0x6b: {  	s29 =	ssub.s32 $0x2, s29;
	[sflag:s26] =	ssyncset.done $0x0  }
0x6c: {  	s30 =	sshrl.u32 s29, $0x1;
	[sflag:s26] =	ssyncadd.s32 $0xFFFFFFF0  }
0x6d: {  	s29 =	ssub.s32 s29, s30;
	_ =	swait.ge [sflag:s26], $0x10  }
0x6e: {  	s29 =	smax.u32 s29, $0x1;
	[sflag:s26] =	ssyncset.done $0x0  }
0x6f: {  	p0 =	sne.s32 s29, $0x1;
	[sflag:s26] =	ssyncadd.s32 $0xFFFFFFF0  }
.Ltmp1:
0x70: {  	_ =	swait.ge [sflag:s26], $0x10;
	(pc) =	sbr.rel @!p0 .LBB2_3-.Ltmp1, $4  }
0x71: {  	[sflag:s26] =	ssyncset.done $0x0  }
0x72: {  	[sflag:s26] =	ssyncadd.s32 $0xFFFFFFF0  }
0x73: {  	_ =	swait.ge [sflag:s26], $0x10  }
0x74: {  	s29 =	sadd.s32 $0xFFFFFFFF, s29;
	[sflag:s26] =	ssyncset.done $0x0  }
.LBB2_2:
0x75: {  	p0 =	sne.s32 s29, $0x1;
	s29 =	sadd.s32 $0xFFFFFFFF, s29;
	[sflag:s26] =	ssyncadd.s32 $0xFFFFFFF0  }
0x76: {  	[tilespmem:s3], [sflag:$0x3] =	stream.linear.gather [hbm4b:s4+s3], $0x10, $0x38;
	[tilespmem:$0xB0] =	vst v63  }
0x77: {  	_ =	swait.ge [sflag:s5], $0x10  }
0x78: {  	[sflag:s5] =	ssyncset.done $0x0  }
0x79: {  	[sflag:s5] =	ssyncadd.s32 $0xFFFFFFF0  }
0x7a: {  	v0 =	vld [tilespmem:$0x0];
	_ =	sdelay $0x4  }
0x7b: {  	v1 =	vadd.s32 $0xC350, v0;
	_ =	sdelay $0x1  }
0x7c: {  	v2 =	vadd.s32 $0x186A0, v0  }
0x7d: {  	[tilespmem:s6], [sflag:$0x1] =	stream.indirect_vreg.gather [hbm4b:s2+s3], $0x1, v0, vm0, $0xb8;
	[tilespmem:$0xB0] =	vst v63  }
0x7e: {  	v3 =	vadd.s32 $0x249F0, v0  }
0x7f: {  	[tilespmem:s7], [sflag:$0x1] =	stream.indirect_vreg.gather [hbm4b:s2+s3], $0x1, v1, vm0, $0xb8;
	[tilespmem:$0xB0] =	vst v63  }
0x80: {  	v1 =	vadd.s32 $0x30D40, v0  }
0x81: {  	[tilespmem:s8], [sflag:$0x1] =	stream.indirect_vreg.gather [hbm4b:s2+s3], $0x1, v2, vm0, $0xb8;
	[tilespmem:$0xB0] =	vst v63  }
0x82: {  	v2 =	vadd.s32 $0x3D090, v0  }
0x83: {  	[tilespmem:s9], [sflag:$0x1] =	stream.indirect_vreg.gather [hbm4b:s2+s3], $0x1, v3, vm0, $0xb8;
	[tilespmem:$0xB0] =	vst v63  }
0x84: {  	v3 =	vadd.s32 $0x493E0, v0  }
0x85: {  	[tilespmem:s10], [sflag:$0x1] =	stream.indirect_vreg.gather [hbm4b:s2+s3], $0x1, v1, vm0, $0xb8;
	[tilespmem:$0xB0] =	vst v63  }
0x86: {  	v1 =	vadd.s32 $0x55730, v0  }
0x87: {  	[tilespmem:s11], [sflag:$0x1] =	stream.indirect_vreg.gather [hbm4b:s2+s3], $0x1, v2, vm0, $0xb8;
	[tilespmem:$0xB0] =	vst v63  }
0x88: {  	v2 =	vadd.s32 $0x61A80, v0  }
0x89: {  	[tilespmem:s12], [sflag:$0x1] =	stream.indirect_vreg.gather [hbm4b:s2+s3], $0x1, v3, vm0, $0xb8;
	[tilespmem:$0xB0] =	vst v63  }
0x8a: {  	v0 =	vadd.s32 $0x6DDD0, v0  }
0x8b: {  	[tilespmem:s13], [sflag:$0x1] =	stream.indirect_vreg.gather [hbm4b:s2+s3], $0x1, v1, vm0, $0xb8;
	[tilespmem:$0xB0] =	vst v63  }
0x8c: {  	_ = 	snop  }
0x8d: {  	[tilespmem:s14], [sflag:$0x1] =	stream.indirect_vreg.gather [hbm4b:s2+s3], $0x1, v2, vm0, $0xb8;
	[tilespmem:$0xB0] =	vst v63  }
0x8e: {  	_ = 	snop  }
0x8f: {  	[tilespmem:s15], [sflag:$0x1] =	stream.indirect_vreg.gather [hbm4b:s2+s3], $0x1, v0, vm0, $0xb8;
	[tilespmem:$0xB0] =	vst v63  }
0x90: {  	_ =	swait.ge [sflag:s16], $0x10  }
0x91: {  	[sflag:s16] =	ssyncset.done $0x0  }
0x92: {  	[sflag:s16] =	ssyncadd.s32 $0xFFFFFFF0  }
0x93: {  	_ =	swait.ge [sflag:s16], $0x10  }
0x94: {  	[sflag:s16] =	ssyncset.done $0x0  }
0x95: {  	[sflag:s16] =	ssyncadd.s32 $0xFFFFFFF0  }
0x96: {  	_ =	swait.ge [sflag:s16], $0x10  }
0x97: {  	[sflag:s16] =	ssyncset.done $0x0  }
0x98: {  	[sflag:s16] =	ssyncadd.s32 $0xFFFFFFF0  }
0x99: {  	_ =	swait.ge [sflag:s16], $0x10  }
0x9a: {  	[sflag:s16] =	ssyncset.done $0x0  }
0x9b: {  	[sflag:s16] =	ssyncadd.s32 $0xFFFFFFF0  }
0x9c: {  	_ =	swait.ge [sflag:s16], $0x10  }
0x9d: {  	[sflag:s16] =	ssyncset.done $0x0  }
0x9e: {  	[sflag:s16] =	ssyncadd.s32 $0xFFFFFFF0  }
0x9f: {  	_ =	swait.ge [sflag:s16], $0x10  }
0xa0: {  	[sflag:s16] =	ssyncset.done $0x0  }
0xa1: {  	[sflag:s16] =	ssyncadd.s32 $0xFFFFFFF0  }
0xa2: {  	_ =	swait.ge [sflag:s16], $0x10  }
0xa3: {  	[sflag:s16] =	ssyncset.done $0x0  }
0xa4: {  	[sflag:s16] =	ssyncadd.s32 $0xFFFFFFF0  }
0xa5: {  	_ =	swait.ge [sflag:s16], $0x10  }
0xa6: {  	[sflag:s16] =	ssyncset.done $0x0  }
0xa7: {  	[sflag:s16] =	ssyncadd.s32 $0xFFFFFFF0  }
0xa8: {  	_ =	swait.ge [sflag:s16], $0x10  }
0xa9: {  	[sflag:s16] =	ssyncset.done $0x0  }
0xaa: {  	[sflag:s16] =	ssyncadd.s32 $0xFFFFFFF0  }
0xab: {  	_ =	swait.ge [sflag:s16], $0x10  }
0xac: {  	[sflag:s16] =	ssyncset.done $0x0  }
0xad: {  	[sflag:s16] =	ssyncadd.s32 $0xFFFFFFF0  }
0xae: {  	[hbm4b:s17+s3] =	stream.linear.scatter [tilespmem:s6], [sflag:$0x2], $0x10, $0x38;
	[tilespmem:$0xB0] =	vst v63  }
0xaf: {  	_ = 	snop  }
0xb0: {  	[hbm4b:s18+s3] =	stream.linear.scatter [tilespmem:s7], [sflag:$0x2], $0x10, $0x38;
	[tilespmem:$0xB0] =	vst v63  }
0xb1: {  	_ = 	snop  }
0xb2: {  	[hbm4b:s19+s3] =	stream.linear.scatter [tilespmem:s8], [sflag:$0x2], $0x10, $0x38;
	[tilespmem:$0xB0] =	vst v63  }
0xb3: {  	_ = 	snop  }
0xb4: {  	[hbm4b:s20+s3] =	stream.linear.scatter [tilespmem:s9], [sflag:$0x2], $0x10, $0x38;
	[tilespmem:$0xB0] =	vst v63  }
0xb5: {  	_ = 	snop  }
0xb6: {  	[hbm4b:s21+s3] =	stream.linear.scatter [tilespmem:s10], [sflag:$0x2], $0x10, $0x38;
	[tilespmem:$0xB0] =	vst v63  }
0xb7: {  	_ = 	snop  }
0xb8: {  	[hbm4b:s22+s3] =	stream.linear.scatter [tilespmem:s11], [sflag:$0x2], $0x10, $0x38;
	[tilespmem:$0xB0] =	vst v63  }
0xb9: {  	_ = 	snop  }
0xba: {  	[hbm4b:s23+s3] =	stream.linear.scatter [tilespmem:s12], [sflag:$0x2], $0x10, $0x38;
	[tilespmem:$0xB0] =	vst v63  }
0xbb: {  	_ = 	snop  }
0xbc: {  	[hbm4b:s24+s3] =	stream.linear.scatter [tilespmem:s13], [sflag:$0x2], $0x10, $0x38;
	[tilespmem:$0xB0] =	vst v63  }
0xbd: {  	_ = 	snop  }
0xbe: {  	[hbm4b:s25+s3] =	stream.linear.scatter [tilespmem:s14], [sflag:$0x2], $0x10, $0x38;
	[tilespmem:$0xB0] =	vst v63  }
0xbf: {  	_ = 	snop  }
0xc0: {  	[hbm4b:s28+s3] =	stream.linear.scatter [tilespmem:s15], [sflag:$0x2], $0x10, $0x38;
	[tilespmem:$0xB0] =	vst v63  }
0xc1: {  	_ =	swait.ge [sflag:s26], $0x10  }
0xc2: {  	[sflag:s26] =	ssyncset.done $0x0  }
0xc3: {  	[sflag:s26] =	ssyncadd.s32 $0xFFFFFFF0  }
0xc4: {  	_ =	swait.ge [sflag:s26], $0x10  }
0xc5: {  	[sflag:s26] =	ssyncset.done $0x0  }
0xc6: {  	[sflag:s26] =	ssyncadd.s32 $0xFFFFFFF0  }
0xc7: {  	_ =	swait.ge [sflag:s26], $0x10  }
0xc8: {  	[sflag:s26] =	ssyncset.done $0x0  }
0xc9: {  	[sflag:s26] =	ssyncadd.s32 $0xFFFFFFF0  }
0xca: {  	_ =	swait.ge [sflag:s26], $0x10  }
0xcb: {  	[sflag:s26] =	ssyncset.done $0x0  }
0xcc: {  	[sflag:s26] =	ssyncadd.s32 $0xFFFFFFF0  }
0xcd: {  	_ =	swait.ge [sflag:s26], $0x10  }
0xce: {  	[sflag:s26] =	ssyncset.done $0x0  }
0xcf: {  	[sflag:s26] =	ssyncadd.s32 $0xFFFFFFF0  }
0xd0: {  	_ =	swait.ge [sflag:s26], $0x10  }
0xd1: {  	[sflag:s26] =	ssyncset.done $0x0  }
0xd2: {  	[sflag:s26] =	ssyncadd.s32 $0xFFFFFFF0  }
0xd3: {  	_ =	swait.ge [sflag:s26], $0x10  }
0xd4: {  	[sflag:s26] =	ssyncset.done $0x0  }
0xd5: {  	[sflag:s26] =	ssyncadd.s32 $0xFFFFFFF0  }
0xd6: {  	_ =	swait.ge [sflag:s26], $0x10  }
0xd7: {  	[sflag:s26] =	ssyncset.done $0x0  }
0xd8: {  	[sflag:s26] =	ssyncadd.s32 $0xFFFFFFF0  }
.Ltmp2:
0xd9: {  	_ =	swait.ge [sflag:s26], $0x10;
	(pc) =	sbr.rel @p0 .LBB2_2-.Ltmp2, $4  }
0xda: {  	[sflag:s26] =	ssyncset.done $0x0  }
0xdb: {  	[sflag:s26] =	ssyncadd.s32 $0xFFFFFFF0  }
0xdc: {  	_ =	swait.ge [sflag:s26], $0x10  }
0xdd: {  	[sflag:s26] =	ssyncset.done $0x0  }
.LBB2_3:
0xde: {  	[sflag:s26] =	ssyncadd.s32 $0xFFFFFFF0  }
.LBB2_4:
0xdf: {  	_ =	sfence.sel $0x180000  }
0xe0: {  	[bflag:$0x0] =	sbarrier.arrive $0xFFFF  }
0xe1: {  	p0 =	sne.s32 s1, $0x0;
	_ =	strace $0x90000047  }
0xe2: {  	s0 =	sadd.s32 @!p0 $0x100000, s0;
	[bflag:$0x2] =	sbarrier.arrive $0xFFFF  }
0xe3: {  	[sflag:s0] =	ssyncadd.tile.s32 @!p0 $0x1;
	_ =	shalt  }
.Lfunc_end2:
_tile_overlayer_lowered:
.L_overlay_start_2:
0xe4: {  	(tag) =	ssettag $0x2  }
0xe5: {  	s0 =	rddreg [dreg:$0x0];
	s2 =	stileid.u32  }
0xe6: {  	s1 =	rddreg [dreg:$0x1];
	p0 =	sne.s32 s2, $0x0  }
0xe7: {  	s3 =	rddreg [dreg:$0x2];
	[bflag:$0x3] =	sbarrier.arrive $0xFFFF;
	s2 =	simm.s32 @!p0 $0x1C03  }
0xe8: {  	[timem:s3], [sflag:s2] =	dma.local @!p0 [hbm:s0], s1  }
0xe9: {  	s0 =	simm.s32 @!p0 $0x3  }
0xea: {  	_ =	swait.ge @!p0 [sflag:s0], s1  }
0xeb: {  	s1 =	ssub.s32 @!p0 $0x0, s1;
	[sflag:s0] =	ssyncset.done @!p0 $0x0  }
0xec: {  	[sflag:s0] =	ssyncadd.s32 @!p0 s1  }
0xed: {  	[bflag:$0x3] =	sbarrier.arrive $0xFFFF  }
0xee: {  	_ =	shalt  }

// kernel: kernel.8.cloned.1.call-start
scs
__scs_entry_jumppad:
0x0: {  	(pc) =	sbr.rel $0x88, $3  }
0x1: {  	(tag) =	ssettag $0x0;
	lr =	simm.s32 $0x1  }
0x2: {  	[smem:$0x3F95] =	sst lr;
	_ =	strace $0xD0000000  }
0x3: {  	_ = 	snop  }
0x4: {  	_ = 	snop  }
0x5: {  	_ = 	snop  }
0x6: {  	_ = 	snop  }
0x7: {  	_ = 	snop  }
__scs_overlays_trampoline_lowered:
0x8: {  	[smem:$0x3FA4] =	sst s0  }
0x9: {  	[smem:$0x3FA5] =	sst s1  }
0xa: {  	[smem:$0x3FA6] =	sst s2  }
0xb: {  	[smem:$0x3FA7] =	sst s3  }
0xc: {  	[smem:$0x3FA8] =	sst s4  }
0xd: {  	[smem:$0x3FA9] =	sst s5  }
0xe: {  	[smem:$0x3FAA] =	sst s6  }
0xf: {  	[smem:$0x3FAB] =	sst s7  }
0x10: {  	[smem:$0x3FAC] =	sst s8  }
0x11: {  	[smem:$0x3FAD] =	sst s9;
	s0 =	simm.s32 @!p0 $0x0  }
0x12: {  	s1 =	sld [smem:$0x3F93];
	s0 =	simm.s32 @p0 $0x1  }
0x13: {  	[smem:$0x3FAE] =	sst s0;
	s0 =	simm.s32 @!p1 $0x0  }
0x14: {  	s2 =	sld [smem:$0x3F92];
	s0 =	simm.s32 @p1 $0x1  }
0x15: {  	[smem:$0x3FAF] =	sst s0;
	s0 =	simm.s32 @!p2 $0x0  }
0x16: {  	s3 =	sld [smem:$0x3FDB];
	s0 =	simm.s32 @p2 $0x1  }
0x17: {  	s4 =	simm.s32 $0x1BF5;
	[smem:$0x3FB1] =	sst s0  }
0x18: {  	s0 =	sld [smem:$0x3F94];
	_ =	swait.ge [sflag:s4], $0x0  }
0x19: {  	s7 =	sld [smem:$0x3F95]  }
0x1a: {  	s8 =	sadd.s32 $0xFFFFE003, lr  }
0x1b: {  	s9 =	sadd.s32 $0xFFFFFEF7, lr;
	s5 =	simm.s32 $0xFFFFFFFF;
	p2 =	slt.u32 s8, $0xFFFFF086  }
0x1c: {  	p1 =	slt.u32 s9, $0xF7A;
	s5 =	simm.s32 @!p2 $0x0  }
0x1d: {  	s5 =	simm.s32 @p1 $0x1;
	p0 =	seq.s32 s7, s2  }
0x1e: {  	s7 =	smul.u32 @!p0 $0xF7A, s2;
	p2 =	seq.s32 @!p0 s5, $0x0  }
0x1f: {  	s9 =	smul.u32 $0xF7A, s1;
	s8 =	simm.s32 @!p0 $0x1BF5;
	p2 =	por !p2, p0  }
0x20: {  	[sflag:s8] =	ssyncset.s32 @!p0 $0xFFFFF086;
	s6 =	sadd.s32 @!p0 s3, s7;
	s7 =	simm.s32 @!p0 $0x108  }
0x21: {  	s3 =	sadd.s32 s3, s9;
	s6 =	sadd.s32 @!p0 $0x88, s6;
	s7 =	simm.s32 @p2 $0x1082  }
0x22: {  	[simem:s7], [sflag:s8] =	dma.local @!p0 [hbm:s6], $0xF7A  }
0x23: {  	s9 =	sor.u32 $0xD0000000, s2;
	s6 =	simm.s32 $0x108;
	_ =	swait.ge @!p0 [sflag:s8], $0x0  }
0x24: {  	s3 =	sadd.s32 $0x88, s3;
	s6 =	simm.s32 @!p1 $0x1082;
	[sflag:s4] =	ssyncset.s32 $0xFFFFF086  }
0x25: {  	[simem:s6], [sflag:s4] =	dma.local [hbm:s3], $0xF7A  }
0x26: {  	[smem:$0x3F95] =	sst s1;
	(tag) =	ssettag s2;
	_ =	strace s9  }
0x27: {  	s1 =	sld [smem:$0x3FA5]  }
0x28: {  	s2 =	sld [smem:$0x3FA6]  }
0x29: {  	s4 =	sld [smem:$0x3FA8]  }
0x2a: {  	p0 =	seq.s32 s5, $0x0;
	s5 =	sld [smem:$0x3FA9]  }
0x2b: {  	s6 =	sld [smem:$0x3FAA]  }
0x2c: {  	s7 =	sld [smem:$0x3FAB]  }
0x2d: {  	s3 =	simm.s32 $0x108;
	s8 =	sld [smem:$0x3FAC]  }
0x2e: {  	s3 =	simm.s32 @!p0 $0x1082;
	s9 =	sld [smem:$0x3FAD]  }
0x2f: {  	lr =	sadd.s32 s0, s3;
	s0 =	sld [smem:$0x3FA4]  }
0x30: {  	s3 =	sld [smem:$0x3FA7]  }
0x31: {  	[smem:$0x3FB0] =	sst s10  }
0x32: {  	s10 =	sld [smem:$0x3FAE];
	_ =	sdelay $0x3  }
0x33: {  	p0 =	seq.s32 s10, $0x1;
	s10 =	sld [smem:$0x3FB0];
	_ =	sdelay $0x3  }
0x34: {  	[smem:$0x3FB0] =	sst s10  }
0x35: {  	s10 =	sld [smem:$0x3FAF];
	_ =	sdelay $0x3  }
0x36: {  	p1 =	seq.s32 s10, $0x1;
	s10 =	sld [smem:$0x3FB0];
	_ =	sdelay $0x3  }
0x37: {  	[smem:$0x3FB0] =	sst s10  }
0x38: {  	s10 =	sld [smem:$0x3FB1]  }
0x39: {  	_ = 	snop;
	(pc) =	sbr.ind lr, $3  }
0x3a: {  	_ = 	snop  }
0x3b: {  	_ = 	snop  }
0x3c: {  	p2 =	seq.s32 s10, $0x1;
	s10 =	sld [smem:$0x3FB0]  }
0x3d: {  	_ =	shalt  }
0x3e: {  	_ =	shalt  }
0x3f: {  	_ =	shalt  }
0x40: {  	_ =	shalt  }
0x41: {  	_ =	shalt  }
0x42: {  	_ =	shalt  }
0x43: {  	_ =	shalt  }
0x44: {  	_ =	shalt  }
0x45: {  	_ =	shalt  }
0x46: {  	_ =	shalt  }
0x47: {  	_ =	shalt  }
0x48: {  	_ =	shalt  }
0x49: {  	_ =	shalt  }
0x4a: {  	_ =	shalt  }
0x4b: {  	_ =	shalt  }
0x4c: {  	_ =	shalt  }
0x4d: {  	_ =	shalt  }
0x4e: {  	_ =	shalt  }
0x4f: {  	_ =	shalt  }
0x50: {  	_ =	shalt  }
0x51: {  	_ =	shalt  }
0x52: {  	_ =	shalt  }
0x53: {  	_ =	shalt  }
0x54: {  	_ =	shalt  }
0x55: {  	_ =	shalt  }
0x56: {  	_ =	shalt  }
0x57: {  	_ =	shalt  }
0x58: {  	_ =	shalt  }
0x59: {  	_ =	shalt  }
0x5a: {  	_ =	shalt  }
0x5b: {  	_ =	shalt  }
0x5c: {  	_ =	shalt  }
0x5d: {  	_ =	shalt  }
0x5e: {  	_ =	shalt  }
0x5f: {  	_ =	shalt  }
0x60: {  	_ =	shalt  }
0x61: {  	_ =	shalt  }
0x62: {  	_ =	shalt  }
0x63: {  	_ =	shalt  }
0x64: {  	_ =	shalt  }
0x65: {  	_ =	shalt  }
0x66: {  	_ =	shalt  }
0x67: {  	_ =	shalt  }
0x68: {  	_ =	shalt  }
0x69: {  	_ =	shalt  }
0x6a: {  	_ =	shalt  }
0x6b: {  	_ =	shalt  }
0x6c: {  	_ =	shalt  }
0x6d: {  	_ =	shalt  }
0x6e: {  	_ =	shalt  }
0x6f: {  	_ =	shalt  }
0x70: {  	_ =	shalt  }
0x71: {  	_ =	shalt  }
0x72: {  	_ =	shalt  }
0x73: {  	_ =	shalt  }
0x74: {  	_ =	shalt  }
0x75: {  	_ =	shalt  }
0x76: {  	_ =	shalt  }
0x77: {  	_ =	shalt  }
0x78: {  	_ =	shalt  }
0x79: {  	_ =	shalt  }
0x7a: {  	_ =	shalt  }
0x7b: {  	_ =	shalt  }
0x7c: {  	_ =	shalt  }
0x7d: {  	_ =	shalt  }
0x7e: {  	_ =	shalt  }
0x7f: {  	_ =	shalt  }
0x80: {  	_ =	shalt  }
0x81: {  	_ =	shalt  }
0x82: {  	_ =	shalt  }
0x83: {  	_ =	shalt  }
0x84: {  	_ =	shalt  }
0x85: {  	_ =	shalt  }
0x86: {  	_ =	shalt  }
0x87: {  	_ =	shalt  }
.Lfunc_end0:
.L_simem_size_0:
called_computation.1_lowered:
.L_overlay_start_0:
0x88: {  	s2 =	sld [smem:$0x3FD9]  }
0x89: {  	s3 =	sld [smem:$0x3FFE];
	_ =	sdelay $0x1  }
0x8a: {  	s1 =	srdreg.scid  }
0x8b: {  	s0 =	sand.u32 $0x1, s1  }
0x8c: {  	s17 =	sshll.u32 s0, $0xA;
	s2 =	sadd.s32 s3, s2  }
0x8d: {  	s2 =	sadd.s32 s2, s17  }
0x8e: {  	[smem:$0x3FBC] =	sst s2  }
0x8f: {  	_ = 	snop  }
0x90: {  	s2 =	sld [smem:$0x3FC9]  }
0x91: {  	s18 =	sld [smem:$0x3FC8]  }
0x92: {  	s4 =	sld [smem:$0x3FC6]  }
0x93: {  	s5 =	sld [smem:$0x3FC5]  }
0x94: {  	s6 =	sld [smem:$0x3FD0];
	(tm) =	ssettm $0x1  }
0x95: {  	s7 =	sld [smem:$0x3FFB];
	_ =	sdelay $0x3  }
0x96: {  	_ =	strace s7  }
0x97: {  	s7 =	sld [smem:$0x3FFC];
	_ =	sdelay $0x3  }
0x98: {  	_ =	strace s7  }
0x99: {  	s7 =	sld [smem:$0x3FFD];
	_ =	sdelay $0x3  }
0x9a: {  	_ =	strace s7  }
0x9b: {  	_ =	strace $0x8FFFFFFF  }
0x9c: {  	s19 =	sld [smem:$0x3FDB];
	_ =	sdelay $0x1  }
0x9d: {  	s8 =	simm.s32 $_scs_section_size  }
0x9e: {  	s9 =	simm.s32 $_size__tile_overlayer_lowered;
	s10 =	simm.s32 $_tile_overlayer_lowered  }
0x9f: {  	s22 =	simm.s32 $0x1BFF;
	s21 =	sshll.u32 s10, $0x1;
	s7 =	sadd.s32 s8, s19  }
0xa0: {  	s11 =	simm.s32 $0x0;
	s20 =	sshll.u32 s9, $0x1;
	s9 =	sadd.s32 s21, s7  }
0xa1: {  	[timem:s11], [sflag:s22] =	dma.local [hbm:s9], s20  }
0xa2: {  	_ =	swait.ge [sflag:s22], s20  }
0xa3: {  	s8 =	ssub.s32 $0x0, s20;
	[sflag:s22] =	ssyncset.done $0x0  }
0xa4: {  	[sflag:s22] =	ssyncadd.s32 s8;
	_ =	sdelay $0x1  }
0xa5: {  	s23 =	simm.s32 $0x1B8B  }
0xa6: {  	_ =	swait.ge [sflag:s23], $0x1  }
0xa7: {  	[sflag:s23] =	ssyncset.done $0x0  }
0xa8: {  	s25 =	simm.s32 $0x1B8E;
	s24 =	sld [smem:$0x3FFE];
	[sflag:s23] =	ssyncadd.s32 $0xFFFFFFFF  }
0xa9: {  	s26 =	simm.s32 $execute0_lowered;
	[smem:$0x3FD2] =	sst s25  }
0xaa: {  	s9 =	sshll.u32 s26, $0x1;
	_ =	strace $0x80000049;
	[dreg:$0x1] =	wrdreg $0xFFFFFFFF  }
0xab: {  	s28 =	simm.s32 $_size_execute0_lowered;
	s7 =	sadd.s32 s7, s9;
	[dreg:$0x0] =	wrdreg $0x0  }
0xac: {  	s9 =	sshll.u32 s28, $0x1;
	[dreg:$0x2] =	wrdreg s7  }
0xad: {  	[dreg:$0x3] =	wrdreg s9  }
0xae: {  	[dreg:$0x4] =	wrdreg $0xC0  }
0xaf: {  	_ =	task [dreg:s11], $0x5FFFF  }
0xb0: {  	[dreg:$0x1] =	wrdreg $0xFFFFFFFF  }
0xb1: {  	[dreg:$0x0] =	wrdreg $0x60  }
0xb2: {  	[dreg:$0x2] =	wrdreg s2  }
0xb3: {  	[dreg:$0x3] =	wrdreg s18  }
0xb4: {  	[dreg:$0x4] =	wrdreg s24  }
0xb5: {  	[dreg:$0x5] =	wrdreg s4  }
0xb6: {  	[dreg:$0x6] =	wrdreg s5  }
0xb7: {  	[dreg:$0x7] =	wrdreg s6  }
0xb8: {  	[dreg:$0x8] =	wrdreg $0x9  }
0xb9: {  	_ =	task.clear_ibuf [dreg:s11], $0x9FFFF;
	_ =	strace $0x90000049  }
0xba: {  	s29 =	simm.s32 $0x9;
	_ =	strace $0x8000004B  }
0xbb: {  	_ =	swait.ge [sflag:s29], $0x1  }
0xbc: {  	[sflag:s29] =	ssyncadd.s32 $0xFFFFFFFF  }
0xbd: {  	_ =	strace $0x9000004B  }
0xbe: {  	_ =	sfence  }
0xbf: {  	s30 =	sld [smem:$0x0];
	_ =	sdelay $0x2  }
0xc0: {  	s31 =	sshll.u32 s1, $0xD;
	s1 =	sshrl.u32 s1, $0x2  }
0xc1: {  	s3 =	sand.u32 $0x4000, s31;
	s1 =	sadd.s32 s1, s30  }
0xc2: {  	s0 =	sor.u32 s3, s0;
	s1 =	sshll.u32 s1, $0x11  }
0xc3: {  	s0 =	sor.u32 s1, s0  }
0xc4: {  	s0 =	sadd.s32 $0x8F2B, s0  }
0xc5: {  	[sflag:s0] =	ssyncadd.remote.s32 $0x1  }
0xc6: {  	_ =	sfence.sel $0xFFFF  }
0xc7: {  	[dreg:$0x0] =	wrdreg $0xFFFFFFFF;
	(pc) =	sbr.abs _section_cstart, $3  }
0xc8: {  	[dreg:$0x1] =	wrdreg $0xFFFFFFFF  }
0xc9: {  	_ =	task.clear_ibuf [dreg:s11], $0x2FFFF;
	_ =	strace $0x9FFFFFFF  }
0xca: {  	(tm) =	ssettm $0x7FFFFFFF  }
0xcb: {  	_ =	shalt  }
tec
execute0_lowered:
.L_overlay_start_1:
0x0: {  	(tag) =	ssettag $0x1  }
0x1: {  	s0 =	rddreg [dreg:$0x0]  }
0x2: {  	s2 =	rddreg [dreg:$0x1]  }
0x3: {  	s3 =	rddreg [dreg:$0x2]  }
0x4: {  	s1 =	rddreg [dreg:$0x3]  }
0x5: {  	s5 =	rddreg [dreg:$0x5];
	s4 =	simm.s32 $0x0;
	s11 =	stileid.u32  }
0x6: {  	s7 =	srdreg.scid;
	s29 =	simm.s32 $0x880;
	s30 =	simm.s32 $0x900  }
0x7: {  	s31 =	simm.s32 $0x980;
	[smem:$0x7FF] =	sst s4;
	s6 =	sshll.u32 s11, $0x7  }
0x8: {  	s7 =	sand.u32 $0x1, s7;
	s10 =	sshll.u32 s11, $0x1;
	s11 =	sand.u32 $0xE, s11  }
0x9: {  	_ =	strace $0x8000004A;
	s6 =	sand.u32 $0x700, s6;
	s9 =	ssub.s32 $0x2, s7  }
0xa: {  	s10 =	sand.u32 $0x2, s10;
	s0 =	sadd.s32 s0, s11;
	s26 =	sadd.s32 s2, s11  }
0xb: {  	s2 =	simm.s32 $0x10;
	s8 =	sadd.s32 s6, s3;
	s12 =	sshrl.u32 s9, $0x1  }
0xc: {  	s3 =	sadd.s32 s11, s3;
	s7 =	sor.u32 s7, s10;
	[dreg:$0x9] =	wrdreg s0  }
0xd: {  	s23 =	sadd.s32 s5, s6;
	[dreg:$0xf] =	wrdreg s26;
	s0 =	simm.s32 $0x2  }
0xe: {  	s5 =	simm.s32 $0x1200;
	s6 =	simm.s32 $0x1;
	s10 =	simm.s32 $0x0  }
0xf: {  	s9 =	ssub.s32 s9, s12;
	s19 =	sadd.s32 $0x2830, s3;
	s20 =	sadd.s32 $0x2840, s3  }
0x10: {  	s21 =	sadd.s32 $0x3A00, s8;
	s22 =	sadd.s32 $0x5210, s3;
	[dreg:$0xc] =	wrdreg s23  }
0x11: {  	s24 =	sadd.s32 $0x2850, s3;
	s25 =	sadd.s32 $0x2860, s3;
	s14 =	sadd.s32 $0x4200, s8  }
0x12: {  	s15 =	sadd.s32 $0x5220, s3;
	s16 =	sadd.s32 $0x2A00, s8;
	[dreg:$0x7] =	wrdreg s19  }
0x13: {  	s17 =	sadd.s32 $0x2870, s3;
	s18 =	sadd.s32 $0x2880, s3;
	[dreg:$0x8] =	wrdreg s20  }
0x14: {  	p0 =	sgt.s32 s7, $0x1;
	p1 =	seq.s32 s7, $0x0;
	[dreg:$0xa] =	wrdreg s21  }
0x15: {  	p2 =	seq.s32 s7, $0x2;
	s23 =	sadd.s32 $0x3200, s8;
	[dreg:$0xb] =	wrdreg s22  }
.Ltmp0:
0x16: {  	s26 =	sadd.s32 $0x5200, s3;
	[dreg:$0xd] =	wrdreg s24;
	(pc) =	sbr.rel .LBB2_1-.Ltmp0, $4  }
0x17: {  	s7 =	simm.s32 $0x2200;
	[dreg:$0xe] =	wrdreg s25;
	s19 =	sadd.s32 $0x2890, s3  }
0x18: {  	s20 =	sadd.s32 $0x4A00, s8;
	s21 =	sadd.s32 $0x5230, s3;
	s22 =	sadd.s32 $0x2800, s3  }
0x19: {  	s24 =	sadd.s32 $0x2810, s3;
	s25 =	sadd.s32 $0x2820, s3;
	s28 =	smax.u32 s9, $0x1  }
0x1a: {  	v0 =	vimm.f32 $0.0e+00;
	s3 =	simm.s32 $0xA00;
	s8 =	simm.s32 $0x2A00;
	s9 =	simm.s32 $0x80  }
.LBB2_15:
0x1b: {  	v12 =	vld [tilespmem:s12+$0x1270];
	[tilespmem:s11+$0x2210] =	vst v10;
	v1 =	vadd.f32 v9, v1  }
0x1c: {  	v2 =	vadd.f32 v6, v2;
	v10 =	vld [tilespmem:s12+$0xA00];
	[tilespmem:s11+$0x2220] =	vst v11  }
0x1d: {  	v5 =	vadd.f32 v7, v5;
	v51 =	vld [tilespmem:s12+$0x1A70];
	[tilespmem:s11+$0x2230] =	vst v1  }
0x1e: {  	v3 =	vadd.f32 v8, v3;
	v1 =	vld [tilespmem:s12+$0x1200];
	[tilespmem:s11+$0x2240] =	vst v2  }
0x1f: {  	v2 =	vld [tilespmem:s12+$0xA10];
	[tilespmem:s11+$0x2250] =	vst v5  }
0x20: {  	v5 =	vld [tilespmem:s12+$0x1210];
	[tilespmem:s11+$0x2260] =	vst v3  }
0x21: {  	v52 =	vld [tilespmem:s12+$0xA20]  }
0x22: {  	v53 =	vld [tilespmem:s12+$0x1220]  }
0x23: {  	v54 =	vld [tilespmem:s12+$0xA30]  }
0x24: {  	v55 =	vld [tilespmem:s12+$0x1230]  }
0x25: {  	v56 =	vld [tilespmem:s12+$0x1240]  }
0x26: {  	v11 =	vld [tilespmem:s12+$0xA50]  }
0x27: {  	v57 =	vld [tilespmem:s12+$0x1250]  }
0x28: {  	v13 =	vld [tilespmem:s12+$0xA60]  }
0x29: {  	v3 =	vadd.f32 v12, v4;
	v14 =	vld [tilespmem:s12+$0x1260]  }
0x2a: {  	v15 =	vld [tilespmem:s12+$0x1A00]  }
0x2b: {  	v16 =	vld [tilespmem:s12+$0x1A10];
	v3 =	vadd.f32 v51, v3  }
0x2c: {  	v17 =	vld [tilespmem:s12+$0x1A20]  }
0x2d: {  	[tilespmem:s12+$0x2270] =	vst v3;
	v3 =	vld [tilespmem:s12+$0xA40]  }
0x2e: {  	v58 =	vld [tilespmem:s12+$0x1A30];
	v1 =	vadd.f32 v1, v10  }
0x2f: {  	v59 =	vld [tilespmem:s12+$0x1A40];
	v2 =	vadd.f32 v5, v2  }
0x30: {  	v60 =	vld [tilespmem:s12+$0x1A50];
	v4 =	vadd.f32 v53, v52;
	v1 =	vadd.f32 v15, v1  }
0x31: {  	v61 =	vld [tilespmem:s12+$0x1A60];
	v7 =	vadd.f32 v55, v54;
	v2 =	vadd.f32 v16, v2  }
0x32: {  	[tilespmem:s12+$0x2200] =	vst v1;
	v1 =	vadd.f32 v17, v4;
	v3 =	vadd.f32 v56, v3  }
0x33: {  	v62 =	vadd.f32 v57, v11;
	[tilespmem:s12+$0x2210] =	vst v2;
	v2 =	vadd.f32 v58, v7  }
0x34: {  	v63 =	vadd.f32 v14, v13;
	[tilespmem:s12+$0x2220] =	vst v1;
	v1 =	vadd.f32 v59, v3  }
0x35: {  	[tilespmem:s12+$0x2230] =	vst v2;
	v2 =	vadd.f32 v60, v62  }
0x36: {  	[tilespmem:s12+$0x2240] =	vst v1;
	v1 =	vadd.f32 v61, v63  }
0x37: {  	[tilespmem:s12+$0x2250] =	vst v2  }
0x38: {  	[tilespmem:s12+$0x2260] =	vst v1  }
0x39: {  	[hbm4b:s20+s4] =	stream.linear.scatter [tilespmem:s7], [sflag:$0x2], $0x800, $0x38;
	[tilespmem:$0x2A80] =	vst v63  }
0x3a: {  	_ = 	snop  }
0x3b: {  	[hbm4b:s21+s4] =	stream.linear.scatter [tilespmem:s8], [sflag:$0x2], $0x10, $0x38;
	[tilespmem:$0x2A80] =	vst v63  }
0x3c: {  	_ =	swait.ge [sflag:s0], $0x800  }
0x3d: {  	[sflag:s0] =	ssyncset.done $0x0  }
0x3e: {  	[sflag:s0] =	ssyncadd.s32 $0xFFFFF800  }
0x3f: {  	_ =	swait.ge [sflag:s0], $0x10  }
0x40: {  	[sflag:s0] =	ssyncset.done $0x0  }
0x41: {  	[sflag:s0] =	ssyncadd.s32 $0xFFFFFFF0  }
.LBB2_16:
0x42: {  	s10 =	sadd.s32 $0x1, s10  }
0x43: {  	p3 =	sne.s32 s10, s28  }
.Ltmp1:
0x44: {  	_ = 	snop;
	(pc) =	sbr.rel @!p3 .LBB2_17-.Ltmp1, $1  }
0x45: {  	_ =	sdelay $0x3  }
.LBB2_1:
.Ltmp2:
0x46: {  	(pc) =	sbr.rel @p0 .LBB2_12-.Ltmp2, $2  }
0x47: {  	_ =	sdelay $0x2  }
0x48: {  	s11 =	simm.s32 $0x0  }
.Ltmp3:
0x49: {  	(pc) =	sbr.rel @!p1 .LBB2_6-.Ltmp3, $1  }
0x4a: {  	_ =	sdelay $0x3  }
0x4b: {  	[tilespmem:s29], [sflag:$0x2] =	stream.linear.gather [hbm4b:s22+s11], $0x10, $0x38;
	[tilespmem:$0x2A80] =	vst v63  }
0x4c: {  	_ = 	snop  }
0x4d: {  	[tilespmem:s30], [sflag:$0x2] =	stream.linear.gather [hbm4b:s24+s11], $0x10, $0x38;
	[tilespmem:$0x2A80] =	vst v63  }
0x4e: {  	_ = 	snop  }
0x4f: {  	[tilespmem:s31], [sflag:$0x2] =	stream.linear.gather [hbm4b:s25+s11], $0x10, $0x38;
	[tilespmem:$0x2A80] =	vst v63  }
0x50: {  	_ =	swait.ge [sflag:s0], $0x10  }
0x51: {  	[sflag:s0] =	ssyncset.done $0x0  }
0x52: {  	[sflag:s0] =	ssyncadd.s32 $0xFFFFFFF0  }
0x53: {  	_ =	swait.ge [sflag:s0], $0x10  }
0x54: {  	[sflag:s0] =	ssyncset.done $0x0  }
0x55: {  	[sflag:s0] =	ssyncadd.s32 $0xFFFFFFF0  }
0x56: {  	_ =	swait.ge [sflag:s0], $0x10  }
0x57: {  	[sflag:s0] =	ssyncset.done $0x0  }
0x58: {  	[sflag:s0] =	ssyncadd.s32 $0xFFFFFFF0  }
0x59: {  	[tilespmem:s3], [sflag:$0x1] =	stream.indirect.gather [hbm4b:s1+s2], $0x80, s29, s2, $0xb8;
	[tilespmem:$0x2A80] =	vst v63  }
0x5a: {  	_ = 	snop  }
0x5b: {  	[tilespmem:s5], [sflag:$0x1] =	stream.indirect.gather [hbm4b:s1+s2], $0x80, s30, s2, $0xb8;
	[tilespmem:$0x2A80] =	vst v63  }
0x5c: {  	s13 =	simm.s32 $0x1A00  }
0x5d: {  	[tilespmem:s13], [sflag:$0x1] =	stream.indirect.gather [hbm4b:s1+s2], $0x80, s31, s2, $0xb8;
	[tilespmem:$0x2A80] =	vst v63  }
0x5e: {  	v1 =	vld [tilespmem:$0x880]  }
0x5f: {  	v2 =	vld [tilespmem:$0x900];
	_ =	sdelay $0x1  }
0x60: {  	v3 =	vld [tilespmem:$0x980];
	_ =	sdelay $0x2  }
0x61: {  	vm0 =	vgt.s32 v1, $0x55C;
	vm1 =	vgt.s32 v2, $0x55C  }
0x62: {  	v1 =	vsel vm0, $0x3F800000, v0;
	v2 =	vsel vm1, $0x3F800000, v0  }
0x63: {  	vm15 =	vgt.s32 v3, $0x55C;
	v1 =	vadd.f32 v2, v1  }
0x64: {  	v2 =	vsel vm15, $0x3F800000, v0  }
0x65: {  	v1 =	vadd.f32 v2, v1;
	_ =	sdelay $0x1  }
0x66: {  	[tilespmem:$0x2A00] =	vst v1  }
0x67: {  	_ =	swait.ge [sflag:s6], $0x800  }
0x68: {  	[sflag:s6] =	ssyncset.done $0x0  }
0x69: {  	[sflag:s6] =	ssyncadd.s32 $0xFFFFF800  }
0x6a: {  	_ =	swait.ge [sflag:s6], $0x800  }
0x6b: {  	[sflag:s6] =	ssyncset.done $0x0  }
0x6c: {  	[sflag:s6] =	ssyncadd.s32 $0xFFFFF800  }
0x6d: {  	_ =	swait.ge [sflag:s6], $0x800  }
0x6e: {  	[sflag:s6] =	ssyncset.done $0x0  }
0x6f: {  	s11 =	simm.s32 $0x0;
	[sflag:s6] =	ssyncadd.s32 $0xFFFFF800  }
0x70: {  	v1 =	vld [tilespmem:s11+$0xA70]  }
0x71: {  	v2 =	vld [tilespmem:s11+$0x1270]  }
0x72: {  	v3 =	vld [tilespmem:s11+$0xA00]  }
0x73: {  	v4 =	vld [tilespmem:s11+$0x1A70]  }
0x74: {  	v5 =	vld [tilespmem:s11+$0x1200]  }
0x75: {  	v6 =	vld [tilespmem:s11+$0xA10]  }
0x76: {  	v7 =	vld [tilespmem:s11+$0x1210]  }
0x77: {  	v8 =	vld [tilespmem:s11+$0x1220]  }
0x78: {  	v10 =	vld [tilespmem:s11+$0x1230]  }
0x79: {  	v11 =	vld [tilespmem:s11+$0xA40]  }
0x7a: {  	v12 =	vld [tilespmem:s11+$0x1240]  }
0x7b: {  	v13 =	vld [tilespmem:s11+$0xA50]  }
0x7c: {  	v14 =	vld [tilespmem:s11+$0x1250]  }
0x7d: {  	v15 =	vld [tilespmem:s11+$0xA60]  }
0x7e: {  	v16 =	vld [tilespmem:s11+$0x1260]  }
0x7f: {  	v17 =	vld [tilespmem:s11+$0x1A00]  }
0x80: {  	v1 =	vadd.f32 v2, v1;
	v2 =	vld [tilespmem:s11+$0xA20]  }
0x81: {  	v18 =	vld [tilespmem:s11+$0x1A10]  }
0x82: {  	v1 =	vadd.f32 v4, v1;
	v4 =	vld [tilespmem:s11+$0xA30]  }
0x83: {  	v19 =	vld [tilespmem:s11+$0x1A20]  }
0x84: {  	v9 =	vld [tilespmem:s11+$0x1A30];
	v3 =	vadd.f32 v5, v3;
	v20 =	vadd.f32 v7, v6  }
0x85: {  	v6 =	vld [tilespmem:s11+$0x1A40];
	v5 =	vadd.f32 v14, v13;
	v21 =	vadd.f32 v8, v2  }
0x86: {  	v7 =	vld [tilespmem:s11+$0x1A50];
	v2 =	vadd.f32 v12, v11;
	v11 =	vadd.f32 v17, v3  }
0x87: {  	s12 =	simm.s32 $0x80;
	[tilespmem:s11+$0x2270] =	vst v1;
	v8 =	vld [tilespmem:s11+$0x1A60];
	v1 =	vadd.f32 v10, v4;
	v10 =	vadd.f32 v18, v20  }
0x88: {  	s13 =	simm.s32 $0x400;
	v3 =	vadd.f32 v16, v15;
	v4 =	vld [tilespmem:s12+$0xA70];
	[tilespmem:s11+$0x2200] =	vst v11;
	v11 =	vadd.f32 v19, v21  }
.LBB2_4:
0x89: {  	p3 =	sne.s32 s13, $0x1E00;
	v12 =	vld [tilespmem:s12+$0x1270];
	[tilespmem:s11+$0x2210] =	vst v10;
	v1 =	vadd.f32 v9, v1  }
0x8a: {  	v9 =	vld [tilespmem:s12+$0xA00];
	[tilespmem:s11+$0x2220] =	vst v11;
	v2 =	vadd.f32 v6, v2  }
0x8b: {  	v6 =	vld [tilespmem:s12+$0x1A70];
	[tilespmem:s11+$0x2230] =	vst v1;
	v1 =	vadd.f32 v7, v5  }
0x8c: {  	v5 =	vld [tilespmem:s12+$0x1200];
	[tilespmem:s11+$0x2240] =	vst v2;
	v2 =	vadd.f32 v8, v3  }
0x8d: {  	v3 =	vld [tilespmem:s12+$0xA10];
	[tilespmem:s11+$0x2250] =	vst v1  }
0x8e: {  	v1 =	vld [tilespmem:s12+$0x1210];
	v4 =	vadd.f32 v12, v4;
	[tilespmem:s11+$0x2260] =	vst v2;
	s11 =	smov.u32 s12  }
0x8f: {  	v2 =	vld [tilespmem:s11+$0xA20]  }
0x90: {  	v7 =	vld [tilespmem:s11+$0x1220];
	v4 =	vadd.f32 v6, v4  }
0x91: {  	v8 =	vadd.f32 v5, v9;
	v5 =	vld [tilespmem:s11+$0xA30]  }
0x92: {  	v6 =	vld [tilespmem:s11+$0x1230];
	[tilespmem:s11+$0x2270] =	vst v4  }
0x93: {  	v4 =	vadd.f32 v1, v3;
	v3 =	vld [tilespmem:s11+$0xA40]  }
0x94: {  	v9 =	vld [tilespmem:s11+$0x1240]  }
0x95: {  	v11 =	vadd.f32 v7, v2;
	v7 =	vld [tilespmem:s11+$0xA50]  }
0x96: {  	v10 =	vld [tilespmem:s11+$0x1250]  }
0x97: {  	v1 =	vadd.f32 v6, v5;
	v12 =	vld [tilespmem:s11+$0xA60]  }
0x98: {  	v13 =	vld [tilespmem:s11+$0x1260]  }
0x99: {  	v14 =	vld [tilespmem:s11+$0x1A00];
	v2 =	vadd.f32 v9, v3  }
0x9a: {  	v15 =	vld [tilespmem:s11+$0x1A10]  }
0x9b: {  	v16 =	vld [tilespmem:s11+$0x1A20];
	v5 =	vadd.f32 v10, v7  }
.Ltmp4:
0x9c: {  	v9 =	vld [tilespmem:s11+$0x1A30];
	(pc) =	sbr.rel @p3 .LBB2_4-.Ltmp4, $4  }
0x9d: {  	v6 =	vld [tilespmem:s11+$0x1A40];
	v3 =	vadd.f32 v13, v12  }
0x9e: {  	v12 =	vadd.f32 v14, v8;
	v7 =	vld [tilespmem:s11+$0x1A50]  }
0x9f: {  	s12 =	sshra.s32 s13, $0x2;
	v10 =	vadd.f32 v15, v4;
	v8 =	vld [tilespmem:s11+$0x1A60]  }
0xa0: {  	s13 =	sadd.s32 $0x200, s13;
	v4 =	vld [tilespmem:s12+$0xA70];
	[tilespmem:s11+$0x2200] =	vst v12;
	v11 =	vadd.f32 v16, v11  }
0xa1: {  	v12 =	vld [tilespmem:s12+$0x1270];
	[tilespmem:s11+$0x2210] =	vst v10;
	v1 =	vadd.f32 v9, v1  }
0xa2: {  	v10 =	vld [tilespmem:s12+$0xA00];
	[tilespmem:s11+$0x2220] =	vst v11;
	v2 =	vadd.f32 v6, v2  }
0xa3: {  	v51 =	vld [tilespmem:s12+$0x1A70];
	[tilespmem:s11+$0x2230] =	vst v1;
	v5 =	vadd.f32 v7, v5  }
0xa4: {  	v1 =	vld [tilespmem:s12+$0x1200];
	[tilespmem:s11+$0x2240] =	vst v2;
	v3 =	vadd.f32 v8, v3  }
0xa5: {  	v2 =	vld [tilespmem:s12+$0xA10];
	[tilespmem:s11+$0x2250] =	vst v5  }
0xa6: {  	v5 =	vld [tilespmem:s12+$0x1210];
	[tilespmem:s11+$0x2260] =	vst v3  }
0xa7: {  	v52 =	vld [tilespmem:s12+$0xA20]  }
0xa8: {  	v53 =	vld [tilespmem:s12+$0x1220]  }
0xa9: {  	v54 =	vld [tilespmem:s12+$0xA30]  }
0xaa: {  	v55 =	vld [tilespmem:s12+$0x1230]  }
0xab: {  	v56 =	vld [tilespmem:s12+$0x1240]  }
0xac: {  	v11 =	vld [tilespmem:s12+$0xA50]  }
0xad: {  	v57 =	vld [tilespmem:s12+$0x1250]  }
0xae: {  	v13 =	vld [tilespmem:s12+$0xA60]  }
0xaf: {  	v3 =	vadd.f32 v12, v4;
	v14 =	vld [tilespmem:s12+$0x1260]  }
0xb0: {  	v15 =	vld [tilespmem:s12+$0x1A00]  }
0xb1: {  	v16 =	vld [tilespmem:s12+$0x1A10];
	v3 =	vadd.f32 v51, v3  }
0xb2: {  	v17 =	vld [tilespmem:s12+$0x1A20]  }
0xb3: {  	[tilespmem:s12+$0x2270] =	vst v3;
	v3 =	vld [tilespmem:s12+$0xA40]  }
0xb4: {  	v58 =	vld [tilespmem:s12+$0x1A30];
	v1 =	vadd.f32 v1, v10  }
0xb5: {  	v59 =	vld [tilespmem:s12+$0x1A40];
	v2 =	vadd.f32 v5, v2  }
0xb6: {  	v60 =	vld [tilespmem:s12+$0x1A50];
	v4 =	vadd.f32 v53, v52;
	v1 =	vadd.f32 v15, v1  }
0xb7: {  	v61 =	vld [tilespmem:s12+$0x1A60];
	v7 =	vadd.f32 v55, v54;
	v2 =	vadd.f32 v16, v2  }
0xb8: {  	[tilespmem:s12+$0x2200] =	vst v1;
	v1 =	vadd.f32 v17, v4;
	v3 =	vadd.f32 v56, v3  }
0xb9: {  	v62 =	vadd.f32 v57, v11;
	[tilespmem:s12+$0x2210] =	vst v2;
	v2 =	vadd.f32 v58, v7  }
0xba: {  	v63 =	vadd.f32 v14, v13;
	[tilespmem:s12+$0x2220] =	vst v1;
	v1 =	vadd.f32 v59, v3  }
0xbb: {  	[tilespmem:s12+$0x2230] =	vst v2;
	v2 =	vadd.f32 v60, v62  }
0xbc: {  	[tilespmem:s12+$0x2240] =	vst v1;
	v1 =	vadd.f32 v61, v63  }
0xbd: {  	[tilespmem:s12+$0x2250] =	vst v2  }
0xbe: {  	[tilespmem:s12+$0x2260] =	vst v1  }
0xbf: {  	[hbm4b:s23+s4] =	stream.linear.scatter [tilespmem:s7], [sflag:$0x2], $0x800, $0x38;
	[tilespmem:$0x2A80] =	vst v63  }
0xc0: {  	_ = 	snop  }
0xc1: {  	[hbm4b:s26+s4] =	stream.linear.scatter [tilespmem:s8], [sflag:$0x2], $0x10, $0x38;
	[tilespmem:$0x2A80] =	vst v63  }
0xc2: {  	_ =	swait.ge [sflag:s0], $0x800  }
.Ltmp5:
0xc3: {  	[sflag:s0] =	ssyncset.done $0x0;
	(pc) =	sbr.rel .LBB2_16-.Ltmp5, $4  }
0xc4: {  	[sflag:s0] =	ssyncadd.s32 $0xFFFFF800  }
0xc5: {  	_ =	swait.ge [sflag:s0], $0x10  }
0xc6: {  	[sflag:s0] =	ssyncset.done $0x0  }
0xc7: {  	[sflag:s0] =	ssyncadd.s32 $0xFFFFFFF0  }
.LBB2_12:
.Ltmp6:
0xc8: {  	(pc) =	sbr.rel @!p2 .LBB2_13-.Ltmp6, $1  }
0xc9: {  	_ =	sdelay $0x3  }
0xca: {  	s12 =	rddreg [dreg:$0xd]  }
0xcb: {  	[tilespmem:s29], [sflag:$0x2] =	stream.linear.gather [hbm4b:s12+s11], $0x10, $0x38;
	[tilespmem:$0x2A80] =	vst v63  }
0xcc: {  	s13 =	rddreg [dreg:$0xe]  }
0xcd: {  	[tilespmem:s30], [sflag:$0x2] =	stream.linear.gather [hbm4b:s13+s11], $0x10, $0x38;
	[tilespmem:$0x2A80] =	vst v63  }
0xce: {  	s13 =	rddreg [dreg:$0xf]  }
0xcf: {  	[tilespmem:s11], [sflag:$0x2] =	stream.linear.gather [hbm4b:s13+s11], $0x10, $0x38;
	[tilespmem:$0x2A80] =	vst v63  }
0xd0: {  	_ =	swait.ge [sflag:s0], $0x10  }
0xd1: {  	[sflag:s0] =	ssyncset.done $0x0  }
0xd2: {  	[sflag:s0] =	ssyncadd.s32 $0xFFFFFFF0  }
0xd3: {  	_ =	swait.ge [sflag:s0], $0x10  }
0xd4: {  	[sflag:s0] =	ssyncset.done $0x0  }
0xd5: {  	[sflag:s0] =	ssyncadd.s32 $0xFFFFFFF0  }
0xd6: {  	_ =	swait.ge [sflag:s0], $0x10  }
0xd7: {  	[sflag:s0] =	ssyncset.done $0x0  }
0xd8: {  	[sflag:s0] =	ssyncadd.s32 $0xFFFFFFF0  }
0xd9: {  	[tilespmem:s3], [sflag:$0x1] =	stream.indirect.gather [hbm4b:s1+s2], $0x80, s29, s2, $0xb8;
	[tilespmem:$0x2A80] =	vst v63  }
0xda: {  	_ = 	snop  }
0xdb: {  	[tilespmem:s5], [sflag:$0x1] =	stream.indirect.gather [hbm4b:s1+s2], $0x80, s30, s2, $0xb8;
	[tilespmem:$0x2A80] =	vst v63  }
0xdc: {  	s13 =	rddreg [dreg:$0x4]  }
0xdd: {  	[tilespmem:s9], [sflag:$0x1] =	stream.indirect.gather [hbm4b:s13+s2], $0x80, s11, s2, $0xb8;
	[tilespmem:$0x2A80] =	vst v63  }
0xde: {  	v1 =	vld [tilespmem:$0x880]  }
0xdf: {  	v2 =	vld [tilespmem:$0x900];
	_ =	sdelay $0x4  }
0xe0: {  	vm0 =	vgt.s32 v1, $0x55C;
	vm1 =	vgt.s32 v2, $0x55C  }
0xe1: {  	v1 =	vsel vm0, $0x3F800000, v0;
	v2 =	vsel vm1, $0x3F800000, v0  }
0xe2: {  	v1 =	vadd.f32 v2, v1;
	_ =	sdelay $0x1  }
0xe3: {  	[tilespmem:$0x2A00] =	vst v1  }
0xe4: {  	_ =	swait.ge [sflag:s6], $0x800  }
0xe5: {  	[sflag:s6] =	ssyncset.done $0x0  }
0xe6: {  	[sflag:s6] =	ssyncadd.s32 $0xFFFFF800  }
0xe7: {  	_ =	swait.ge [sflag:s6], $0x800  }
0xe8: {  	[sflag:s6] =	ssyncset.done $0x0  }
0xe9: {  	[sflag:s6] =	ssyncadd.s32 $0xFFFFF800  }
0xea: {  	_ =	swait.ge [sflag:s6], $0x800  }
0xeb: {  	[sflag:s6] =	ssyncset.done $0x0  }
0xec: {  	s11 =	simm.s32 $0x0;
	[sflag:s6] =	ssyncadd.s32 $0xFFFFF800  }
0xed: {  	v1 =	vld [tilespmem:s11+$0xA70]  }
0xee: {  	v2 =	vld [tilespmem:s11+$0x1270]  }
0xef: {  	v3 =	vld [tilespmem:s11+$0xA00]  }
0xf0: {  	v4 =	vld [tilespmem:s11+$0x1200]  }
0xf1: {  	v5 =	vld [tilespmem:s11+$0xA10]  }
0xf2: {  	v6 =	vld [tilespmem:s11+$0x1210]  }
0xf3: {  	v7 =	vld [tilespmem:s11+$0xA20]  }
0xf4: {  	v8 =	vld [tilespmem:s11+$0xA30]  }
0xf5: {  	v1 =	vadd.f32 v2, v1;
	v2 =	vld [tilespmem:s11+$0x1220]  }
0xf6: {  	v9 =	vld [tilespmem:s11+$0x1230]  }
0xf7: {  	v10 =	vld [tilespmem:s11+$0x1240];
	v3 =	vadd.f32 v4, v3  }
0xf8: {  	[tilespmem:s11+$0x2270] =	vst v1;
	v1 =	vadd.f32 v6, v5;
	v6 =	vld [tilespmem:s11+$0xA40]  }
0xf9: {  	v4 =	vld [tilespmem:s11+$0x1250];
	[tilespmem:s11+$0x2200] =	vst v3  }
0xfa: {  	v3 =	vld [tilespmem:s11+$0xA50];
	[tilespmem:s11+$0x2210] =	vst v1;
	v1 =	vadd.f32 v2, v7  }
0xfb: {  	v5 =	vld [tilespmem:s11+$0x1260];
	v7 =	vadd.f32 v9, v8  }
0xfc: {  	s12 =	simm.s32 $0x80;
	[tilespmem:s11+$0x2220] =	vst v1;
	v1 =	vld [tilespmem:s11+$0xA60]  }
0xfd: {  	s13 =	simm.s32 $0x400;
	v6 =	vadd.f32 v10, v6;
	v2 =	vld [tilespmem:s12+$0xA70];
	[tilespmem:s11+$0x2230] =	vst v7  }
.LBB2_10:
0xfe: {  	p3 =	sne.s32 s13, $0x1E00;
	v7 =	vld [tilespmem:s12+$0x1270]  }
0xff: {  	v8 =	vld [tilespmem:s12+$0xA00];
	[tilespmem:s11+$0x2240] =	vst v6;
	v3 =	vadd.f32 v4, v3  }
0x100: {  	v4 =	vld [tilespmem:s12+$0x1200]  }
0x101: {  	v6 =	vld [tilespmem:s12+$0xA10];
	[tilespmem:s11+$0x2250] =	vst v3;
	v1 =	vadd.f32 v5, v1  }
0x102: {  	v3 =	vld [tilespmem:s12+$0x1210]  }
0x103: {  	v5 =	vld [tilespmem:s12+$0xA20];
	v2 =	vadd.f32 v7, v2;
	[tilespmem:s11+$0x2260] =	vst v1;
	s11 =	smov.u32 s12  }
0x104: {  	v1 =	vld [tilespmem:s11+$0x1220]  }
0x105: {  	v4 =	vadd.f32 v4, v8;
	v7 =	vld [tilespmem:s11+$0xA30];
	[tilespmem:s11+$0x2270] =	vst v2  }
0x106: {  	v2 =	vld [tilespmem:s11+$0x1230]  }
0x107: {  	[tilespmem:s11+$0x2200] =	vst v4;
	v3 =	vadd.f32 v3, v6;
	v6 =	vld [tilespmem:s11+$0xA40]  }
0x108: {  	v8 =	vld [tilespmem:s11+$0x1240]  }
.Ltmp7:
0x109: {  	[tilespmem:s11+$0x2210] =	vst v3;
	v1 =	vadd.f32 v1, v5;
	v3 =	vld [tilespmem:s11+$0xA50];
	(pc) =	sbr.rel @p3 .LBB2_10-.Ltmp7, $4  }
0x10a: {  	v4 =	vld [tilespmem:s11+$0x1250]  }
0x10b: {  	[tilespmem:s11+$0x2220] =	vst v1;
	v7 =	vadd.f32 v2, v7;
	v1 =	vld [tilespmem:s11+$0xA60]  }
0x10c: {  	s12 =	sshra.s32 s13, $0x2;
	v5 =	vld [tilespmem:s11+$0x1260]  }
0x10d: {  	s13 =	sadd.s32 $0x200, s13;
	v2 =	vld [tilespmem:s12+$0xA70];
	[tilespmem:s11+$0x2230] =	vst v7;
	v6 =	vadd.f32 v8, v6  }
0x10e: {  	v7 =	vld [tilespmem:s12+$0x1270]  }
0x10f: {  	v8 =	vld [tilespmem:s12+$0xA00];
	[tilespmem:s11+$0x2240] =	vst v6;
	v3 =	vadd.f32 v4, v3  }
0x110: {  	v57 =	vld [tilespmem:s12+$0x1200]  }
0x111: {  	v6 =	vld [tilespmem:s12+$0xA10];
	[tilespmem:s11+$0x2250] =	vst v3;
	v1 =	vadd.f32 v5, v1  }
0x112: {  	v3 =	vld [tilespmem:s12+$0x1210]  }
0x113: {  	v58 =	vld [tilespmem:s12+$0xA20];
	[tilespmem:s11+$0x2260] =	vst v1  }
0x114: {  	v1 =	vadd.f32 v7, v2;
	v2 =	vld [tilespmem:s12+$0x1220]  }
0x115: {  	v59 =	vld [tilespmem:s12+$0xA30]  }
0x116: {  	v60 =	vld [tilespmem:s12+$0xA40]  }
0x117: {  	v61 =	vld [tilespmem:s12+$0x1240]  }
0x118: {  	v62 =	vld [tilespmem:s12+$0x1250]  }
0x119: {  	[tilespmem:s12+$0x2270] =	vst v1;
	v1 =	vld [tilespmem:s12+$0x1230];
	v3 =	vadd.f32 v3, v6  }
0x11a: {  	v63 =	vld [tilespmem:s12+$0x1260];
	v2 =	vadd.f32 v2, v58  }
0x11b: {  	[tilespmem:s12+$0x2210] =	vst v3;
	v3 =	vld [tilespmem:s12+$0xA50]  }
0x11c: {  	[tilespmem:s12+$0x2220] =	vst v2;
	v2 =	vld [tilespmem:s12+$0xA60]  }
0x11d: {  	v4 =	vadd.f32 v57, v8  }
0x11e: {  	v1 =	vadd.f32 v1, v59  }
0x11f: {  	[tilespmem:s12+$0x2200] =	vst v4;
	v4 =	vadd.f32 v61, v60  }
0x120: {  	[tilespmem:s12+$0x2230] =	vst v1;
	v1 =	vadd.f32 v62, v3  }
0x121: {  	[tilespmem:s12+$0x2240] =	vst v4;
	v2 =	vadd.f32 v63, v2  }
0x122: {  	[tilespmem:s12+$0x2250] =	vst v1  }
0x123: {  	[tilespmem:s12+$0x2260] =	vst v2  }
0x124: {  	[hbm4b:s14+s4] =	stream.linear.scatter [tilespmem:s7], [sflag:$0x2], $0x800, $0x38;
	[tilespmem:$0x2A80] =	vst v63  }
0x125: {  	_ = 	snop  }
0x126: {  	[hbm4b:s15+s4] =	stream.linear.scatter [tilespmem:s8], [sflag:$0x2], $0x10, $0x38;
	[tilespmem:$0x2A80] =	vst v63  }
0x127: {  	_ = 	snop  }
0x128: {  	[hbm4b:s16+s4] =	stream.linear.scatter [tilespmem:s9], [sflag:$0x2], $0x800, $0x38;
	[tilespmem:$0x2A80] =	vst v63  }
0x129: {  	_ =	swait.ge [sflag:s0], $0x800  }
0x12a: {  	[sflag:s0] =	ssyncset.done $0x0  }
0x12b: {  	[sflag:s0] =	ssyncadd.s32 $0xFFFFF800  }
0x12c: {  	_ =	swait.ge [sflag:s0], $0x10  }
.Ltmp8:
0x12d: {  	[sflag:s0] =	ssyncset.done $0x0;
	(pc) =	sbr.rel .LBB2_16-.Ltmp8, $4  }
0x12e: {  	[sflag:s0] =	ssyncadd.s32 $0xFFFFFFF0  }
0x12f: {  	_ =	swait.ge [sflag:s0], $0x800  }
0x130: {  	[sflag:s0] =	ssyncset.done $0x0  }
0x131: {  	[sflag:s0] =	ssyncadd.s32 $0xFFFFF800  }
.LBB2_6:
0x132: {  	s12 =	rddreg [dreg:$0x7]  }
0x133: {  	[tilespmem:s29], [sflag:$0x2] =	stream.linear.gather [hbm4b:s12+s11], $0x10, $0x38;
	[tilespmem:$0x2A80] =	vst v63  }
0x134: {  	s13 =	rddreg [dreg:$0x8]  }
0x135: {  	[tilespmem:s30], [sflag:$0x2] =	stream.linear.gather [hbm4b:s13+s11], $0x10, $0x38;
	[tilespmem:$0x2A80] =	vst v63  }
0x136: {  	s13 =	rddreg [dreg:$0x9]  }
0x137: {  	[tilespmem:s11], [sflag:$0x2] =	stream.linear.gather [hbm4b:s13+s11], $0x10, $0x38;
	[tilespmem:$0x2A80] =	vst v63  }
0x138: {  	_ =	swait.ge [sflag:s0], $0x10  }
0x139: {  	[sflag:s0] =	ssyncset.done $0x0  }
0x13a: {  	[sflag:s0] =	ssyncadd.s32 $0xFFFFFFF0  }
0x13b: {  	_ =	swait.ge [sflag:s0], $0x10  }
0x13c: {  	[sflag:s0] =	ssyncset.done $0x0  }
0x13d: {  	[sflag:s0] =	ssyncadd.s32 $0xFFFFFFF0  }
0x13e: {  	_ =	swait.ge [sflag:s0], $0x10  }
0x13f: {  	[sflag:s0] =	ssyncset.done $0x0  }
0x140: {  	[sflag:s0] =	ssyncadd.s32 $0xFFFFFFF0  }
0x141: {  	[tilespmem:s3], [sflag:$0x1] =	stream.indirect.gather [hbm4b:s1+s2], $0x80, s29, s2, $0xb8;
	[tilespmem:$0x2A80] =	vst v63  }
0x142: {  	_ = 	snop  }
0x143: {  	[tilespmem:s5], [sflag:$0x1] =	stream.indirect.gather [hbm4b:s1+s2], $0x80, s30, s2, $0xb8;
	[tilespmem:$0x2A80] =	vst v63  }
0x144: {  	_ = 	snop  }
0x145: {  	[tilespmem:s9], [sflag:$0x1] =	stream.indirect.gather [hbm4b:s1+s2], $0x80, s11, s2, $0xb8;
	[tilespmem:$0x2A80] =	vst v63  }
0x146: {  	v1 =	vld [tilespmem:$0x880]  }
0x147: {  	v2 =	vld [tilespmem:$0x900];
	_ =	sdelay $0x4  }
0x148: {  	vm0 =	vgt.s32 v1, $0x55C;
	vm1 =	vgt.s32 v2, $0x55C  }
0x149: {  	v1 =	vsel vm0, $0x3F800000, v0;
	v2 =	vsel vm1, $0x3F800000, v0  }
0x14a: {  	v1 =	vadd.f32 v2, v1;
	_ =	sdelay $0x1  }
0x14b: {  	[tilespmem:$0x2A00] =	vst v1  }
0x14c: {  	_ =	swait.ge [sflag:s6], $0x800  }
0x14d: {  	[sflag:s6] =	ssyncset.done $0x0  }
0x14e: {  	[sflag:s6] =	ssyncadd.s32 $0xFFFFF800  }
0x14f: {  	_ =	swait.ge [sflag:s6], $0x800  }
0x150: {  	[sflag:s6] =	ssyncset.done $0x0  }
0x151: {  	[sflag:s6] =	ssyncadd.s32 $0xFFFFF800  }
0x152: {  	_ =	swait.ge [sflag:s6], $0x800  }
0x153: {  	[sflag:s6] =	ssyncset.done $0x0  }
0x154: {  	s11 =	simm.s32 $0x0;
	[sflag:s6] =	ssyncadd.s32 $0xFFFFF800  }
0x155: {  	v1 =	vld [tilespmem:s11+$0xA70]  }
0x156: {  	v2 =	vld [tilespmem:s11+$0x1270]  }
0x157: {  	v3 =	vld [tilespmem:s11+$0xA00]  }
0x158: {  	v4 =	vld [tilespmem:s11+$0x1200]  }
0x159: {  	v5 =	vld [tilespmem:s11+$0xA10]  }
0x15a: {  	v6 =	vld [tilespmem:s11+$0x1210]  }
0x15b: {  	v7 =	vld [tilespmem:s11+$0xA20]  }
0x15c: {  	v8 =	vld [tilespmem:s11+$0xA30]  }
0x15d: {  	v1 =	vadd.f32 v2, v1;
	v2 =	vld [tilespmem:s11+$0x1220]  }
0x15e: {  	v9 =	vld [tilespmem:s11+$0x1230]  }
0x15f: {  	v10 =	vld [tilespmem:s11+$0x1240];
	v3 =	vadd.f32 v4, v3  }
0x160: {  	[tilespmem:s11+$0x2270] =	vst v1;
	v1 =	vadd.f32 v6, v5;
	v6 =	vld [tilespmem:s11+$0xA40]  }
0x161: {  	v4 =	vld [tilespmem:s11+$0x1250];
	[tilespmem:s11+$0x2200] =	vst v3  }
0x162: {  	v3 =	vld [tilespmem:s11+$0xA50];
	[tilespmem:s11+$0x2210] =	vst v1;
	v1 =	vadd.f32 v2, v7  }
0x163: {  	v5 =	vld [tilespmem:s11+$0x1260];
	v7 =	vadd.f32 v9, v8  }
0x164: {  	s12 =	simm.s32 $0x80;
	[tilespmem:s11+$0x2220] =	vst v1;
	v1 =	vld [tilespmem:s11+$0xA60]  }
0x165: {  	s13 =	simm.s32 $0x400;
	v6 =	vadd.f32 v10, v6;
	v2 =	vld [tilespmem:s12+$0xA70];
	[tilespmem:s11+$0x2230] =	vst v7  }
.LBB2_7:
0x166: {  	p3 =	sne.s32 s13, $0x1E00;
	v7 =	vld [tilespmem:s12+$0x1270]  }
0x167: {  	v8 =	vld [tilespmem:s12+$0xA00];
	[tilespmem:s11+$0x2240] =	vst v6;
	v3 =	vadd.f32 v4, v3  }
0x168: {  	v4 =	vld [tilespmem:s12+$0x1200]  }
0x169: {  	v6 =	vld [tilespmem:s12+$0xA10];
	[tilespmem:s11+$0x2250] =	vst v3;
	v1 =	vadd.f32 v5, v1  }
0x16a: {  	v3 =	vld [tilespmem:s12+$0x1210]  }
0x16b: {  	v5 =	vld [tilespmem:s12+$0xA20];
	v2 =	vadd.f32 v7, v2;
	[tilespmem:s11+$0x2260] =	vst v1;
	s11 =	smov.u32 s12  }
0x16c: {  	v1 =	vld [tilespmem:s11+$0x1220]  }
0x16d: {  	v4 =	vadd.f32 v4, v8;
	v7 =	vld [tilespmem:s11+$0xA30];
	[tilespmem:s11+$0x2270] =	vst v2  }
0x16e: {  	v2 =	vld [tilespmem:s11+$0x1230]  }
0x16f: {  	[tilespmem:s11+$0x2200] =	vst v4;
	v3 =	vadd.f32 v3, v6;
	v6 =	vld [tilespmem:s11+$0xA40]  }
0x170: {  	v8 =	vld [tilespmem:s11+$0x1240]  }
.Ltmp9:
0x171: {  	[tilespmem:s11+$0x2210] =	vst v3;
	v1 =	vadd.f32 v1, v5;
	v3 =	vld [tilespmem:s11+$0xA50];
	(pc) =	sbr.rel @p3 .LBB2_7-.Ltmp9, $4  }
0x172: {  	v4 =	vld [tilespmem:s11+$0x1250]  }
0x173: {  	[tilespmem:s11+$0x2220] =	vst v1;
	v7 =	vadd.f32 v2, v7;
	v1 =	vld [tilespmem:s11+$0xA60]  }
0x174: {  	s12 =	sshra.s32 s13, $0x2;
	v5 =	vld [tilespmem:s11+$0x1260]  }
0x175: {  	s13 =	sadd.s32 $0x200, s13;
	v2 =	vld [tilespmem:s12+$0xA70];
	[tilespmem:s11+$0x2230] =	vst v7;
	v6 =	vadd.f32 v8, v6  }
0x176: {  	v7 =	vld [tilespmem:s12+$0x1270]  }
0x177: {  	v8 =	vld [tilespmem:s12+$0xA00];
	[tilespmem:s11+$0x2240] =	vst v6;
	v3 =	vadd.f32 v4, v3  }
0x178: {  	v57 =	vld [tilespmem:s12+$0x1200]  }
0x179: {  	v6 =	vld [tilespmem:s12+$0xA10];
	[tilespmem:s11+$0x2250] =	vst v3;
	v1 =	vadd.f32 v5, v1  }
0x17a: {  	v3 =	vld [tilespmem:s12+$0x1210]  }
0x17b: {  	v58 =	vld [tilespmem:s12+$0xA20];
	[tilespmem:s11+$0x2260] =	vst v1  }
0x17c: {  	v1 =	vadd.f32 v7, v2;
	v2 =	vld [tilespmem:s12+$0x1220]  }
0x17d: {  	v59 =	vld [tilespmem:s12+$0xA30]  }
0x17e: {  	v60 =	vld [tilespmem:s12+$0xA40]  }
0x17f: {  	v61 =	vld [tilespmem:s12+$0x1240]  }
0x180: {  	v62 =	vld [tilespmem:s12+$0x1250]  }
0x181: {  	[tilespmem:s12+$0x2270] =	vst v1;
	v1 =	vld [tilespmem:s12+$0x1230];
	v3 =	vadd.f32 v3, v6  }
0x182: {  	v63 =	vld [tilespmem:s12+$0x1260];
	v2 =	vadd.f32 v2, v58  }
0x183: {  	[tilespmem:s12+$0x2210] =	vst v3;
	v3 =	vld [tilespmem:s12+$0xA50]  }
0x184: {  	[tilespmem:s12+$0x2220] =	vst v2;
	v2 =	vld [tilespmem:s12+$0xA60]  }
0x185: {  	v4 =	vadd.f32 v57, v8  }
0x186: {  	v1 =	vadd.f32 v1, v59  }
0x187: {  	[tilespmem:s12+$0x2200] =	vst v4;
	v4 =	vadd.f32 v61, v60  }
0x188: {  	[tilespmem:s12+$0x2230] =	vst v1;
	v1 =	vadd.f32 v62, v3  }
0x189: {  	[tilespmem:s12+$0x2240] =	vst v4;
	v2 =	vadd.f32 v63, v2  }
0x18a: {  	[tilespmem:s12+$0x2250] =	vst v1  }
0x18b: {  	s13 =	rddreg [dreg:$0xa];
	[tilespmem:s12+$0x2260] =	vst v2  }
0x18c: {  	[hbm4b:s13+s4] =	stream.linear.scatter [tilespmem:s7], [sflag:$0x2], $0x800, $0x38;
	[tilespmem:$0x2A80] =	vst v63  }
0x18d: {  	s12 =	rddreg [dreg:$0xb]  }
0x18e: {  	[hbm4b:s12+s4] =	stream.linear.scatter [tilespmem:s8], [sflag:$0x2], $0x10, $0x38;
	[tilespmem:$0x2A80] =	vst v63  }
0x18f: {  	s13 =	rddreg [dreg:$0xc]  }
0x190: {  	[hbm4b:s13+s4] =	stream.linear.scatter [tilespmem:s9], [sflag:$0x2], $0x800, $0x38;
	[tilespmem:$0x2A80] =	vst v63  }
0x191: {  	_ =	swait.ge [sflag:s0], $0x800  }
0x192: {  	[sflag:s0] =	ssyncset.done $0x0  }
0x193: {  	[sflag:s0] =	ssyncadd.s32 $0xFFFFF800  }
0x194: {  	_ =	swait.ge [sflag:s0], $0x10  }
.Ltmp10:
0x195: {  	[sflag:s0] =	ssyncset.done $0x0;
	(pc) =	sbr.rel .LBB2_16-.Ltmp10, $4  }
0x196: {  	[sflag:s0] =	ssyncadd.s32 $0xFFFFFFF0  }
0x197: {  	_ =	swait.ge [sflag:s0], $0x800  }
0x198: {  	[sflag:s0] =	ssyncset.done $0x0  }
0x199: {  	[sflag:s0] =	ssyncadd.s32 $0xFFFFF800  }
.LBB2_13:
0x19a: {  	[tilespmem:s29], [sflag:$0x2] =	stream.linear.gather [hbm4b:s17+s11], $0x10, $0x38;
	[tilespmem:$0x2A80] =	vst v63  }
0x19b: {  	_ = 	snop  }
0x19c: {  	[tilespmem:s30], [sflag:$0x2] =	stream.linear.gather [hbm4b:s18+s11], $0x10, $0x38;
	[tilespmem:$0x2A80] =	vst v63  }
0x19d: {  	_ = 	snop  }
0x19e: {  	[tilespmem:s31], [sflag:$0x2] =	stream.linear.gather [hbm4b:s19+s11], $0x10, $0x38;
	[tilespmem:$0x2A80] =	vst v63  }
0x19f: {  	_ =	swait.ge [sflag:s0], $0x10  }
0x1a0: {  	[sflag:s0] =	ssyncset.done $0x0  }
0x1a1: {  	[sflag:s0] =	ssyncadd.s32 $0xFFFFFFF0  }
0x1a2: {  	_ =	swait.ge [sflag:s0], $0x10  }
0x1a3: {  	[sflag:s0] =	ssyncset.done $0x0  }
0x1a4: {  	[sflag:s0] =	ssyncadd.s32 $0xFFFFFFF0  }
0x1a5: {  	_ =	swait.ge [sflag:s0], $0x10  }
0x1a6: {  	[sflag:s0] =	ssyncset.done $0x0  }
0x1a7: {  	[sflag:s0] =	ssyncadd.s32 $0xFFFFFFF0  }
0x1a8: {  	[tilespmem:s3], [sflag:$0x1] =	stream.indirect.gather [hbm4b:s1+s2], $0x80, s29, s2, $0xb8;
	[tilespmem:$0x2A80] =	vst v63  }
0x1a9: {  	_ = 	snop  }
0x1aa: {  	[tilespmem:s5], [sflag:$0x1] =	stream.indirect.gather [hbm4b:s1+s2], $0x80, s30, s2, $0xb8;
	[tilespmem:$0x2A80] =	vst v63  }
0x1ab: {  	s13 =	simm.s32 $0x1A00  }
0x1ac: {  	[tilespmem:s13], [sflag:$0x1] =	stream.indirect.gather [hbm4b:s1+s2], $0x80, s31, s2, $0xb8;
	[tilespmem:$0x2A80] =	vst v63  }
0x1ad: {  	v1 =	vld [tilespmem:$0x880]  }
0x1ae: {  	v2 =	vld [tilespmem:$0x900];
	_ =	sdelay $0x1  }
0x1af: {  	v3 =	vld [tilespmem:$0x980];
	_ =	sdelay $0x2  }
0x1b0: {  	vm0 =	vgt.s32 v1, $0x55C;
	vm1 =	vgt.s32 v2, $0x55C  }
0x1b1: {  	v1 =	vsel vm0, $0x3F800000, v0;
	v2 =	vsel vm1, $0x3F800000, v0  }
0x1b2: {  	vm15 =	vgt.s32 v3, $0x55C;
	v1 =	vadd.f32 v2, v1  }
0x1b3: {  	v2 =	vsel vm15, $0x3F800000, v0  }
0x1b4: {  	v1 =	vadd.f32 v2, v1;
	_ =	sdelay $0x1  }
0x1b5: {  	[tilespmem:$0x2A00] =	vst v1  }
0x1b6: {  	_ =	swait.ge [sflag:s6], $0x800  }
0x1b7: {  	[sflag:s6] =	ssyncset.done $0x0  }
0x1b8: {  	[sflag:s6] =	ssyncadd.s32 $0xFFFFF800  }
0x1b9: {  	_ =	swait.ge [sflag:s6], $0x800  }
0x1ba: {  	[sflag:s6] =	ssyncset.done $0x0  }
0x1bb: {  	[sflag:s6] =	ssyncadd.s32 $0xFFFFF800  }
0x1bc: {  	_ =	swait.ge [sflag:s6], $0x800  }
0x1bd: {  	[sflag:s6] =	ssyncset.done $0x0  }
0x1be: {  	s11 =	simm.s32 $0x0;
	[sflag:s6] =	ssyncadd.s32 $0xFFFFF800  }
0x1bf: {  	v1 =	vld [tilespmem:s11+$0xA70]  }
0x1c0: {  	v2 =	vld [tilespmem:s11+$0x1270]  }
0x1c1: {  	v3 =	vld [tilespmem:s11+$0xA00]  }
0x1c2: {  	v4 =	vld [tilespmem:s11+$0x1A70]  }
0x1c3: {  	v5 =	vld [tilespmem:s11+$0x1200]  }
0x1c4: {  	v6 =	vld [tilespmem:s11+$0xA10]  }
0x1c5: {  	v7 =	vld [tilespmem:s11+$0x1210]  }
0x1c6: {  	v8 =	vld [tilespmem:s11+$0x1220]  }
0x1c7: {  	v10 =	vld [tilespmem:s11+$0x1230]  }
0x1c8: {  	v11 =	vld [tilespmem:s11+$0xA40]  }
0x1c9: {  	v12 =	vld [tilespmem:s11+$0x1240]  }
0x1ca: {  	v13 =	vld [tilespmem:s11+$0xA50]  }
0x1cb: {  	v14 =	vld [tilespmem:s11+$0x1250]  }
0x1cc: {  	v15 =	vld [tilespmem:s11+$0xA60]  }
0x1cd: {  	v16 =	vld [tilespmem:s11+$0x1260]  }
0x1ce: {  	v17 =	vld [tilespmem:s11+$0x1A00]  }
0x1cf: {  	v1 =	vadd.f32 v2, v1;
	v2 =	vld [tilespmem:s11+$0xA20]  }
0x1d0: {  	v18 =	vld [tilespmem:s11+$0x1A10]  }
0x1d1: {  	v1 =	vadd.f32 v4, v1;
	v4 =	vld [tilespmem:s11+$0xA30]  }
0x1d2: {  	v19 =	vld [tilespmem:s11+$0x1A20]  }
0x1d3: {  	v9 =	vld [tilespmem:s11+$0x1A30];
	v3 =	vadd.f32 v5, v3;
	v20 =	vadd.f32 v7, v6  }
0x1d4: {  	v6 =	vld [tilespmem:s11+$0x1A40];
	v5 =	vadd.f32 v14, v13;
	v21 =	vadd.f32 v8, v2  }
0x1d5: {  	v7 =	vld [tilespmem:s11+$0x1A50];
	v2 =	vadd.f32 v12, v11;
	v11 =	vadd.f32 v17, v3  }
0x1d6: {  	s12 =	simm.s32 $0x80;
	[tilespmem:s11+$0x2270] =	vst v1;
	v8 =	vld [tilespmem:s11+$0x1A60];
	v1 =	vadd.f32 v10, v4;
	v10 =	vadd.f32 v18, v20  }
0x1d7: {  	s13 =	simm.s32 $0x400;
	v3 =	vadd.f32 v16, v15;
	v4 =	vld [tilespmem:s12+$0xA70];
	[tilespmem:s11+$0x2200] =	vst v11;
	v11 =	vadd.f32 v19, v21  }
.LBB2_14:
0x1d8: {  	p3 =	sne.s32 s13, $0x1E00;
	v12 =	vld [tilespmem:s12+$0x1270];
	[tilespmem:s11+$0x2210] =	vst v10;
	v1 =	vadd.f32 v9, v1  }
0x1d9: {  	v2 =	vadd.f32 v6, v2;
	v9 =	vld [tilespmem:s12+$0xA00];
	[tilespmem:s11+$0x2220] =	vst v11  }
0x1da: {  	v6 =	vld [tilespmem:s12+$0x1A70];
	[tilespmem:s11+$0x2230] =	vst v1;
	v1 =	vadd.f32 v7, v5  }
0x1db: {  	v5 =	vld [tilespmem:s12+$0x1200];
	[tilespmem:s11+$0x2240] =	vst v2;
	v2 =	vadd.f32 v8, v3  }
0x1dc: {  	v3 =	vld [tilespmem:s12+$0xA10];
	[tilespmem:s11+$0x2250] =	vst v1  }
0x1dd: {  	v1 =	vld [tilespmem:s12+$0x1210];
	v4 =	vadd.f32 v12, v4;
	[tilespmem:s11+$0x2260] =	vst v2;
	s11 =	smov.u32 s12  }
0x1de: {  	v2 =	vld [tilespmem:s11+$0xA20]  }
0x1df: {  	v7 =	vld [tilespmem:s11+$0x1220];
	v4 =	vadd.f32 v6, v4  }
0x1e0: {  	v8 =	vadd.f32 v5, v9;
	v5 =	vld [tilespmem:s11+$0xA30]  }
0x1e1: {  	v6 =	vld [tilespmem:s11+$0x1230];
	[tilespmem:s11+$0x2270] =	vst v4  }
0x1e2: {  	v4 =	vadd.f32 v1, v3;
	v3 =	vld [tilespmem:s11+$0xA40]  }
0x1e3: {  	v9 =	vld [tilespmem:s11+$0x1240]  }
0x1e4: {  	v11 =	vadd.f32 v7, v2;
	v7 =	vld [tilespmem:s11+$0xA50]  }
0x1e5: {  	v10 =	vld [tilespmem:s11+$0x1250]  }
0x1e6: {  	v1 =	vadd.f32 v6, v5;
	v12 =	vld [tilespmem:s11+$0xA60]  }
0x1e7: {  	v13 =	vld [tilespmem:s11+$0x1260]  }
0x1e8: {  	v14 =	vld [tilespmem:s11+$0x1A00];
	v2 =	vadd.f32 v9, v3  }
0x1e9: {  	v15 =	vld [tilespmem:s11+$0x1A10]  }
0x1ea: {  	v16 =	vld [tilespmem:s11+$0x1A20];
	v5 =	vadd.f32 v10, v7  }
.Ltmp11:
0x1eb: {  	v9 =	vld [tilespmem:s11+$0x1A30];
	(pc) =	sbr.rel @p3 .LBB2_14-.Ltmp11, $4  }
0x1ec: {  	v6 =	vld [tilespmem:s11+$0x1A40];
	v3 =	vadd.f32 v13, v12  }
0x1ed: {  	v12 =	vadd.f32 v14, v8;
	v7 =	vld [tilespmem:s11+$0x1A50]  }
0x1ee: {  	s12 =	sshra.s32 s13, $0x2;
	v10 =	vadd.f32 v15, v4;
	v8 =	vld [tilespmem:s11+$0x1A60]  }
0x1ef: {  	s13 =	sadd.s32 $0x200, s13;
	v4 =	vld [tilespmem:s12+$0xA70];
	[tilespmem:s11+$0x2200] =	vst v12;
	v11 =	vadd.f32 v16, v11  }
.Ltmp12:
0x1f0: {  	_ = 	snop;
	(pc) =	sbr.rel .LBB2_15-.Ltmp12, $1  }
0x1f1: {  	_ =	sdelay $0x3  }
.LBB2_17:
0x1f2: {  	_ =	sfence.sel $0x180000  }
0x1f3: {  	[bflag:$0x0] =	sbarrier.arrive $0xFFFF  }
0x1f4: {  	_ =	strace $0x9000004A  }
0x1f5: {  	s0 =	stileid.u32;
	[bflag:$0x2] =	sbarrier.arrive $0xFFFF  }
0x1f6: {  	p0 =	sne.s32 s0, $0x0;
	s0 =	rddreg [dreg:$0x6]  }
0x1f7: {  	s0 =	sadd.s32 @!p0 $0x100000, s0  }
0x1f8: {  	[sflag:s0] =	ssyncadd.tile.s32 @!p0 $0x1;
	_ =	shalt  }
.Lfunc_end2:
_tile_overlayer_lowered:
.L_overlay_start_2:
0x1f9: {  	(tag) =	ssettag $0x2  }
0x1fa: {  	s0 =	rddreg [dreg:$0x0];
	s2 =	stileid.u32  }
0x1fb: {  	s1 =	rddreg [dreg:$0x1];
	p0 =	sne.s32 s2, $0x0  }
0x1fc: {  	s3 =	rddreg [dreg:$0x2];
	[bflag:$0x3] =	sbarrier.arrive $0xFFFF;
	s2 =	simm.s32 @!p0 $0x1C03  }
0x1fd: {  	[timem:s3], [sflag:s2] =	dma.local @!p0 [hbm:s0], s1  }
0x1fe: {  	s0 =	simm.s32 @!p0 $0x3  }
0x1ff: {  	_ =	swait.ge @!p0 [sflag:s0], s1  }
0x200: {  	s1 =	ssub.s32 @!p0 $0x0, s1;
	[sflag:s0] =	ssyncset.done @!p0 $0x0  }
0x201: {  	[sflag:s0] =	ssyncadd.s32 @!p0 s1  }
0x202: {  	[bflag:$0x3] =	sbarrier.arrive $0xFFFF  }
0x203: {  	_ =	shalt  }

</sc_bundles>
